<compile_context>
chip_gen: v7x
topology: tpu7x:2x2x1
jax: 0.10.2.dev20260603
libtpu: 0.0.44.dev20260713+nightly
codegen_flags: <defaults>
</compile_context>

<pallas_src>
import functools

import jax
import jax.numpy as jnp
from jax import lax
from jax.experimental import pallas as pl
from jax.experimental.pallas import tpu as pltpu
from jax.experimental.pallas import tpu_sc as plsc

N = 10000
CIN = 128
COUT = 128
HALF = COUT // 2
KV = 27
CENTER = 13
PAIRS = 12000
NOFF = KV - 1

NC = 2
NS = 16

SLICE_OFFS = (13, 13)
NSLICE = len(SLICE_OFFS)
CHUNK = 125

OUT_ROWS = 10112
ROWS_PER_TILE = OUT_ROWS // NS

GB = 1000
PB = 5120
PAIR = 5120
NPB = PAIR // PB
HROWS = 2 * PAIR


def _gemm_body(fa_ref, fb_ref, w_ref, o_ref):
    w = w_ref[0].astype(jnp.bfloat16)
    ra = jnp.dot(fa_ref[...].astype(jnp.bfloat16), w,
                 preferred_element_type=jnp.float32)
    rb = jnp.dot(fb_ref[...].astype(jnp.bfloat16), w,
                 preferred_element_type=jnp.float32)
    o_ref[0] = jnp.concatenate([ra[:, :HALF], rb[:, :HALF]], axis=1)
    o_ref[1] = jnp.concatenate([ra[:, HALF:], rb[:, HALF:]], axis=1)


def _precompute_offsets(feats, weights, base, soff):
    grid = (NPB, soff)

    def w_index(i, k):
        o = k + base
        return (jnp.where(o < CENTER, o, o + 1), 0, 0)

    return pl.pallas_call(
        _gemm_body,
        grid=grid,
        in_specs=[
            pl.BlockSpec((PB, CIN), lambda i, k: (i, 0)),
            pl.BlockSpec((PB, CIN), lambda i, k: (i + NPB, 0)),
            pl.BlockSpec((1, CIN, COUT), w_index),
        ],
        out_specs=pl.BlockSpec((2, PB, COUT), lambda i, k: (0, k * NPB + i, 0)),
        out_shape=jax.ShapeDtypeStruct((2, soff * PAIR, COUT), jnp.float32),
    )(feats, feats, weights)


def _sc_gather_scatter(p_half, gidx, sidx):
    NCHUNK = gidx.shape[1]
    mesh = plsc.VectorSubcoreMesh(core_axis_name="c", subcore_axis_name="s")

    @functools.partial(
        pl.kernel,
        out_type=jax.ShapeDtypeStruct((OUT_ROWS, COUT), jnp.float32),
        mesh=mesh,
        compiler_params=pltpu.CompilerParams(use_tc_tiling_on_sc=False),
        scratch_types=[
            pltpu.VMEM((NCHUNK, CHUNK), jnp.int32),
            pltpu.VMEM((NCHUNK, CHUNK), jnp.int32),
            pltpu.VMEM((4, CHUNK, HALF), jnp.float32),
            pltpu.VMEM_SHARED((OUT_ROWS, HALF), jnp.float32),
            pltpu.SemaphoreType.DMA,
            pltpu.SemaphoreType.DMA,
            pltpu.SemaphoreType.DMA,
            pltpu.SemaphoreType.DMA,
            pltpu.SemaphoreType.DMA,
            pltpu.SemaphoreType.DMA,
            pltpu.SemaphoreType.DMA,
            pltpu.SemaphoreType.DMA,
        ],
    )
    def body(p_hbm, gidx_hbm, sidx_hbm, part_hbm, gi_v, si_v, rows_v,
             acc_sh, g0, g1, g2, g3, s0, s1, s2, s3):
        cid = lax.axis_index("c")
        sid = lax.axis_index("s")

        gsems = (g0, g1, g2, g3)
        ssems = (s0, s1, s2, s3)

        pltpu.sync_copy(gidx_hbm.at[sid], gi_v)
        pltpu.sync_copy(sidx_hbm.at[sid], si_v)

        NB = 4
        for b in range(1, NB):
            pltpu.async_copy(p_hbm.at[cid].at[gi_v.at[b]], rows_v.at[b],
                             gsems[b])

        def zero_body(i, _):
            r = i // (HALF // 16)
            c = i % (HALF // 16)
            rows_v[0, r, pl.ds(c * 16, 16)] = jnp.zeros((16,), jnp.float32)
            return 0
        lax.fori_loop(0, CHUNK * (HALF // 16), zero_body, 0)

        base = sid * ROWS_PER_TILE
        nz = ROWS_PER_TILE // CHUNK
        for t in range(nz):
            pltpu.sync_copy(rows_v.at[0],
                            acc_sh.at[pl.ds(base + t * CHUNK, CHUNK)])
        rem = ROWS_PER_TILE - nz * CHUNK
        pltpu.sync_copy(rows_v.at[0, pl.ds(0, rem)],
                        acc_sh.at[pl.ds(base + nz * CHUNK, rem)])
        plsc.subcore_barrier()

        def start_g(j, buf):
            pltpu.async_copy(p_hbm.at[cid].at[gi_v.at[j]], rows_v.at[buf],
                             gsems[buf])

        def wait_g(buf):
            pltpu.make_async_copy(p_hbm.at[cid].at[gi_v.at[0]],
                                  rows_v.at[buf], gsems[buf]).wait()

        def start_s(j, buf):
            pltpu.async_copy(rows_v.at[buf], acc_sh.at[si_v.at[j]],
                             ssems[buf], add=True)

        def wait_s(buf):
            pltpu.make_async_copy(rows_v.at[buf], acc_sh.at[si_v.at[0]],
                                  ssems[buf]).wait()

        start_g(0, 0)

        def loop_body(i, _):
            j0 = i * NB
            for b in range(NB):
                wait_g(b)
                start_s(j0 + b, b)
            for b in range(NB):
                wait_s(b)

                @pl.when(j0 + b + NB < NCHUNK)
                def _():
                    start_g(j0 + b + NB, b)
            return 0

        lax.fori_loop(0, NCHUNK // NB, loop_body, 0)
        for b in range(NCHUNK - NB * (NCHUNK // NB)):
            j = NB * (NCHUNK // NB) + b
            wait_g(b)
            start_s(j, b)
        for b in range(NCHUNK - NB * (NCHUNK // NB)):
            wait_s(b)

        plsc.subcore_barrier()
        pltpu.sync_copy(acc_sh.at[pl.ds(base, ROWS_PER_TILE)],
                        part_hbm.at[pl.ds(base, ROWS_PER_TILE),
                                    pl.ds(cid * HALF, HALF)])

    return body(p_half, gidx, sidx)


def _finish_body(f_ref, w_ref, *p_refs):
    o_ref = p_refs[-1]
    res = jnp.dot(f_ref[...].astype(jnp.bfloat16),
                  w_ref[0].astype(jnp.bfloat16),
                  preferred_element_type=jnp.float32)
    for s in range(NSLICE):
        res = res + p_refs[s][...]
    o_ref[...] = res


def _finish(feats, weights, parts):
    grid = (N // GB,)
    part_specs = [pl.BlockSpec((GB, COUT), lambda i: (i, 0))
                  for _ in range(NSLICE)]
    return pl.pallas_call(
        _finish_body,
        grid=grid,
        in_specs=[
            pl.BlockSpec((GB, CIN), lambda i: (i, 0)),
            pl.BlockSpec((1, CIN, COUT), lambda i: (CENTER, 0, 0)),
        ] + part_specs,
        out_specs=pl.BlockSpec((GB, COUT), lambda i: (i, 0)),
        out_shape=jax.ShapeDtypeStruct((N, COUT), jnp.float32),
    )(feats, weights, *parts)


def kernel(feats, imap, omap, kernel):
    weights = kernel

    imap2 = jnp.where(imap < PAIR, 2 * imap, 2 * imap - (HROWS - 1))

    parts = []
    base = 0
    for soff in SLICE_OFFS:
        nchunk = soff * PAIRS // (NS * CHUNK)
        off = jnp.arange(soff, dtype=jnp.int32) * HROWS
        im = imap2[base:base + soff]
        om = omap[base:base + soff]
        gidx = (im + off[:, None]).reshape(NS, nchunk, CHUNK)
        sidx = om.reshape(NS, nchunk, CHUNK)
        q = _precompute_offsets(feats, weights, base, soff)
        p_flat = q.reshape(2, soff * HROWS, HALF)
        parts.append(_sc_gather_scatter(p_flat, gidx, sidx))
        base += soff
    return _finish(feats, weights, parts)

# --- scband reference (transcript-rebuilt; emitter-appended) ---
"""Pipeline reference for scband-conv3d-37048387895692 (READ-ONLY COPY).

The authoritative reference and input builder live on the scoring server;
editing this copy changes nothing except your own understanding.
"""

import jax, jax.numpy as jnp
import numpy as np

N = 10000
CIN = 128
COUT = 128
KSIZE = 3
KV = KSIZE ** 3  # 27
CENTER = KV // 2  # 13, the center offset handled as a direct matmul
PAIRS = 12000  # matched in/out pairs per off-center kernel offset


def setup_inputs(seed: int = 0) -> dict:
    key = jax.random.key(seed)
    k1, k2, k3, k4 = jax.random.split(key, 4)
    feats = jax.random.normal(k1, (N, CIN), dtype=jnp.float32)
    # imap/omap emulate the output of mapping_cuda: for each of the 26
    # off-center kernel offsets, a list of (input_row, output_row) pairs.
    imap = jax.random.randint(k2, (KV - 1, PAIRS), 0, N, dtype=jnp.int32)
    omap = jax.random.randint(k3, (KV - 1, PAIRS), 0, N, dtype=jnp.int32)
    # kernel parameter, initialized like reset_parameters: U(-stdv, stdv)
    n = COUT * KV
    stdv = 1.0 / np.sqrt(n)
    kernel = jax.random.uniform(k4, (KV, CIN, COUT), dtype=jnp.float32,
                                minval=-stdv, maxval=stdv)
    return {"feats": feats, "imap": imap, "omap": omap, "kernel": kernel}


def reference(feats, imap, omap, kernel):
    # Sparse 3D convolution via gather -> GEMM -> scatter-add.
    # Center kernel offset maps each voxel to itself (dense matmul).
    out = feats @ kernel[CENTER]
    off = 0
    for k in range(KV):
        if k == CENTER:
            continue
        gathered = jnp.take(feats, imap[off], axis=0)        # [PAIRS, CIN]
        partial = gathered @ kernel[k]                        # [PAIRS, COUT]
        out = out.at[omap[off]].add(partial)                  # scatter-add
        off += 1
    return out

if __name__ == "__main__":
    import jax
    _d = setup_inputs()
    print(jax.jit(kernel)(*tuple(_d.values())))

</pallas_src>

<mosaic_0001>
#map = affine_map<(d0, d1) -> (0, 0, 0)>
#map1 = affine_map<(d0, d1) -> (0, 0)>
module attributes {stable_mosaic.version = 14 : i64} {
  func.func @body(%arg0: i32, %arg1: i32, %arg2: memref<2x133120x64xf32, #tpu.memory_space<hbm>>, %arg3: memref<16x78x125xi32, #tpu.memory_space<hbm>>, %arg4: memref<16x78x125xi32, #tpu.memory_space<hbm>>, %arg5: memref<10112x128xf32, #tpu.memory_space<hbm>>, %arg6: memref<78x125xi32, #tpu.memory_space<vmem>>, %arg7: memref<78x125xi32, #tpu.memory_space<vmem>>, %arg8: memref<4x125x64xf32, #tpu.memory_space<vmem>>, %arg9: memref<10112x64xf32, #tpu.memory_space<vmem_shared>>, %arg10: memref<!tpu.dma_semaphore, #tpu.memory_space<semaphore_mem>>, %arg11: memref<!tpu.dma_semaphore, #tpu.memory_space<semaphore_mem>>, %arg12: memref<!tpu.dma_semaphore, #tpu.memory_space<semaphore_mem>>, %arg13: memref<!tpu.dma_semaphore, #tpu.memory_space<semaphore_mem>>, %arg14: memref<!tpu.dma_semaphore, #tpu.memory_space<semaphore_mem>>, %arg15: memref<!tpu.dma_semaphore, #tpu.memory_space<semaphore_mem>>, %arg16: memref<!tpu.dma_semaphore, #tpu.memory_space<semaphore_mem>>, %arg17: memref<!tpu.dma_semaphore, #tpu.memory_space<semaphore_mem>>) attributes {dimension_semantics = [#tpu.dimension_semantics<core_parallel>, #tpu.dimension_semantics<subcore_parallel>], iteration_bounds = array<i64: 2, 16>, scalar_prefetch = 0 : i64, scratch_operands = 12 : i64, tpu.core_type = #tpu.core_type<sc_vector_subcore>, window_params = [{transform_indices = #map}, {transform_indices = #map}, {transform_indices = #map}, {transform_indices = #map1}]} {
    "tpu.region"() ({
      %run_scoped3A_175 = tpu.sem_alloc : memref<!tpu.dma_semaphore, #tpu.memory_space<semaphore_mem>>
      %dma_start3A_176 = arith.constant 0 : i32
      %dma_start3A_177 = arith.constant 0 : i32
      %dma_start3A_178 = tpu.memref_slice %arg3[%arg1, %dma_start3A_176, %dma_start3A_177] : memref<16x78x125xi32, #tpu.memory_space<hbm>> -> memref<1x78x125xi32, #tpu.memory_space<hbm>>
      %dma_start3A_179 = tpu.memref_squeeze %dma_start3A_178 : memref<1x78x125xi32, #tpu.memory_space<hbm>> -> memref<78x125xi32, #tpu.memory_space<hbm>>
      %dma_start3A_180 = arith.constant 0 : i32
      %dma_start3A_181 = arith.constant 0 : i32
      %dma_start3A_182 = tpu.memref_slice %arg3[%arg1, %dma_start3A_180, %dma_start3A_181] : memref<16x78x125xi32, #tpu.memory_space<hbm>> -> memref<1x78x125xi32, #tpu.memory_space<hbm>>
      %dma_start3A_183 = tpu.memref_squeeze %dma_start3A_182 : memref<1x78x125xi32, #tpu.memory_space<hbm>> -> memref<78x125xi32, #tpu.memory_space<hbm>>
      tpu.enqueue_dma source(%dma_start3A_183 : memref<78x125xi32, #tpu.memory_space<hbm>>) target(%arg6 : memref<78x125xi32, #tpu.memory_space<vmem>>) target_semaphore(%run_scoped3A_175 : memref<!tpu.dma_semaphore, #tpu.memory_space<semaphore_mem>>)
      %dma_wait3A_184 = arith.constant 0 : i32
      %dma_wait3A_185 = arith.constant 0 : i32
      %dma_wait3A_186 = tpu.memref_slice %arg3[%arg1, %dma_wait3A_184, %dma_wait3A_185] : memref<16x78x125xi32, #tpu.memory_space<hbm>> -> memref<1x78x125xi32, #tpu.memory_space<hbm>>
      %dma_wait3A_187 = tpu.memref_squeeze %dma_wait3A_186 : memref<1x78x125xi32, #tpu.memory_space<hbm>> -> memref<78x125xi32, #tpu.memory_space<hbm>>
      %dma_wait3A_188 = arith.constant 0 : i32
      %dma_wait3A_189 = arith.constant 0 : i32
      %dma_wait3A_190 = tpu.memref_slice %arg3[%arg1, %dma_wait3A_188, %dma_wait3A_189] : memref<16x78x125xi32, #tpu.memory_space<hbm>> -> memref<1x78x125xi32, #tpu.memory_space<hbm>>
      %dma_wait3A_191 = tpu.memref_squeeze %dma_wait3A_190 : memref<1x78x125xi32, #tpu.memory_space<hbm>> -> memref<78x125xi32, #tpu.memory_space<hbm>>
      tpu.wait_dma2 semaphore(%run_scoped3A_175 : memref<!tpu.dma_semaphore, #tpu.memory_space<semaphore_mem>>) src(%dma_wait3A_191 : memref<78x125xi32, #tpu.memory_space<hbm>>) dst(%arg6 : memref<78x125xi32, #tpu.memory_space<vmem>>)
      tpu.yield
    }) : () -> ()
    "tpu.region"() ({
      %run_scoped3A_175 = tpu.sem_alloc : memref<!tpu.dma_semaphore, #tpu.memory_space<semaphore_mem>>
      %dma_start3A_176 = arith.constant 0 : i32
      %dma_start3A_177 = arith.constant 0 : i32
      %dma_start3A_178 = tpu.memref_slice %arg4[%arg1, %dma_start3A_176, %dma_start3A_177] : memref<16x78x125xi32, #tpu.memory_space<hbm>> -> memref<1x78x125xi32, #tpu.memory_space<hbm>>
      %dma_start3A_179 = tpu.memref_squeeze %dma_start3A_178 : memref<1x78x125xi32, #tpu.memory_space<hbm>> -> memref<78x125xi32, #tpu.memory_space<hbm>>
      %dma_start3A_180 = arith.constant 0 : i32
      %dma_start3A_181 = arith.constant 0 : i32
      %dma_start3A_182 = tpu.memref_slice %arg4[%arg1, %dma_start3A_180, %dma_start3A_181] : memref<16x78x125xi32, #tpu.memory_space<hbm>> -> memref<1x78x125xi32, #tpu.memory_space<hbm>>
      %dma_start3A_183 = tpu.memref_squeeze %dma_start3A_182 : memref<1x78x125xi32, #tpu.memory_space<hbm>> -> memref<78x125xi32, #tpu.memory_space<hbm>>
      tpu.enqueue_dma source(%dma_start3A_183 : memref<78x125xi32, #tpu.memory_space<hbm>>) target(%arg7 : memref<78x125xi32, #tpu.memory_space<vmem>>) target_semaphore(%run_scoped3A_175 : memref<!tpu.dma_semaphore, #tpu.memory_space<semaphore_mem>>)
      %dma_wait3A_184 = arith.constant 0 : i32
      %dma_wait3A_185 = arith.constant 0 : i32
      %dma_wait3A_186 = tpu.memref_slice %arg4[%arg1, %dma_wait3A_184, %dma_wait3A_185] : memref<16x78x125xi32, #tpu.memory_space<hbm>> -> memref<1x78x125xi32, #tpu.memory_space<hbm>>
      %dma_wait3A_187 = tpu.memref_squeeze %dma_wait3A_186 : memref<1x78x125xi32, #tpu.memory_space<hbm>> -> memref<78x125xi32, #tpu.memory_space<hbm>>
      %dma_wait3A_188 = arith.constant 0 : i32
      %dma_wait3A_189 = arith.constant 0 : i32
      %dma_wait3A_190 = tpu.memref_slice %arg4[%arg1, %dma_wait3A_188, %dma_wait3A_189] : memref<16x78x125xi32, #tpu.memory_space<hbm>> -> memref<1x78x125xi32, #tpu.memory_space<hbm>>
      %dma_wait3A_191 = tpu.memref_squeeze %dma_wait3A_190 : memref<1x78x125xi32, #tpu.memory_space<hbm>> -> memref<78x125xi32, #tpu.memory_space<hbm>>
      tpu.wait_dma2 semaphore(%run_scoped3A_175 : memref<!tpu.dma_semaphore, #tpu.memory_space<semaphore_mem>>) src(%dma_wait3A_191 : memref<78x125xi32, #tpu.memory_space<hbm>>) dst(%arg7 : memref<78x125xi32, #tpu.memory_space<vmem>>)
      tpu.yield
    }) : () -> ()
    %dma_start3A = arith.constant 1 : i32
    %dma_start3A_0 = arith.constant 1 : i32
    %dma_start3A_1 = arith.constant 0 : i32
    %dma_start3A_2 = arith.constant 0 : i32
    %dma_start3A_3 = tpu.memref_slice %arg8[%dma_start3A_0, %dma_start3A_1, %dma_start3A_2] : memref<4x125x64xf32, #tpu.memory_space<vmem>> -> memref<1x125x64xf32, #tpu.memory_space<vmem>>
    %dma_start3A_4 = tpu.memref_squeeze %dma_start3A_3 : memref<1x125x64xf32, #tpu.memory_space<vmem>> -> memref<125x64xf32, #tpu.memory_space<vmem>>
    %dma_start3A_5 = arith.constant 0 : i32
    %dma_start3A_6 = tpu.memref_slice %arg6[%dma_start3A, %dma_start3A_5] : memref<78x125xi32, #tpu.memory_space<vmem>> -> memref<1x125xi32, #tpu.memory_space<vmem>>
    %dma_start3A_7 = tpu.memref_squeeze %dma_start3A_6 : memref<1x125xi32, #tpu.memory_space<vmem>> -> memref<125xi32, #tpu.memory_space<vmem>>
    %dma_start3A_8 = arith.constant 0 : i32
    %dma_start3A_9 = arith.constant 0 : i32
    %dma_start3A_10 = tpu.memref_slice %arg2[%arg0, %dma_start3A_8, %dma_start3A_9] : memref<2x133120x64xf32, #tpu.memory_space<hbm>> -> memref<1x133120x64xf32, #tpu.memory_space<hbm>>
    %dma_start3A_11 = tpu.memref_squeeze %dma_start3A_10 : memref<1x133120x64xf32, #tpu.memory_space<hbm>> -> memref<133120x64xf32, #tpu.memory_space<hbm>>
    %dma_start3A_12 = arith.constant 0 : i32
    %dma_start3A_13 = arith.constant 0 : i32
    %dma_start3A_14 = tpu.memref_slice %dma_start3A_11[%dma_start3A_12, %dma_start3A_13] : memref<133120x64xf32, #tpu.memory_space<hbm>> -> memref<133120x64xf32, #tpu.memory_space<hbm>>
    tpu.enqueue_indirect_dma source(%dma_start3A_14 : memref<133120x64xf32, #tpu.memory_space<hbm>>) target(%dma_start3A_4 : memref<125x64xf32, #tpu.memory_space<vmem>>) offsets(%dma_start3A_7 : memref<125xi32, #tpu.memory_space<vmem>>) semaphore(%arg11 : memref<!tpu.dma_semaphore, #tpu.memory_space<semaphore_mem>>)
    %dma_start3A_15 = arith.constant 2 : i32
    %dma_start3A_16 = arith.constant 2 : i32
    %dma_start3A_17 = arith.constant 0 : i32
    %dma_start3A_18 = arith.constant 0 : i32
    %dma_start3A_19 = tpu.memref_slice %arg8[%dma_start3A_16, %dma_start3A_17, %dma_start3A_18] : memref<4x125x64xf32, #tpu.memory_space<vmem>> -> memref<1x125x64xf32, #tpu.memory_space<vmem>>
    %dma_start3A_20 = tpu.memref_squeeze %dma_start3A_19 : memref<1x125x64xf32, #tpu.memory_space<vmem>> -> memref<125x64xf32, #tpu.memory_space<vmem>>
    %dma_start3A_21 = arith.constant 0 : i32
    %dma_start3A_22 = tpu.memref_slice %arg6[%dma_start3A_15, %dma_start3A_21] : memref<78x125xi32, #tpu.memory_space<vmem>> -> memref<1x125xi32, #tpu.memory_space<vmem>>
    %dma_start3A_23 = tpu.memref_squeeze %dma_start3A_22 : memref<1x125xi32, #tpu.memory_space<vmem>> -> memref<125xi32, #tpu.memory_space<vmem>>
    %dma_start3A_24 = arith.constant 0 : i32
    %dma_start3A_25 = arith.constant 0 : i32
    %dma_start3A_26 = tpu.memref_slice %arg2[%arg0, %dma_start3A_24, %dma_start3A_25] : memref<2x133120x64xf32, #tpu.memory_space<hbm>> -> memref<1x133120x64xf32, #tpu.memory_space<hbm>>
    %dma_start3A_27 = tpu.memref_squeeze %dma_start3A_26 : memref<1x133120x64xf32, #tpu.memory_space<hbm>> -> memref<133120x64xf32, #tpu.memory_space<hbm>>
    %dma_start3A_28 = arith.constant 0 : i32
    %dma_start3A_29 = arith.constant 0 : i32
    %dma_start3A_30 = tpu.memref_slice %dma_start3A_27[%dma_start3A_28, %dma_start3A_29] : memref<133120x64xf32, #tpu.memory_space<hbm>> -> memref<133120x64xf32, #tpu.memory_space<hbm>>
    tpu.enqueue_indirect_dma source(%dma_start3A_30 : memref<133120x64xf32, #tpu.memory_space<hbm>>) target(%dma_start3A_20 : memref<125x64xf32, #tpu.memory_space<vmem>>) offsets(%dma_start3A_23 : memref<125xi32, #tpu.memory_space<vmem>>) semaphore(%arg12 : memref<!tpu.dma_semaphore, #tpu.memory_space<semaphore_mem>>)
    %dma_start3A_31 = arith.constant 3 : i32
    %dma_start3A_32 = arith.constant 3 : i32
    %dma_start3A_33 = arith.constant 0 : i32
    %dma_start3A_34 = arith.constant 0 : i32
    %dma_start3A_35 = tpu.memref_slice %arg8[%dma_start3A_32, %dma_start3A_33, %dma_start3A_34] : memref<4x125x64xf32, #tpu.memory_space<vmem>> -> memref<1x125x64xf32, #tpu.memory_space<vmem>>
    %dma_start3A_36 = tpu.memref_squeeze %dma_start3A_35 : memref<1x125x64xf32, #tpu.memory_space<vmem>> -> memref<125x64xf32, #tpu.memory_space<vmem>>
    %dma_start3A_37 = arith.constant 0 : i32
    %dma_start3A_38 = tpu.memref_slice %arg6[%dma_start3A_31, %dma_start3A_37] : memref<78x125xi32, #tpu.memory_space<vmem>> -> memref<1x125xi32, #tpu.memory_space<vmem>>
    %dma_start3A_39 = tpu.memref_squeeze %dma_start3A_38 : memref<1x125xi32, #tpu.memory_space<vmem>> -> memref<125xi32, #tpu.memory_space<vmem>>
    %dma_start3A_40 = arith.constant 0 : i32
    %dma_start3A_41 = arith.constant 0 : i32
    %dma_start3A_42 = tpu.memref_slice %arg2[%arg0, %dma_start3A_40, %dma_start3A_41] : memref<2x133120x64xf32, #tpu.memory_space<hbm>> -> memref<1x133120x64xf32, #tpu.memory_space<hbm>>
    %dma_start3A_43 = tpu.memref_squeeze %dma_start3A_42 : memref<1x133120x64xf32, #tpu.memory_space<hbm>> -> memref<133120x64xf32, #tpu.memory_space<hbm>>
    %dma_start3A_44 = arith.constant 0 : i32
    %dma_start3A_45 = arith.constant 0 : i32
    %dma_start3A_46 = tpu.memref_slice %dma_start3A_43[%dma_start3A_44, %dma_start3A_45] : memref<133120x64xf32, #tpu.memory_space<hbm>> -> memref<133120x64xf32, #tpu.memory_space<hbm>>
    tpu.enqueue_indirect_dma source(%dma_start3A_46 : memref<133120x64xf32, #tpu.memory_space<hbm>>) target(%dma_start3A_36 : memref<125x64xf32, #tpu.memory_space<vmem>>) offsets(%dma_start3A_39 : memref<125xi32, #tpu.memory_space<vmem>>) semaphore(%arg13 : memref<!tpu.dma_semaphore, #tpu.memory_space<semaphore_mem>>)
    %scan3A = arith.constant 0 : i32
    %scan3A_47 = arith.constant 0 : i32
    %scan3A_48 = arith.constant 500 : i32
    %scan3A_49 = arith.addi %scan3A_47, %scan3A_48 : i32
    %scan3A_50 = arith.constant 1 : i32
    %scan3A_51 = scf.for %scan3A_175 = %scan3A_47 to %scan3A_49 step %scan3A_50 iter_args(%scan3A_176 = %scan3A) -> (i32)  : i32 {
      %jit3A = arith.constant 4 : i32
      %div3A = arith.divsi %scan3A_175, %jit3A : i32
      %sign3A = arith.constant 0 : i32
      %sign3A_177 = arith.cmpi sgt, %scan3A_175, %sign3A : i32
      %sign3A_178 = arith.extui %sign3A_177 : i1 to i32
      %sign3A_179 = arith.constant 0 : i32
      %sign3A_180 = arith.cmpi slt, %scan3A_175, %sign3A_179 : i32
      %sign3A_181 = arith.extui %sign3A_180 : i1 to i32
      %sign3A_182 = arith.subi %sign3A_178, %sign3A_181 : i32
      %sign3A_183 = arith.constant 0 : i32
      %sign3A_184 = arith.cmpi sgt, %jit3A, %sign3A_183 : i32
      %sign3A_185 = arith.extui %sign3A_184 : i1 to i32
      %sign3A_186 = arith.constant 0 : i32
      %sign3A_187 = arith.cmpi slt, %jit3A, %sign3A_186 : i32
      %sign3A_188 = arith.extui %sign3A_187 : i1 to i32
      %sign3A_189 = arith.subi %sign3A_185, %sign3A_188 : i32
      %ne3A = arith.cmpi ne, %sign3A_182, %sign3A_189 : i32
      %rem3A = arith.remsi %scan3A_175, %jit3A : i32
      %ne3A_190 = arith.constant 0 : i32
      %ne3A_191 = arith.cmpi ne, %rem3A, %ne3A_190 : i32
      %and3A = arith.andi %ne3A, %ne3A_191 : i1
      %sub3A = arith.constant 1 : i32
      %sub3A_192 = arith.subi %div3A, %sub3A : i32
      %select_n3A = arith.select %and3A, %sub3A_192, %div3A : i32
      %jit3A_193 = arith.constant 4 : i32
      %eq3A = arith.constant 0 : i32
      %eq3A_194 = arith.cmpi eq, %jit3A_193, %eq3A : i32
      %jit3A_195 = arith.constant 1 : i32
      %select_n3A_196 = arith.select %eq3A_194, %jit3A_195, %jit3A_193 : i32
      %rem3A_197 = arith.remsi %scan3A_175, %select_n3A_196 : i32
      %ne3A_198 = arith.constant 0 : i32
      %ne3A_199 = arith.cmpi ne, %rem3A_197, %ne3A_198 : i32
      %lt3A = arith.constant 0 : i32
      %lt3A_200 = arith.cmpi slt, %rem3A_197, %lt3A : i32
      %lt3A_201 = arith.constant 0 : i32
      %lt3A_202 = arith.cmpi slt, %select_n3A_196, %lt3A_201 : i32
      %ne3A_203 = arith.xori %lt3A_200, %lt3A_202 : i1
      %and3A_204 = arith.andi %ne3A_203, %ne3A_199 : i1
      %add3A_205 = arith.addi %rem3A_197, %select_n3A_196 : i32
      %select_n3A_206 = arith.select %and3A_204, %add3A_205, %rem3A_197 : i32
      %broadcast_in_dim3A = arith.constant 0.000000e+00 : f32
      %broadcast_in_dim3A_207 = vector.broadcast %broadcast_in_dim3A : f32 to vector<16xf32>
      %mul3A_208 = arith.constant 16 : i32
      %mul3A_209 = arith.muli %select_n3A_206, %mul3A_208 : i32
      %swap3A = arith.constant 0 : i32
      %swap3A_210 = arith.index_cast %swap3A : i32 to index
      %swap3A_211 = arith.index_cast %select_n3A : i32 to index
      %swap3A_212 = arith.index_cast %mul3A_209 : i32 to index
      %swap3A_213 = tpu.vector_load %arg8[%swap3A_210, %swap3A_211, %swap3A_212] {strides = array<i32>} : memref<4x125x64xf32, #tpu.memory_space<vmem>>, vector<1x1x16xf32>,
      %swap3A_214 = vector.shape_cast %swap3A_213 : vector<1x1x16xf32> to vector<16xf32>
      %swap3A_215 = vector.shape_cast %broadcast_in_dim3A_207 : vector<16xf32> to vector<1x1x16xf32>
      tpu.vector_store %arg8[%swap3A_210, %swap3A_211, %swap3A_212], %swap3A_215 {strides = array<i32>} : memref<4x125x64xf32, #tpu.memory_space<vmem>>, vector<1x1x16xf32>,
      %scan3A_216 = arith.constant 0 : i32
      scf.yield %scan3A_216 : i32
    }
    %scan3A_52 = arith.constant 500 : i32
    %mul3A = arith.constant 632 : i32
    %mul3A_53 = arith.muli %arg1, %mul3A : i32
    %add3A = arith.constant 0 : i32
    %add3A_54 = arith.addi %mul3A_53, %add3A : i32
    %run_scoped3A = arith.constant 0 : i32
    "tpu.region"() ({
      %run_scoped3A_175 = tpu.sem_alloc : memref<!tpu.dma_semaphore, #tpu.memory_space<semaphore_mem>>
      %dma_start3A_176 = arith.constant 0 : i32
      %dma_start3A_177 = arith.constant 0 : i32
      %dma_start3A_178 = tpu.memref_slice %arg8[%run_scoped3A, %dma_start3A_176, %dma_start3A_177] : memref<4x125x64xf32, #tpu.memory_space<vmem>> -> memref<1x125x64xf32, #tpu.memory_space<vmem>>
      %dma_start3A_179 = tpu.memref_squeeze %dma_start3A_178 : memref<1x125x64xf32, #tpu.memory_space<vmem>> -> memref<125x64xf32, #tpu.memory_space<vmem>>
      %dma_start3A_180 = arith.constant 0 : i32
      %dma_start3A_181 = tpu.memref_slice %arg9[%add3A_54, %dma_start3A_180] : memref<10112x64xf32, #tpu.memory_space<vmem_shared>> -> memref<125x64xf32, #tpu.memory_space<vmem_shared>>
      %dma_start3A_182 = arith.constant 0 : i32
      %dma_start3A_183 = tpu.memref_slice %arg9[%add3A_54, %dma_start3A_182] : memref<10112x64xf32, #tpu.memory_space<vmem_shared>> -> memref<125x64xf32, #tpu.memory_space<vmem_shared>>
      %dma_start3A_184 = arith.constant 0 : i32
      %dma_start3A_185 = arith.constant 0 : i32
      %dma_start3A_186 = tpu.memref_slice %arg8[%run_scoped3A, %dma_start3A_184, %dma_start3A_185] : memref<4x125x64xf32, #tpu.memory_space<vmem>> -> memref<1x125x64xf32, #tpu.memory_space<vmem>>
      %dma_start3A_187 = tpu.memref_squeeze %dma_start3A_186 : memref<1x125x64xf32, #tpu.memory_space<vmem>> -> memref<125x64xf32, #tpu.memory_space<vmem>>
      tpu.enqueue_dma source(%dma_start3A_187 : memref<125x64xf32, #tpu.memory_space<vmem>>) target(%dma_start3A_183 : memref<125x64xf32, #tpu.memory_space<vmem_shared>>) target_semaphore(%run_scoped3A_175 : memref<!tpu.dma_semaphore, #tpu.memory_space<semaphore_mem>>)
      %dma_wait3A_188 = arith.constant 0 : i32
      %dma_wait3A_189 = arith.constant 0 : i32
      %dma_wait3A_190 = tpu.memref_slice %arg8[%run_scoped3A, %dma_wait3A_188, %dma_wait3A_189] : memref<4x125x64xf32, #tpu.memory_space<vmem>> -> memref<1x125x64xf32, #tpu.memory_space<vmem>>
      %dma_wait3A_191 = tpu.memref_squeeze %dma_wait3A_190 : memref<1x125x64xf32, #tpu.memory_space<vmem>> -> memref<125x64xf32, #tpu.memory_space<vmem>>
      %dma_wait3A_192 = arith.constant 0 : i32
      %dma_wait3A_193 = tpu.memref_slice %arg9[%add3A_54, %dma_wait3A_192] : memref<10112x64xf32, #tpu.memory_space<vmem_shared>> -> memref<125x64xf32, #tpu.memory_space<vmem_shared>>
      %dma_wait3A_194 = arith.constant 0 : i32
      %dma_wait3A_195 = tpu.memref_slice %arg9[%add3A_54, %dma_wait3A_194] : memref<10112x64xf32, #tpu.memory_space<vmem_shared>> -> memref<125x64xf32, #tpu.memory_space<vmem_shared>>
      %dma_wait3A_196 = arith.constant 0 : i32
      %dma_wait3A_197 = arith.constant 0 : i32
      %dma_wait3A_198 = tpu.memref_slice %arg8[%run_scoped3A, %dma_wait3A_196, %dma_wait3A_197] : memref<4x125x64xf32, #tpu.memory_space<vmem>> -> memref<1x125x64xf32, #tpu.memory_space<vmem>>
      %dma_wait3A_199 = tpu.memref_squeeze %dma_wait3A_198 : memref<1x125x64xf32, #tpu.memory_space<vmem>> -> memref<125x64xf32, #tpu.memory_space<vmem>>
      tpu.wait_dma2 semaphore(%run_scoped3A_175 : memref<!tpu.dma_semaphore, #tpu.memory_space<semaphore_mem>>) src(%dma_wait3A_199 : memref<125x64xf32, #tpu.memory_space<vmem>>) dst(%dma_wait3A_195 : memref<125x64xf32, #tpu.memory_space<vmem_shared>>)
      tpu.yield
    }) : () -> ()
    %add3A_55 = arith.constant 125 : i32
    %add3A_56 = arith.addi %mul3A_53, %add3A_55 : i32
    %run_scoped3A_57 = arith.constant 0 : i32
    "tpu.region"() ({
      %run_scoped3A_175 = tpu.sem_alloc : memref<!tpu.dma_semaphore, #tpu.memory_space<semaphore_mem>>
      %dma_start3A_176 = arith.constant 0 : i32
      %dma_start3A_177 = arith.constant 0 : i32
      %dma_start3A_178 = tpu.memref_slice %arg8[%run_scoped3A_57, %dma_start3A_176, %dma_start3A_177] : memref<4x125x64xf32, #tpu.memory_space<vmem>> -> memref<1x125x64xf32, #tpu.memory_space<vmem>>
      %dma_start3A_179 = tpu.memref_squeeze %dma_start3A_178 : memref<1x125x64xf32, #tpu.memory_space<vmem>> -> memref<125x64xf32, #tpu.memory_space<vmem>>
      %dma_start3A_180 = arith.constant 0 : i32
      %dma_start3A_181 = tpu.memref_slice %arg9[%add3A_56, %dma_start3A_180] : memref<10112x64xf32, #tpu.memory_space<vmem_shared>> -> memref<125x64xf32, #tpu.memory_space<vmem_shared>>
      %dma_start3A_182 = arith.constant 0 : i32
      %dma_start3A_183 = tpu.memref_slice %arg9[%add3A_56, %dma_start3A_182] : memref<10112x64xf32, #tpu.memory_space<vmem_shared>> -> memref<125x64xf32, #tpu.memory_space<vmem_shared>>
      %dma_start3A_184 = arith.constant 0 : i32
      %dma_start3A_185 = arith.constant 0 : i32
      %dma_start3A_186 = tpu.memref_slice %arg8[%run_scoped3A_57, %dma_start3A_184, %dma_start3A_185] : memref<4x125x64xf32, #tpu.memory_space<vmem>> -> memref<1x125x64xf32, #tpu.memory_space<vmem>>
      %dma_start3A_187 = tpu.memref_squeeze %dma_start3A_186 : memref<1x125x64xf32, #tpu.memory_space<vmem>> -> memref<125x64xf32, #tpu.memory_space<vmem>>
      tpu.enqueue_dma source(%dma_start3A_187 : memref<125x64xf32, #tpu.memory_space<vmem>>) target(%dma_start3A_183 : memref<125x64xf32, #tpu.memory_space<vmem_shared>>) target_semaphore(%run_scoped3A_175 : memref<!tpu.dma_semaphore, #tpu.memory_space<semaphore_mem>>)
      %dma_wait3A_188 = arith.constant 0 : i32
      %dma_wait3A_189 = arith.constant 0 : i32
      %dma_wait3A_190 = tpu.memref_slice %arg8[%run_scoped3A_57, %dma_wait3A_188, %dma_wait3A_189] : memref<4x125x64xf32, #tpu.memory_space<vmem>> -> memref<1x125x64xf32, #tpu.memory_space<vmem>>
      %dma_wait3A_191 = tpu.memref_squeeze %dma_wait3A_190 : memref<1x125x64xf32, #tpu.memory_space<vmem>> -> memref<125x64xf32, #tpu.memory_space<vmem>>
      %dma_wait3A_192 = arith.constant 0 : i32
      %dma_wait3A_193 = tpu.memref_slice %arg9[%add3A_56, %dma_wait3A_192] : memref<10112x64xf32, #tpu.memory_space<vmem_shared>> -> memref<125x64xf32, #tpu.memory_space<vmem_shared>>
      %dma_wait3A_194 = arith.constant 0 : i32
      %dma_wait3A_195 = tpu.memref_slice %arg9[%add3A_56, %dma_wait3A_194] : memref<10112x64xf32, #tpu.memory_space<vmem_shared>> -> memref<125x64xf32, #tpu.memory_space<vmem_shared>>
      %dma_wait3A_196 = arith.constant 0 : i32
      %dma_wait3A_197 = arith.constant 0 : i32
      %dma_wait3A_198 = tpu.memref_slice %arg8[%run_scoped3A_57, %dma_wait3A_196, %dma_wait3A_197] : memref<4x125x64xf32, #tpu.memory_space<vmem>> -> memref<1x125x64xf32, #tpu.memory_space<vmem>>
      %dma_wait3A_199 = tpu.memref_squeeze %dma_wait3A_198 : memref<1x125x64xf32, #tpu.memory_space<vmem>> -> memref<125x64xf32, #tpu.memory_space<vmem>>
      tpu.wait_dma2 semaphore(%run_scoped3A_175 : memref<!tpu.dma_semaphore, #tpu.memory_space<semaphore_mem>>) src(%dma_wait3A_199 : memref<125x64xf32, #tpu.memory_space<vmem>>) dst(%dma_wait3A_195 : memref<125x64xf32, #tpu.memory_space<vmem_shared>>)
      tpu.yield
    }) : () -> ()
    %add3A_58 = arith.constant 250 : i32
    %add3A_59 = arith.addi %mul3A_53, %add3A_58 : i32
    %run_scoped3A_60 = arith.constant 0 : i32
    "tpu.region"() ({
      %run_scoped3A_175 = tpu.sem_alloc : memref<!tpu.dma_semaphore, #tpu.memory_space<semaphore_mem>>
      %dma_start3A_176 = arith.constant 0 : i32
      %dma_start3A_177 = arith.constant 0 : i32
      %dma_start3A_178 = tpu.memref_slice %arg8[%run_scoped3A_60, %dma_start3A_176, %dma_start3A_177] : memref<4x125x64xf32, #tpu.memory_space<vmem>> -> memref<1x125x64xf32, #tpu.memory_space<vmem>>
      %dma_start3A_179 = tpu.memref_squeeze %dma_start3A_178 : memref<1x125x64xf32, #tpu.memory_space<vmem>> -> memref<125x64xf32, #tpu.memory_space<vmem>>
      %dma_start3A_180 = arith.constant 0 : i32
      %dma_start3A_181 = tpu.memref_slice %arg9[%add3A_59, %dma_start3A_180] : memref<10112x64xf32, #tpu.memory_space<vmem_shared>> -> memref<125x64xf32, #tpu.memory_space<vmem_shared>>
      %dma_start3A_182 = arith.constant 0 : i32
      %dma_start3A_183 = tpu.memref_slice %arg9[%add3A_59, %dma_start3A_182] : memref<10112x64xf32, #tpu.memory_space<vmem_shared>> -> memref<125x64xf32, #tpu.memory_space<vmem_shared>>
      %dma_start3A_184 = arith.constant 0 : i32
      %dma_start3A_185 = arith.constant 0 : i32
      %dma_start3A_186 = tpu.memref_slice %arg8[%run_scoped3A_60, %dma_start3A_184, %dma_start3A_185] : memref<4x125x64xf32, #tpu.memory_space<vmem>> -> memref<1x125x64xf32, #tpu.memory_space<vmem>>
      %dma_start3A_187 = tpu.memref_squeeze %dma_start3A_186 : memref<1x125x64xf32, #tpu.memory_space<vmem>> -> memref<125x64xf32, #tpu.memory_space<vmem>>
      tpu.enqueue_dma source(%dma_start3A_187 : memref<125x64xf32, #tpu.memory_space<vmem>>) target(%dma_start3A_183 : memref<125x64xf32, #tpu.memory_space<vmem_shared>>) target_semaphore(%run_scoped3A_175 : memref<!tpu.dma_semaphore, #tpu.memory_space<semaphore_mem>>)
      %dma_wait3A_188 = arith.constant 0 : i32
      %dma_wait3A_189 = arith.constant 0 : i32
      %dma_wait3A_190 = tpu.memref_slice %arg8[%run_scoped3A_60, %dma_wait3A_188, %dma_wait3A_189] : memref<4x125x64xf32, #tpu.memory_space<vmem>> -> memref<1x125x64xf32, #tpu.memory_space<vmem>>
      %dma_wait3A_191 = tpu.memref_squeeze %dma_wait3A_190 : memref<1x125x64xf32, #tpu.memory_space<vmem>> -> memref<125x64xf32, #tpu.memory_space<vmem>>
      %dma_wait3A_192 = arith.constant 0 : i32
      %dma_wait3A_193 = tpu.memref_slice %arg9[%add3A_59, %dma_wait3A_192] : memref<10112x64xf32, #tpu.memory_space<vmem_shared>> -> memref<125x64xf32, #tpu.memory_space<vmem_shared>>
      %dma_wait3A_194 = arith.constant 0 : i32
      %dma_wait3A_195 = tpu.memref_slice %arg9[%add3A_59, %dma_wait3A_194] : memref<10112x64xf32, #tpu.memory_space<vmem_shared>> -> memref<125x64xf32, #tpu.memory_space<vmem_shared>>
      %dma_wait3A_196 = arith.constant 0 : i32
      %dma_wait3A_197 = arith.constant 0 : i32
      %dma_wait3A_198 = tpu.memref_slice %arg8[%run_scoped3A_60, %dma_wait3A_196, %dma_wait3A_197] : memref<4x125x64xf32, #tpu.memory_space<vmem>> -> memref<1x125x64xf32, #tpu.memory_space<vmem>>
      %dma_wait3A_199 = tpu.memref_squeeze %dma_wait3A_198 : memref<1x125x64xf32, #tpu.memory_space<vmem>> -> memref<125x64xf32, #tpu.memory_space<vmem>>
      tpu.wait_dma2 semaphore(%run_scoped3A_175 : memref<!tpu.dma_semaphore, #tpu.memory_space<semaphore_mem>>) src(%dma_wait3A_199 : memref<125x64xf32, #tpu.memory_space<vmem>>) dst(%dma_wait3A_195 : memref<125x64xf32, #tpu.memory_space<vmem_shared>>)
      tpu.yield
    }) : () -> ()
    %add3A_61 = arith.constant 375 : i32
    %add3A_62 = arith.addi %mul3A_53, %add3A_61 : i32
    %run_scoped3A_63 = arith.constant 0 : i32
    "tpu.region"() ({
      %run_scoped3A_175 = tpu.sem_alloc : memref<!tpu.dma_semaphore, #tpu.memory_space<semaphore_mem>>
      %dma_start3A_176 = arith.constant 0 : i32
      %dma_start3A_177 = arith.constant 0 : i32
      %dma_start3A_178 = tpu.memref_slice %arg8[%run_scoped3A_63, %dma_start3A_176, %dma_start3A_177] : memref<4x125x64xf32, #tpu.memory_space<vmem>> -> memref<1x125x64xf32, #tpu.memory_space<vmem>>
      %dma_start3A_179 = tpu.memref_squeeze %dma_start3A_178 : memref<1x125x64xf32, #tpu.memory_space<vmem>> -> memref<125x64xf32, #tpu.memory_space<vmem>>
      %dma_start3A_180 = arith.constant 0 : i32
      %dma_start3A_181 = tpu.memref_slice %arg9[%add3A_62, %dma_start3A_180] : memref<10112x64xf32, #tpu.memory_space<vmem_shared>> -> memref<125x64xf32, #tpu.memory_space<vmem_shared>>
      %dma_start3A_182 = arith.constant 0 : i32
      %dma_start3A_183 = tpu.memref_slice %arg9[%add3A_62, %dma_start3A_182] : memref<10112x64xf32, #tpu.memory_space<vmem_shared>> -> memref<125x64xf32, #tpu.memory_space<vmem_shared>>
      %dma_start3A_184 = arith.constant 0 : i32
      %dma_start3A_185 = arith.constant 0 : i32
      %dma_start3A_186 = tpu.memref_slice %arg8[%run_scoped3A_63, %dma_start3A_184, %dma_start3A_185] : memref<4x125x64xf32, #tpu.memory_space<vmem>> -> memref<1x125x64xf32, #tpu.memory_space<vmem>>
      %dma_start3A_187 = tpu.memref_squeeze %dma_start3A_186 : memref<1x125x64xf32, #tpu.memory_space<vmem>> -> memref<125x64xf32, #tpu.memory_space<vmem>>
      tpu.enqueue_dma source(%dma_start3A_187 : memref<125x64xf32, #tpu.memory_space<vmem>>) target(%dma_start3A_183 : memref<125x64xf32, #tpu.memory_space<vmem_shared>>) target_semaphore(%run_scoped3A_175 : memref<!tpu.dma_semaphore, #tpu.memory_space<semaphore_mem>>)
      %dma_wait3A_188 = arith.constant 0 : i32
      %dma_wait3A_189 = arith.constant 0 : i32
      %dma_wait3A_190 = tpu.memref_slice %arg8[%run_scoped3A_63, %dma_wait3A_188, %dma_wait3A_189] : memref<4x125x64xf32, #tpu.memory_space<vmem>> -> memref<1x125x64xf32, #tpu.memory_space<vmem>>
      %dma_wait3A_191 = tpu.memref_squeeze %dma_wait3A_190 : memref<1x125x64xf32, #tpu.memory_space<vmem>> -> memref<125x64xf32, #tpu.memory_space<vmem>>
      %dma_wait3A_192 = arith.constant 0 : i32
      %dma_wait3A_193 = tpu.memref_slice %arg9[%add3A_62, %dma_wait3A_192] : memref<10112x64xf32, #tpu.memory_space<vmem_shared>> -> memref<125x64xf32, #tpu.memory_space<vmem_shared>>
      %dma_wait3A_194 = arith.constant 0 : i32
      %dma_wait3A_195 = tpu.memref_slice %arg9[%add3A_62, %dma_wait3A_194] : memref<10112x64xf32, #tpu.memory_space<vmem_shared>> -> memref<125x64xf32, #tpu.memory_space<vmem_shared>>
      %dma_wait3A_196 = arith.constant 0 : i32
      %dma_wait3A_197 = arith.constant 0 : i32
      %dma_wait3A_198 = tpu.memref_slice %arg8[%run_scoped3A_63, %dma_wait3A_196, %dma_wait3A_197] : memref<4x125x64xf32, #tpu.memory_space<vmem>> -> memref<1x125x64xf32, #tpu.memory_space<vmem>>
      %dma_wait3A_199 = tpu.memref_squeeze %dma_wait3A_198 : memref<1x125x64xf32, #tpu.memory_space<vmem>> -> memref<125x64xf32, #tpu.memory_space<vmem>>
      tpu.wait_dma2 semaphore(%run_scoped3A_175 : memref<!tpu.dma_semaphore, #tpu.memory_space<semaphore_mem>>) src(%dma_wait3A_199 : memref<125x64xf32, #tpu.memory_space<vmem>>) dst(%dma_wait3A_195 : memref<125x64xf32, #tpu.memory_space<vmem_shared>>)
      tpu.yield
    }) : () -> ()
    %add3A_64 = arith.constant 500 : i32
    %add3A_65 = arith.addi %mul3A_53, %add3A_64 : i32
    %run_scoped3A_66 = arith.constant 0 : i32
    "tpu.region"() ({
      %run_scoped3A_175 = tpu.sem_alloc : memref<!tpu.dma_semaphore, #tpu.memory_space<semaphore_mem>>
      %dma_start3A_176 = arith.constant 0 : i32
      %dma_start3A_177 = arith.constant 0 : i32
      %dma_start3A_178 = tpu.memref_slice %arg8[%run_scoped3A_66, %dma_start3A_176, %dma_start3A_177] : memref<4x125x64xf32, #tpu.memory_space<vmem>> -> memref<1x125x64xf32, #tpu.memory_space<vmem>>
      %dma_start3A_179 = tpu.memref_squeeze %dma_start3A_178 : memref<1x125x64xf32, #tpu.memory_space<vmem>> -> memref<125x64xf32, #tpu.memory_space<vmem>>
      %dma_start3A_180 = arith.constant 0 : i32
      %dma_start3A_181 = tpu.memref_slice %arg9[%add3A_65, %dma_start3A_180] : memref<10112x64xf32, #tpu.memory_space<vmem_shared>> -> memref<125x64xf32, #tpu.memory_space<vmem_shared>>
      %dma_start3A_182 = arith.constant 0 : i32
      %dma_start3A_183 = tpu.memref_slice %arg9[%add3A_65, %dma_start3A_182] : memref<10112x64xf32, #tpu.memory_space<vmem_shared>> -> memref<125x64xf32, #tpu.memory_space<vmem_shared>>
      %dma_start3A_184 = arith.constant 0 : i32
      %dma_start3A_185 = arith.constant 0 : i32
      %dma_start3A_186 = tpu.memref_slice %arg8[%run_scoped3A_66, %dma_start3A_184, %dma_start3A_185] : memref<4x125x64xf32, #tpu.memory_space<vmem>> -> memref<1x125x64xf32, #tpu.memory_space<vmem>>
      %dma_start3A_187 = tpu.memref_squeeze %dma_start3A_186 : memref<1x125x64xf32, #tpu.memory_space<vmem>> -> memref<125x64xf32, #tpu.memory_space<vmem>>
      tpu.enqueue_dma source(%dma_start3A_187 : memref<125x64xf32, #tpu.memory_space<vmem>>) target(%dma_start3A_183 : memref<125x64xf32, #tpu.memory_space<vmem_shared>>) target_semaphore(%run_scoped3A_175 : memref<!tpu.dma_semaphore, #tpu.memory_space<semaphore_mem>>)
      %dma_wait3A_188 = arith.constant 0 : i32
      %dma_wait3A_189 = arith.constant 0 : i32
      %dma_wait3A_190 = tpu.memref_slice %arg8[%run_scoped3A_66, %dma_wait3A_188, %dma_wait3A_189] : memref<4x125x64xf32, #tpu.memory_space<vmem>> -> memref<1x125x64xf32, #tpu.memory_space<vmem>>
      %dma_wait3A_191 = tpu.memref_squeeze %dma_wait3A_190 : memref<1x125x64xf32, #tpu.memory_space<vmem>> -> memref<125x64xf32, #tpu.memory_space<vmem>>
      %dma_wait3A_192 = arith.constant 0 : i32
      %dma_wait3A_193 = tpu.memref_slice %arg9[%add3A_65, %dma_wait3A_192] : memref<10112x64xf32, #tpu.memory_space<vmem_shared>> -> memref<125x64xf32, #tpu.memory_space<vmem_shared>>
      %dma_wait3A_194 = arith.constant 0 : i32
      %dma_wait3A_195 = tpu.memref_slice %arg9[%add3A_65, %dma_wait3A_194] : memref<10112x64xf32, #tpu.memory_space<vmem_shared>> -> memref<125x64xf32, #tpu.memory_space<vmem_shared>>
      %dma_wait3A_196 = arith.constant 0 : i32
      %dma_wait3A_197 = arith.constant 0 : i32
      %dma_wait3A_198 = tpu.memref_slice %arg8[%run_scoped3A_66, %dma_wait3A_196, %dma_wait3A_197] : memref<4x125x64xf32, #tpu.memory_space<vmem>> -> memref<1x125x64xf32, #tpu.memory_space<vmem>>
      %dma_wait3A_199 = tpu.memref_squeeze %dma_wait3A_198 : memref<1x125x64xf32, #tpu.memory_space<vmem>> -> memref<125x64xf32, #tpu.memory_space<vmem>>
      tpu.wait_dma2 semaphore(%run_scoped3A_175 : memref<!tpu.dma_semaphore, #tpu.memory_space<semaphore_mem>>) src(%dma_wait3A_199 : memref<125x64xf32, #tpu.memory_space<vmem>>) dst(%dma_wait3A_195 : memref<125x64xf32, #tpu.memory_space<vmem_shared>>)
      tpu.yield
    }) : () -> ()
    %add3A_67 = arith.constant 625 : i32
    %add3A_68 = arith.addi %mul3A_53, %add3A_67 : i32
    %run_scoped3A_69 = arith.constant 0 : i32
    "tpu.region"() ({
      %run_scoped3A_175 = tpu.sem_alloc : memref<!tpu.dma_semaphore, #tpu.memory_space<semaphore_mem>>
      %dma_start3A_176 = arith.constant 0 : i32
      %dma_start3A_177 = arith.constant 0 : i32
      %dma_start3A_178 = tpu.memref_slice %arg8[%run_scoped3A_69, %dma_start3A_176, %dma_start3A_177] : memref<4x125x64xf32, #tpu.memory_space<vmem>> -> memref<1x7x64xf32, #tpu.memory_space<vmem>>
      %dma_start3A_179 = tpu.memref_squeeze %dma_start3A_178 : memref<1x7x64xf32, #tpu.memory_space<vmem>> -> memref<7x64xf32, #tpu.memory_space<vmem>>
      %dma_start3A_180 = arith.constant 0 : i32
      %dma_start3A_181 = tpu.memref_slice %arg9[%add3A_68, %dma_start3A_180] : memref<10112x64xf32, #tpu.memory_space<vmem_shared>> -> memref<7x64xf32, #tpu.memory_space<vmem_shared>>
      %dma_start3A_182 = arith.constant 0 : i32
      %dma_start3A_183 = tpu.memref_slice %arg9[%add3A_68, %dma_start3A_182] : memref<10112x64xf32, #tpu.memory_space<vmem_shared>> -> memref<7x64xf32, #tpu.memory_space<vmem_shared>>
      %dma_start3A_184 = arith.constant 0 : i32
      %dma_start3A_185 = arith.constant 0 : i32
      %dma_start3A_186 = tpu.memref_slice %arg8[%run_scoped3A_69, %dma_start3A_184, %dma_start3A_185] : memref<4x125x64xf32, #tpu.memory_space<vmem>> -> memref<1x7x64xf32, #tpu.memory_space<vmem>>
      %dma_start3A_187 = tpu.memref_squeeze %dma_start3A_186 : memref<1x7x64xf32, #tpu.memory_space<vmem>> -> memref<7x64xf32, #tpu.memory_space<vmem>>
      tpu.enqueue_dma source(%dma_start3A_187 : memref<7x64xf32, #tpu.memory_space<vmem>>) target(%dma_start3A_183 : memref<7x64xf32, #tpu.memory_space<vmem_shared>>) target_semaphore(%run_scoped3A_175 : memref<!tpu.dma_semaphore, #tpu.memory_space<semaphore_mem>>)
      %dma_wait3A_188 = arith.constant 0 : i32
      %dma_wait3A_189 = arith.constant 0 : i32
      %dma_wait3A_190 = tpu.memref_slice %arg8[%run_scoped3A_69, %dma_wait3A_188, %dma_wait3A_189] : memref<4x125x64xf32, #tpu.memory_space<vmem>> -> memref<1x7x64xf32, #tpu.memory_space<vmem>>
      %dma_wait3A_191 = tpu.memref_squeeze %dma_wait3A_190 : memref<1x7x64xf32, #tpu.memory_space<vmem>> -> memref<7x64xf32, #tpu.memory_space<vmem>>
      %dma_wait3A_192 = arith.constant 0 : i32
      %dma_wait3A_193 = tpu.memref_slice %arg9[%add3A_68, %dma_wait3A_192] : memref<10112x64xf32, #tpu.memory_space<vmem_shared>> -> memref<7x64xf32, #tpu.memory_space<vmem_shared>>
      %dma_wait3A_194 = arith.constant 0 : i32
      %dma_wait3A_195 = tpu.memref_slice %arg9[%add3A_68, %dma_wait3A_194] : memref<10112x64xf32, #tpu.memory_space<vmem_shared>> -> memref<7x64xf32, #tpu.memory_space<vmem_shared>>
      %dma_wait3A_196 = arith.constant 0 : i32
      %dma_wait3A_197 = arith.constant 0 : i32
      %dma_wait3A_198 = tpu.memref_slice %arg8[%run_scoped3A_69, %dma_wait3A_196, %dma_wait3A_197] : memref<4x125x64xf32, #tpu.memory_space<vmem>> -> memref<1x7x64xf32, #tpu.memory_space<vmem>>
      %dma_wait3A_199 = tpu.memref_squeeze %dma_wait3A_198 : memref<1x7x64xf32, #tpu.memory_space<vmem>> -> memref<7x64xf32, #tpu.memory_space<vmem>>
      tpu.wait_dma2 semaphore(%run_scoped3A_175 : memref<!tpu.dma_semaphore, #tpu.memory_space<semaphore_mem>>) src(%dma_wait3A_199 : memref<7x64xf32, #tpu.memory_space<vmem>>) dst(%dma_wait3A_195 : memref<7x64xf32, #tpu.memory_space<vmem_shared>>)
      tpu.yield
    }) : () -> ()
    %barrier3A = arith.constant 0 : index
    tpu.barrier barrier_id(%barrier3A)
    %dma_start3A_70 = arith.constant 0 : i32
    %dma_start3A_71 = arith.constant 0 : i32
    %dma_start3A_72 = arith.constant 0 : i32
    %dma_start3A_73 = arith.constant 0 : i32
    %dma_start3A_74 = tpu.memref_slice %arg8[%dma_start3A_71, %dma_start3A_72, %dma_start3A_73] : memref<4x125x64xf32, #tpu.memory_space<vmem>> -> memref<1x125x64xf32, #tpu.memory_space<vmem>>
    %dma_start3A_75 = tpu.memref_squeeze %dma_start3A_74 : memref<1x125x64xf32, #tpu.memory_space<vmem>> -> memref<125x64xf32, #tpu.memory_space<vmem>>
    %dma_start3A_76 = arith.constant 0 : i32
    %dma_start3A_77 = tpu.memref_slice %arg6[%dma_start3A_70, %dma_start3A_76] : memref<78x125xi32, #tpu.memory_space<vmem>> -> memref<1x125xi32, #tpu.memory_space<vmem>>
    %dma_start3A_78 = tpu.memref_squeeze %dma_start3A_77 : memref<1x125xi32, #tpu.memory_space<vmem>> -> memref<125xi32, #tpu.memory_space<vmem>>
    %dma_start3A_79 = arith.constant 0 : i32
    %dma_start3A_80 = arith.constant 0 : i32
    %dma_start3A_81 = tpu.memref_slice %arg2[%arg0, %dma_start3A_79, %dma_start3A_80] : memref<2x133120x64xf32, #tpu.memory_space<hbm>> -> memref<1x133120x64xf32, #tpu.memory_space<hbm>>
    %dma_start3A_82 = tpu.memref_squeeze %dma_start3A_81 : memref<1x133120x64xf32, #tpu.memory_space<hbm>> -> memref<133120x64xf32, #tpu.memory_space<hbm>>
    %dma_start3A_83 = arith.constant 0 : i32
    %dma_start3A_84 = arith.constant 0 : i32
    %dma_start3A_85 = tpu.memref_slice %dma_start3A_82[%dma_start3A_83, %dma_start3A_84] : memref<133120x64xf32, #tpu.memory_space<hbm>> -> memref<133120x64xf32, #tpu.memory_space<hbm>>
    tpu.enqueue_indirect_dma source(%dma_start3A_85 : memref<133120x64xf32, #tpu.memory_space<hbm>>) target(%dma_start3A_75 : memref<125x64xf32, #tpu.memory_space<vmem>>) offsets(%dma_start3A_78 : memref<125xi32, #tpu.memory_space<vmem>>) semaphore(%arg10 : memref<!tpu.dma_semaphore, #tpu.memory_space<semaphore_mem>>)
    %scan3A_86 = arith.constant 0 : i32
    %scan3A_87 = arith.constant 0 : i32
    %scan3A_88 = arith.constant 19 : i32
    %scan3A_89 = arith.addi %scan3A_87, %scan3A_88 : i32
    %scan3A_90 = arith.constant 1 : i32
    %scan3A_91 = scf.for %scan3A_175 = %scan3A_87 to %scan3A_89 step %scan3A_90 iter_args(%scan3A_176 = %scan3A_86) -> (i32)  : i32 {
      %mul3A_177 = arith.constant 4 : i32
      %mul3A_178 = arith.muli %scan3A_175, %mul3A_177 : i32
      %dma_wait3A_179 = arith.constant 0 : i32
      %dma_wait3A_180 = arith.constant 0 : i32
      %dma_wait3A_181 = arith.constant 0 : i32
      %dma_wait3A_182 = arith.constant 0 : i32
      %dma_wait3A_183 = tpu.memref_slice %arg8[%dma_wait3A_180, %dma_wait3A_181, %dma_wait3A_182] : memref<4x125x64xf32, #tpu.memory_space<vmem>> -> memref<1x125x64xf32, #tpu.memory_space<vmem>>
      %dma_wait3A_184 = tpu.memref_squeeze %dma_wait3A_183 : memref<1x125x64xf32, #tpu.memory_space<vmem>> -> memref<125x64xf32, #tpu.memory_space<vmem>>
      %dma_wait3A_185 = arith.constant 0 : i32
      %dma_wait3A_186 = tpu.memref_slice %arg6[%dma_wait3A_179, %dma_wait3A_185] : memref<78x125xi32, #tpu.memory_space<vmem>> -> memref<1x125xi32, #tpu.memory_space<vmem>>
      %dma_wait3A_187 = tpu.memref_squeeze %dma_wait3A_186 : memref<1x125xi32, #tpu.memory_space<vmem>> -> memref<125xi32, #tpu.memory_space<vmem>>
      %dma_wait3A_188 = arith.constant 0 : i32
      %dma_wait3A_189 = arith.constant 0 : i32
      %dma_wait3A_190 = tpu.memref_slice %arg2[%arg0, %dma_wait3A_188, %dma_wait3A_189] : memref<2x133120x64xf32, #tpu.memory_space<hbm>> -> memref<1x133120x64xf32, #tpu.memory_space<hbm>>
      %dma_wait3A_191 = tpu.memref_squeeze %dma_wait3A_190 : memref<1x133120x64xf32, #tpu.memory_space<hbm>> -> memref<133120x64xf32, #tpu.memory_space<hbm>>
      %dma_wait3A_192 = arith.constant 0 : i32
      %dma_wait3A_193 = arith.constant 0 : i32
      %dma_wait3A_194 = tpu.memref_slice %dma_wait3A_191[%dma_wait3A_192, %dma_wait3A_193] : memref<133120x64xf32, #tpu.memory_space<hbm>> -> memref<133120x64xf32, #tpu.memory_space<hbm>>
      tpu.wait_indirect_dma semaphore(%arg10 : memref<!tpu.dma_semaphore, #tpu.memory_space<semaphore_mem>>) src(%dma_wait3A_194 : memref<133120x64xf32, #tpu.memory_space<hbm>>) dst(%dma_wait3A_184 : memref<125x64xf32, #tpu.memory_space<vmem>>)
      %add3A_195 = arith.constant 0 : i32
      %add3A_196 = arith.addi %mul3A_178, %add3A_195 : i32
      %dma_start3A_197 = arith.constant 0 : i32
      %dma_start3A_198 = arith.constant 0 : i32
      %dma_start3A_199 = arith.constant 0 : i32
      %dma_start3A_200 = tpu.memref_slice %arg8[%dma_start3A_197, %dma_start3A_198, %dma_start3A_199] : memref<4x125x64xf32, #tpu.memory_space<vmem>> -> memref<1x125x64xf32, #tpu.memory_space<vmem>>
      %dma_start3A_201 = tpu.memref_squeeze %dma_start3A_200 : memref<1x125x64xf32, #tpu.memory_space<vmem>> -> memref<125x64xf32, #tpu.memory_space<vmem>>
      %dma_start3A_202 = arith.constant 0 : i32
      %dma_start3A_203 = tpu.memref_slice %arg7[%add3A_196, %dma_start3A_202] : memref<78x125xi32, #tpu.memory_space<vmem>> -> memref<1x125xi32, #tpu.memory_space<vmem>>
      %dma_start3A_204 = tpu.memref_squeeze %dma_start3A_203 : memref<1x125xi32, #tpu.memory_space<vmem>> -> memref<125xi32, #tpu.memory_space<vmem>>
      %dma_start3A_205 = arith.constant 0 : i32
      %dma_start3A_206 = arith.constant 0 : i32
      %dma_start3A_207 = tpu.memref_slice %arg9[%dma_start3A_205, %dma_start3A_206] : memref<10112x64xf32, #tpu.memory_space<vmem_shared>> -> memref<10112x64xf32, #tpu.memory_space<vmem_shared>>
      tpu.enqueue_indirect_dma source(%dma_start3A_201 : memref<125x64xf32, #tpu.memory_space<vmem>>) target(%dma_start3A_207 : memref<10112x64xf32, #tpu.memory_space<vmem_shared>>) offsets(%dma_start3A_204 : memref<125xi32, #tpu.memory_space<vmem>>) semaphore(%arg14 : memref<!tpu.dma_semaphore, #tpu.memory_space<semaphore_mem>>) {add = true}
      %dma_wait3A_208 = arith.constant 0 : i32
      %dma_wait3A_209 = arith.constant 1 : i32
      %dma_wait3A_210 = arith.constant 0 : i32
      %dma_wait3A_211 = arith.constant 0 : i32
      %dma_wait3A_212 = tpu.memref_slice %arg8[%dma_wait3A_209, %dma_wait3A_210, %dma_wait3A_211] : memref<4x125x64xf32, #tpu.memory_space<vmem>> -> memref<1x125x64xf32, #tpu.memory_space<vmem>>
      %dma_wait3A_213 = tpu.memref_squeeze %dma_wait3A_212 : memref<1x125x64xf32, #tpu.memory_space<vmem>> -> memref<125x64xf32, #tpu.memory_space<vmem>>
      %dma_wait3A_214 = arith.constant 0 : i32
      %dma_wait3A_215 = tpu.memref_slice %arg6[%dma_wait3A_208, %dma_wait3A_214] : memref<78x125xi32, #tpu.memory_space<vmem>> -> memref<1x125xi32, #tpu.memory_space<vmem>>
      %dma_wait3A_216 = tpu.memref_squeeze %dma_wait3A_215 : memref<1x125xi32, #tpu.memory_space<vmem>> -> memref<125xi32, #tpu.memory_space<vmem>>
      %dma_wait3A_217 = arith.constant 0 : i32
      %dma_wait3A_218 = arith.constant 0 : i32
      %dma_wait3A_219 = tpu.memref_slice %arg2[%arg0, %dma_wait3A_217, %dma_wait3A_218] : memref<2x133120x64xf32, #tpu.memory_space<hbm>> -> memref<1x133120x64xf32, #tpu.memory_space<hbm>>
      %dma_wait3A_220 = tpu.memref_squeeze %dma_wait3A_219 : memref<1x133120x64xf32, #tpu.memory_space<hbm>> -> memref<133120x64xf32, #tpu.memory_space<hbm>>
      %dma_wait3A_221 = arith.constant 0 : i32
      %dma_wait3A_222 = arith.constant 0 : i32
      %dma_wait3A_223 = tpu.memref_slice %dma_wait3A_220[%dma_wait3A_221, %dma_wait3A_222] : memref<133120x64xf32, #tpu.memory_space<hbm>> -> memref<133120x64xf32, #tpu.memory_space<hbm>>
      tpu.wait_indirect_dma semaphore(%arg11 : memref<!tpu.dma_semaphore, #tpu.memory_space<semaphore_mem>>) src(%dma_wait3A_223 : memref<133120x64xf32, #tpu.memory_space<hbm>>) dst(%dma_wait3A_213 : memref<125x64xf32, #tpu.memory_space<vmem>>)
      %add3A_224 = arith.constant 1 : i32
      %add3A_225 = arith.addi %mul3A_178, %add3A_224 : i32
      %dma_start3A_226 = arith.constant 1 : i32
      %dma_start3A_227 = arith.constant 0 : i32
      %dma_start3A_228 = arith.constant 0 : i32
      %dma_start3A_229 = tpu.memref_slice %arg8[%dma_start3A_226, %dma_start3A_227, %dma_start3A_228] : memref<4x125x64xf32, #tpu.memory_space<vmem>> -> memref<1x125x64xf32, #tpu.memory_space<vmem>>
      %dma_start3A_230 = tpu.memref_squeeze %dma_start3A_229 : memref<1x125x64xf32, #tpu.memory_space<vmem>> -> memref<125x64xf32, #tpu.memory_space<vmem>>
      %dma_start3A_231 = arith.constant 0 : i32
      %dma_start3A_232 = tpu.memref_slice %arg7[%add3A_225, %dma_start3A_231] : memref<78x125xi32, #tpu.memory_space<vmem>> -> memref<1x125xi32, #tpu.memory_space<vmem>>
      %dma_start3A_233 = tpu.memref_squeeze %dma_start3A_232 : memref<1x125xi32, #tpu.memory_space<vmem>> -> memref<125xi32, #tpu.memory_space<vmem>>
      %dma_start3A_234 = arith.constant 0 : i32
      %dma_start3A_235 = arith.constant 0 : i32
      %dma_start3A_236 = tpu.memref_slice %arg9[%dma_start3A_234, %dma_start3A_235] : memref<10112x64xf32, #tpu.memory_space<vmem_shared>> -> memref<10112x64xf32, #tpu.memory_space<vmem_shared>>
      tpu.enqueue_indirect_dma source(%dma_start3A_230 : memref<125x64xf32, #tpu.memory_space<vmem>>) target(%dma_start3A_236 : memref<10112x64xf32, #tpu.memory_space<vmem_shared>>) offsets(%dma_start3A_233 : memref<125xi32, #tpu.memory_space<vmem>>) semaphore(%arg15 : memref<!tpu.dma_semaphore, #tpu.memory_space<semaphore_mem>>) {add = true}
      %dma_wait3A_237 = arith.constant 0 : i32
      %dma_wait3A_238 = arith.constant 2 : i32
      %dma_wait3A_239 = arith.constant 0 : i32
      %dma_wait3A_240 = arith.constant 0 : i32
      %dma_wait3A_241 = tpu.memref_slice %arg8[%dma_wait3A_238, %dma_wait3A_239, %dma_wait3A_240] : memref<4x125x64xf32, #tpu.memory_space<vmem>> -> memref<1x125x64xf32, #tpu.memory_space<vmem>>
      %dma_wait3A_242 = tpu.memref_squeeze %dma_wait3A_241 : memref<1x125x64xf32, #tpu.memory_space<vmem>> -> memref<125x64xf32, #tpu.memory_space<vmem>>
      %dma_wait3A_243 = arith.constant 0 : i32
      %dma_wait3A_244 = tpu.memref_slice %arg6[%dma_wait3A_237, %dma_wait3A_243] : memref<78x125xi32, #tpu.memory_space<vmem>> -> memref<1x125xi32, #tpu.memory_space<vmem>>
      %dma_wait3A_245 = tpu.memref_squeeze %dma_wait3A_244 : memref<1x125xi32, #tpu.memory_space<vmem>> -> memref<125xi32, #tpu.memory_space<vmem>>
      %dma_wait3A_246 = arith.constant 0 : i32
      %dma_wait3A_247 = arith.constant 0 : i32
      %dma_wait3A_248 = tpu.memref_slice %arg2[%arg0, %dma_wait3A_246, %dma_wait3A_247] : memref<2x133120x64xf32, #tpu.memory_space<hbm>> -> memref<1x133120x64xf32, #tpu.memory_space<hbm>>
      %dma_wait3A_249 = tpu.memref_squeeze %dma_wait3A_248 : memref<1x133120x64xf32, #tpu.memory_space<hbm>> -> memref<133120x64xf32, #tpu.memory_space<hbm>>
      %dma_wait3A_250 = arith.constant 0 : i32
      %dma_wait3A_251 = arith.constant 0 : i32
      %dma_wait3A_252 = tpu.memref_slice %dma_wait3A_249[%dma_wait3A_250, %dma_wait3A_251] : memref<133120x64xf32, #tpu.memory_space<hbm>> -> memref<133120x64xf32, #tpu.memory_space<hbm>>
      tpu.wait_indirect_dma semaphore(%arg12 : memref<!tpu.dma_semaphore, #tpu.memory_space<semaphore_mem>>) src(%dma_wait3A_252 : memref<133120x64xf32, #tpu.memory_space<hbm>>) dst(%dma_wait3A_242 : memref<125x64xf32, #tpu.memory_space<vmem>>)
      %add3A_253 = arith.constant 2 : i32
      %add3A_254 = arith.addi %mul3A_178, %add3A_253 : i32
      %dma_start3A_255 = arith.constant 2 : i32
      %dma_start3A_256 = arith.constant 0 : i32
      %dma_start3A_257 = arith.constant 0 : i32
      %dma_start3A_258 = tpu.memref_slice %arg8[%dma_start3A_255, %dma_start3A_256, %dma_start3A_257] : memref<4x125x64xf32, #tpu.memory_space<vmem>> -> memref<1x125x64xf32, #tpu.memory_space<vmem>>
      %dma_start3A_259 = tpu.memref_squeeze %dma_start3A_258 : memref<1x125x64xf32, #tpu.memory_space<vmem>> -> memref<125x64xf32, #tpu.memory_space<vmem>>
      %dma_start3A_260 = arith.constant 0 : i32
      %dma_start3A_261 = tpu.memref_slice %arg7[%add3A_254, %dma_start3A_260] : memref<78x125xi32, #tpu.memory_space<vmem>> -> memref<1x125xi32, #tpu.memory_space<vmem>>
      %dma_start3A_262 = tpu.memref_squeeze %dma_start3A_261 : memref<1x125xi32, #tpu.memory_space<vmem>> -> memref<125xi32, #tpu.memory_space<vmem>>
      %dma_start3A_263 = arith.constant 0 : i32
      %dma_start3A_264 = arith.constant 0 : i32
      %dma_start3A_265 = tpu.memref_slice %arg9[%dma_start3A_263, %dma_start3A_264] : memref<10112x64xf32, #tpu.memory_space<vmem_shared>> -> memref<10112x64xf32, #tpu.memory_space<vmem_shared>>
      tpu.enqueue_indirect_dma source(%dma_start3A_259 : memref<125x64xf32, #tpu.memory_space<vmem>>) target(%dma_start3A_265 : memref<10112x64xf32, #tpu.memory_space<vmem_shared>>) offsets(%dma_start3A_262 : memref<125xi32, #tpu.memory_space<vmem>>) semaphore(%arg16 : memref<!tpu.dma_semaphore, #tpu.memory_space<semaphore_mem>>) {add = true}
      %dma_wait3A_266 = arith.constant 0 : i32
      %dma_wait3A_267 = arith.constant 3 : i32
      %dma_wait3A_268 = arith.constant 0 : i32
      %dma_wait3A_269 = arith.constant 0 : i32
      %dma_wait3A_270 = tpu.memref_slice %arg8[%dma_wait3A_267, %dma_wait3A_268, %dma_wait3A_269] : memref<4x125x64xf32, #tpu.memory_space<vmem>> -> memref<1x125x64xf32, #tpu.memory_space<vmem>>
      %dma_wait3A_271 = tpu.memref_squeeze %dma_wait3A_270 : memref<1x125x64xf32, #tpu.memory_space<vmem>> -> memref<125x64xf32, #tpu.memory_space<vmem>>
      %dma_wait3A_272 = arith.constant 0 : i32
      %dma_wait3A_273 = tpu.memref_slice %arg6[%dma_wait3A_266, %dma_wait3A_272] : memref<78x125xi32, #tpu.memory_space<vmem>> -> memref<1x125xi32, #tpu.memory_space<vmem>>
      %dma_wait3A_274 = tpu.memref_squeeze %dma_wait3A_273 : memref<1x125xi32, #tpu.memory_space<vmem>> -> memref<125xi32, #tpu.memory_space<vmem>>
      %dma_wait3A_275 = arith.constant 0 : i32
      %dma_wait3A_276 = arith.constant 0 : i32
      %dma_wait3A_277 = tpu.memref_slice %arg2[%arg0, %dma_wait3A_275, %dma_wait3A_276] : memref<2x133120x64xf32, #tpu.memory_space<hbm>> -> memref<1x133120x64xf32, #tpu.memory_space<hbm>>
      %dma_wait3A_278 = tpu.memref_squeeze %dma_wait3A_277 : memref<1x133120x64xf32, #tpu.memory_space<hbm>> -> memref<133120x64xf32, #tpu.memory_space<hbm>>
      %dma_wait3A_279 = arith.constant 0 : i32
      %dma_wait3A_280 = arith.constant 0 : i32
      %dma_wait3A_281 = tpu.memref_slice %dma_wait3A_278[%dma_wait3A_279, %dma_wait3A_280] : memref<133120x64xf32, #tpu.memory_space<hbm>> -> memref<133120x64xf32, #tpu.memory_space<hbm>>
      tpu.wait_indirect_dma semaphore(%arg13 : memref<!tpu.dma_semaphore, #tpu.memory_space<semaphore_mem>>) src(%dma_wait3A_281 : memref<133120x64xf32, #tpu.memory_space<hbm>>) dst(%dma_wait3A_271 : memref<125x64xf32, #tpu.memory_space<vmem>>)
      %add3A_282 = arith.constant 3 : i32
      %add3A_283 = arith.addi %mul3A_178, %add3A_282 : i32
      %dma_start3A_284 = arith.constant 3 : i32
      %dma_start3A_285 = arith.constant 0 : i32
      %dma_start3A_286 = arith.constant 0 : i32
      %dma_start3A_287 = tpu.memref_slice %arg8[%dma_start3A_284, %dma_start3A_285, %dma_start3A_286] : memref<4x125x64xf32, #tpu.memory_space<vmem>> -> memref<1x125x64xf32, #tpu.memory_space<vmem>>
      %dma_start3A_288 = tpu.memref_squeeze %dma_start3A_287 : memref<1x125x64xf32, #tpu.memory_space<vmem>> -> memref<125x64xf32, #tpu.memory_space<vmem>>
      %dma_start3A_289 = arith.constant 0 : i32
      %dma_start3A_290 = tpu.memref_slice %arg7[%add3A_283, %dma_start3A_289] : memref<78x125xi32, #tpu.memory_space<vmem>> -> memref<1x125xi32, #tpu.memory_space<vmem>>
      %dma_start3A_291 = tpu.memref_squeeze %dma_start3A_290 : memref<1x125xi32, #tpu.memory_space<vmem>> -> memref<125xi32, #tpu.memory_space<vmem>>
      %dma_start3A_292 = arith.constant 0 : i32
      %dma_start3A_293 = arith.constant 0 : i32
      %dma_start3A_294 = tpu.memref_slice %arg9[%dma_start3A_292, %dma_start3A_293] : memref<10112x64xf32, #tpu.memory_space<vmem_shared>> -> memref<10112x64xf32, #tpu.memory_space<vmem_shared>>
      tpu.enqueue_indirect_dma source(%dma_start3A_288 : memref<125x64xf32, #tpu.memory_space<vmem>>) target(%dma_start3A_294 : memref<10112x64xf32, #tpu.memory_space<vmem_shared>>) offsets(%dma_start3A_291 : memref<125xi32, #tpu.memory_space<vmem>>) semaphore(%arg17 : memref<!tpu.dma_semaphore, #tpu.memory_space<semaphore_mem>>) {add = true}
      %dma_wait3A_295 = arith.constant 0 : i32
      %dma_wait3A_296 = arith.constant 0 : i32
      %dma_wait3A_297 = arith.constant 0 : i32
      %dma_wait3A_298 = arith.constant 0 : i32
      %dma_wait3A_299 = tpu.memref_slice %arg8[%dma_wait3A_295, %dma_wait3A_297, %dma_wait3A_298] : memref<4x125x64xf32, #tpu.memory_space<vmem>> -> memref<1x125x64xf32, #tpu.memory_space<vmem>>
      %dma_wait3A_300 = tpu.memref_squeeze %dma_wait3A_299 : memref<1x125x64xf32, #tpu.memory_space<vmem>> -> memref<125x64xf32, #tpu.memory_space<vmem>>
      %dma_wait3A_301 = arith.constant 0 : i32
      %dma_wait3A_302 = tpu.memref_slice %arg7[%dma_wait3A_296, %dma_wait3A_301] : memref<78x125xi32, #tpu.memory_space<vmem>> -> memref<1x125xi32, #tpu.memory_space<vmem>>
      %dma_wait3A_303 = tpu.memref_squeeze %dma_wait3A_302 : memref<1x125xi32, #tpu.memory_space<vmem>> -> memref<125xi32, #tpu.memory_space<vmem>>
      %dma_wait3A_304 = arith.constant 0 : i32
      %dma_wait3A_305 = arith.constant 0 : i32
      %dma_wait3A_306 = tpu.memref_slice %arg9[%dma_wait3A_304, %dma_wait3A_305] : memref<10112x64xf32, #tpu.memory_space<vmem_shared>> -> memref<10112x64xf32, #tpu.memory_space<vmem_shared>>
      tpu.wait_indirect_dma semaphore(%arg14 : memref<!tpu.dma_semaphore, #tpu.memory_space<semaphore_mem>>) src(%dma_wait3A_300 : memref<125x64xf32, #tpu.memory_space<vmem>>) dst(%dma_wait3A_306 : memref<10112x64xf32, #tpu.memory_space<vmem_shared>>)
      %add3A_307 = arith.constant 0 : i32
      %add3A_308 = arith.addi %mul3A_178, %add3A_307 : i32
      %add3A_309 = arith.constant 4 : i32
      %add3A_310 = arith.addi %add3A_308, %add3A_309 : i32
      %lt3A = arith.constant 78 : i32
      %lt3A_311 = arith.cmpi slt, %add3A_310, %lt3A : i32
      %convert_element_type3A = arith.extui %lt3A_311 : i1 to i32
      %cond3A = arith.constant 0 : i32
      %cond3A_312 = arith.cmpi ne, %convert_element_type3A, %cond3A : i32
      scf.if %cond3A_312 {
        %add3A_377 = arith.constant 0 : i32
        %add3A_378 = arith.addi %mul3A_178, %add3A_377 : i32
        %add3A_379 = arith.constant 4 : i32
        %add3A_380 = arith.addi %add3A_378, %add3A_379 : i32
        %dma_start3A_381 = arith.constant 0 : i32
        %dma_start3A_382 = arith.constant 0 : i32
        %dma_start3A_383 = arith.constant 0 : i32
        %dma_start3A_384 = tpu.memref_slice %arg8[%dma_start3A_381, %dma_start3A_382, %dma_start3A_383] : memref<4x125x64xf32, #tpu.memory_space<vmem>> -> memref<1x125x64xf32, #tpu.memory_space<vmem>>
        %dma_start3A_385 = tpu.memref_squeeze %dma_start3A_384 : memref<1x125x64xf32, #tpu.memory_space<vmem>> -> memref<125x64xf32, #tpu.memory_space<vmem>>
        %dma_start3A_386 = arith.constant 0 : i32
        %dma_start3A_387 = tpu.memref_slice %arg6[%add3A_380, %dma_start3A_386] : memref<78x125xi32, #tpu.memory_space<vmem>> -> memref<1x125xi32, #tpu.memory_space<vmem>>
        %dma_start3A_388 = tpu.memref_squeeze %dma_start3A_387 : memref<1x125xi32, #tpu.memory_space<vmem>> -> memref<125xi32, #tpu.memory_space<vmem>>
        %dma_start3A_389 = arith.constant 0 : i32
        %dma_start3A_390 = arith.constant 0 : i32
        %dma_start3A_391 = tpu.memref_slice %arg2[%arg0, %dma_start3A_389, %dma_start3A_390] : memref<2x133120x64xf32, #tpu.memory_space<hbm>> -> memref<1x133120x64xf32, #tpu.memory_space<hbm>>
        %dma_start3A_392 = tpu.memref_squeeze %dma_start3A_391 : memref<1x133120x64xf32, #tpu.memory_space<hbm>> -> memref<133120x64xf32, #tpu.memory_space<hbm>>
        %dma_start3A_393 = arith.constant 0 : i32
        %dma_start3A_394 = arith.constant 0 : i32
        %dma_start3A_395 = tpu.memref_slice %dma_start3A_392[%dma_start3A_393, %dma_start3A_394] : memref<133120x64xf32, #tpu.memory_space<hbm>> -> memref<133120x64xf32, #tpu.memory_space<hbm>>
        tpu.enqueue_indirect_dma source(%dma_start3A_395 : memref<133120x64xf32, #tpu.memory_space<hbm>>) target(%dma_start3A_385 : memref<125x64xf32, #tpu.memory_space<vmem>>) offsets(%dma_start3A_388 : memref<125xi32, #tpu.memory_space<vmem>>) semaphore(%arg10 : memref<!tpu.dma_semaphore, #tpu.memory_space<semaphore_mem>>)
      } else {
      }
      %dma_wait3A_313 = arith.constant 1 : i32
      %dma_wait3A_314 = arith.constant 0 : i32
      %dma_wait3A_315 = arith.constant 0 : i32
      %dma_wait3A_316 = arith.constant 0 : i32
      %dma_wait3A_317 = tpu.memref_slice %arg8[%dma_wait3A_313, %dma_wait3A_315, %dma_wait3A_316] : memref<4x125x64xf32, #tpu.memory_space<vmem>> -> memref<1x125x64xf32, #tpu.memory_space<vmem>>
      %dma_wait3A_318 = tpu.memref_squeeze %dma_wait3A_317 : memref<1x125x64xf32, #tpu.memory_space<vmem>> -> memref<125x64xf32, #tpu.memory_space<vmem>>
      %dma_wait3A_319 = arith.constant 0 : i32
      %dma_wait3A_320 = tpu.memref_slice %arg7[%dma_wait3A_314, %dma_wait3A_319] : memref<78x125xi32, #tpu.memory_space<vmem>> -> memref<1x125xi32, #tpu.memory_space<vmem>>
      %dma_wait3A_321 = tpu.memref_squeeze %dma_wait3A_320 : memref<1x125xi32, #tpu.memory_space<vmem>> -> memref<125xi32, #tpu.memory_space<vmem>>
      %dma_wait3A_322 = arith.constant 0 : i32
      %dma_wait3A_323 = arith.constant 0 : i32
      %dma_wait3A_324 = tpu.memref_slice %arg9[%dma_wait3A_322, %dma_wait3A_323] : memref<10112x64xf32, #tpu.memory_space<vmem_shared>> -> memref<10112x64xf32, #tpu.memory_space<vmem_shared>>
      tpu.wait_indirect_dma semaphore(%arg15 : memref<!tpu.dma_semaphore, #tpu.memory_space<semaphore_mem>>) src(%dma_wait3A_318 : memref<125x64xf32, #tpu.memory_space<vmem>>) dst(%dma_wait3A_324 : memref<10112x64xf32, #tpu.memory_space<vmem_shared>>)
      %add3A_325 = arith.constant 1 : i32
      %add3A_326 = arith.addi %mul3A_178, %add3A_325 : i32
      %add3A_327 = arith.constant 4 : i32
      %add3A_328 = arith.addi %add3A_326, %add3A_327 : i32
      %lt3A_329 = arith.constant 78 : i32
      %lt3A_330 = arith.cmpi slt, %add3A_328, %lt3A_329 : i32
      %convert_element_type3A_331 = arith.extui %lt3A_330 : i1 to i32
      %cond3A_332 = arith.constant 0 : i32
      %cond3A_333 = arith.cmpi ne, %convert_element_type3A_331, %cond3A_332 : i32
      scf.if %cond3A_333 {
        %add3A_377 = arith.constant 1 : i32
        %add3A_378 = arith.addi %mul3A_178, %add3A_377 : i32
        %add3A_379 = arith.constant 4 : i32
        %add3A_380 = arith.addi %add3A_378, %add3A_379 : i32
        %dma_start3A_381 = arith.constant 1 : i32
        %dma_start3A_382 = arith.constant 0 : i32
        %dma_start3A_383 = arith.constant 0 : i32
        %dma_start3A_384 = tpu.memref_slice %arg8[%dma_start3A_381, %dma_start3A_382, %dma_start3A_383] : memref<4x125x64xf32, #tpu.memory_space<vmem>> -> memref<1x125x64xf32, #tpu.memory_space<vmem>>
        %dma_start3A_385 = tpu.memref_squeeze %dma_start3A_384 : memref<1x125x64xf32, #tpu.memory_space<vmem>> -> memref<125x64xf32, #tpu.memory_space<vmem>>
        %dma_start3A_386 = arith.constant 0 : i32
        %dma_start3A_387 = tpu.memref_slice %arg6[%add3A_380, %dma_start3A_386] : memref<78x125xi32, #tpu.memory_space<vmem>> -> memref<1x125xi32, #tpu.memory_space<vmem>>
        %dma_start3A_388 = tpu.memref_squeeze %dma_start3A_387 : memref<1x125xi32, #tpu.memory_space<vmem>> -> memref<125xi32, #tpu.memory_space<vmem>>
        %dma_start3A_389 = arith.constant 0 : i32
        %dma_start3A_390 = arith.constant 0 : i32
        %dma_start3A_391 = tpu.memref_slice %arg2[%arg0, %dma_start3A_389, %dma_start3A_390] : memref<2x133120x64xf32, #tpu.memory_space<hbm>> -> memref<1x133120x64xf32, #tpu.memory_space<hbm>>
        %dma_start3A_392 = tpu.memref_squeeze %dma_start3A_391 : memref<1x133120x64xf32, #tpu.memory_space<hbm>> -> memref<133120x64xf32, #tpu.memory_space<hbm>>
        %dma_start3A_393 = arith.constant 0 : i32
        %dma_start3A_394 = arith.constant 0 : i32
        %dma_start3A_395 = tpu.memref_slice %dma_start3A_392[%dma_start3A_393, %dma_start3A_394] : memref<133120x64xf32, #tpu.memory_space<hbm>> -> memref<133120x64xf32, #tpu.memory_space<hbm>>
        tpu.enqueue_indirect_dma source(%dma_start3A_395 : memref<133120x64xf32, #tpu.memory_space<hbm>>) target(%dma_start3A_385 : memref<125x64xf32, #tpu.memory_space<vmem>>) offsets(%dma_start3A_388 : memref<125xi32, #tpu.memory_space<vmem>>) semaphore(%arg11 : memref<!tpu.dma_semaphore, #tpu.memory_space<semaphore_mem>>)
      } else {
      }
      %dma_wait3A_334 = arith.constant 2 : i32
      %dma_wait3A_335 = arith.constant 0 : i32
      %dma_wait3A_336 = arith.constant 0 : i32
      %dma_wait3A_337 = arith.constant 0 : i32
      %dma_wait3A_338 = tpu.memref_slice %arg8[%dma_wait3A_334, %dma_wait3A_336, %dma_wait3A_337] : memref<4x125x64xf32, #tpu.memory_space<vmem>> -> memref<1x125x64xf32, #tpu.memory_space<vmem>>
      %dma_wait3A_339 = tpu.memref_squeeze %dma_wait3A_338 : memref<1x125x64xf32, #tpu.memory_space<vmem>> -> memref<125x64xf32, #tpu.memory_space<vmem>>
      %dma_wait3A_340 = arith.constant 0 : i32
      %dma_wait3A_341 = tpu.memref_slice %arg7[%dma_wait3A_335, %dma_wait3A_340] : memref<78x125xi32, #tpu.memory_space<vmem>> -> memref<1x125xi32, #tpu.memory_space<vmem>>
      %dma_wait3A_342 = tpu.memref_squeeze %dma_wait3A_341 : memref<1x125xi32, #tpu.memory_space<vmem>> -> memref<125xi32, #tpu.memory_space<vmem>>
      %dma_wait3A_343 = arith.constant 0 : i32
      %dma_wait3A_344 = arith.constant 0 : i32
      %dma_wait3A_345 = tpu.memref_slice %arg9[%dma_wait3A_343, %dma_wait3A_344] : memref<10112x64xf32, #tpu.memory_space<vmem_shared>> -> memref<10112x64xf32, #tpu.memory_space<vmem_shared>>
      tpu.wait_indirect_dma semaphore(%arg16 : memref<!tpu.dma_semaphore, #tpu.memory_space<semaphore_mem>>) src(%dma_wait3A_339 : memref<125x64xf32, #tpu.memory_space<vmem>>) dst(%dma_wait3A_345 : memref<10112x64xf32, #tpu.memory_space<vmem_shared>>)
      %add3A_346 = arith.constant 2 : i32
      %add3A_347 = arith.addi %mul3A_178, %add3A_346 : i32
      %add3A_348 = arith.constant 4 : i32
      %add3A_349 = arith.addi %add3A_347, %add3A_348 : i32
      %lt3A_350 = arith.constant 78 : i32
      %lt3A_351 = arith.cmpi slt, %add3A_349, %lt3A_350 : i32
      %convert_element_type3A_352 = arith.extui %lt3A_351 : i1 to i32
      %cond3A_353 = arith.constant 0 : i32
      %cond3A_354 = arith.cmpi ne, %convert_element_type3A_352, %cond3A_353 : i32
      scf.if %cond3A_354 {
        %add3A_377 = arith.constant 2 : i32
        %add3A_378 = arith.addi %mul3A_178, %add3A_377 : i32
        %add3A_379 = arith.constant 4 : i32
        %add3A_380 = arith.addi %add3A_378, %add3A_379 : i32
        %dma_start3A_381 = arith.constant 2 : i32
        %dma_start3A_382 = arith.constant 0 : i32
        %dma_start3A_383 = arith.constant 0 : i32
        %dma_start3A_384 = tpu.memref_slice %arg8[%dma_start3A_381, %dma_start3A_382, %dma_start3A_383] : memref<4x125x64xf32, #tpu.memory_space<vmem>> -> memref<1x125x64xf32, #tpu.memory_space<vmem>>
        %dma_start3A_385 = tpu.memref_squeeze %dma_start3A_384 : memref<1x125x64xf32, #tpu.memory_space<vmem>> -> memref<125x64xf32, #tpu.memory_space<vmem>>
        %dma_start3A_386 = arith.constant 0 : i32
        %dma_start3A_387 = tpu.memref_slice %arg6[%add3A_380, %dma_start3A_386] : memref<78x125xi32, #tpu.memory_space<vmem>> -> memref<1x125xi32, #tpu.memory_space<vmem>>
        %dma_start3A_388 = tpu.memref_squeeze %dma_start3A_387 : memref<1x125xi32, #tpu.memory_space<vmem>> -> memref<125xi32, #tpu.memory_space<vmem>>
        %dma_start3A_389 = arith.constant 0 : i32
        %dma_start3A_390 = arith.constant 0 : i32
        %dma_start3A_391 = tpu.memref_slice %arg2[%arg0, %dma_start3A_389, %dma_start3A_390] : memref<2x133120x64xf32, #tpu.memory_space<hbm>> -> memref<1x133120x64xf32, #tpu.memory_space<hbm>>
        %dma_start3A_392 = tpu.memref_squeeze %dma_start3A_391 : memref<1x133120x64xf32, #tpu.memory_space<hbm>> -> memref<133120x64xf32, #tpu.memory_space<hbm>>
        %dma_start3A_393 = arith.constant 0 : i32
        %dma_start3A_394 = arith.constant 0 : i32
        %dma_start3A_395 = tpu.memref_slice %dma_start3A_392[%dma_start3A_393, %dma_start3A_394] : memref<133120x64xf32, #tpu.memory_space<hbm>> -> memref<133120x64xf32, #tpu.memory_space<hbm>>
        tpu.enqueue_indirect_dma source(%dma_start3A_395 : memref<133120x64xf32, #tpu.memory_space<hbm>>) target(%dma_start3A_385 : memref<125x64xf32, #tpu.memory_space<vmem>>) offsets(%dma_start3A_388 : memref<125xi32, #tpu.memory_space<vmem>>) semaphore(%arg12 : memref<!tpu.dma_semaphore, #tpu.memory_space<semaphore_mem>>)
      } else {
      }
      %dma_wait3A_355 = arith.constant 3 : i32
      %dma_wait3A_356 = arith.constant 0 : i32
      %dma_wait3A_357 = arith.constant 0 : i32
      %dma_wait3A_358 = arith.constant 0 : i32
      %dma_wait3A_359 = tpu.memref_slice %arg8[%dma_wait3A_355, %dma_wait3A_357, %dma_wait3A_358] : memref<4x125x64xf32, #tpu.memory_space<vmem>> -> memref<1x125x64xf32, #tpu.memory_space<vmem>>
      %dma_wait3A_360 = tpu.memref_squeeze %dma_wait3A_359 : memref<1x125x64xf32, #tpu.memory_space<vmem>> -> memref<125x64xf32, #tpu.memory_space<vmem>>
      %dma_wait3A_361 = arith.constant 0 : i32
      %dma_wait3A_362 = tpu.memref_slice %arg7[%dma_wait3A_356, %dma_wait3A_361] : memref<78x125xi32, #tpu.memory_space<vmem>> -> memref<1x125xi32, #tpu.memory_space<vmem>>
      %dma_wait3A_363 = tpu.memref_squeeze %dma_wait3A_362 : memref<1x125xi32, #tpu.memory_space<vmem>> -> memref<125xi32, #tpu.memory_space<vmem>>
      %dma_wait3A_364 = arith.constant 0 : i32
      %dma_wait3A_365 = arith.constant 0 : i32
      %dma_wait3A_366 = tpu.memref_slice %arg9[%dma_wait3A_364, %dma_wait3A_365] : memref<10112x64xf32, #tpu.memory_space<vmem_shared>> -> memref<10112x64xf32, #tpu.memory_space<vmem_shared>>
      tpu.wait_indirect_dma semaphore(%arg17 : memref<!tpu.dma_semaphore, #tpu.memory_space<semaphore_mem>>) src(%dma_wait3A_360 : memref<125x64xf32, #tpu.memory_space<vmem>>) dst(%dma_wait3A_366 : memref<10112x64xf32, #tpu.memory_space<vmem_shared>>)
      %add3A_367 = arith.constant 3 : i32
      %add3A_368 = arith.addi %mul3A_178, %add3A_367 : i32
      %add3A_369 = arith.constant 4 : i32
      %add3A_370 = arith.addi %add3A_368, %add3A_369 : i32
      %lt3A_371 = arith.constant 78 : i32
      %lt3A_372 = arith.cmpi slt, %add3A_370, %lt3A_371 : i32
      %convert_element_type3A_373 = arith.extui %lt3A_372 : i1 to i32
      %cond3A_374 = arith.constant 0 : i32
      %cond3A_375 = arith.cmpi ne, %convert_element_type3A_373, %cond3A_374 : i32
      scf.if %cond3A_375 {
        %add3A_377 = arith.constant 3 : i32
        %add3A_378 = arith.addi %mul3A_178, %add3A_377 : i32
        %add3A_379 = arith.constant 4 : i32
        %add3A_380 = arith.addi %add3A_378, %add3A_379 : i32
        %dma_start3A_381 = arith.constant 3 : i32
        %dma_start3A_382 = arith.constant 0 : i32
        %dma_start3A_383 = arith.constant 0 : i32
        %dma_start3A_384 = tpu.memref_slice %arg8[%dma_start3A_381, %dma_start3A_382, %dma_start3A_383] : memref<4x125x64xf32, #tpu.memory_space<vmem>> -> memref<1x125x64xf32, #tpu.memory_space<vmem>>
        %dma_start3A_385 = tpu.memref_squeeze %dma_start3A_384 : memref<1x125x64xf32, #tpu.memory_space<vmem>> -> memref<125x64xf32, #tpu.memory_space<vmem>>
        %dma_start3A_386 = arith.constant 0 : i32
        %dma_start3A_387 = tpu.memref_slice %arg6[%add3A_380, %dma_start3A_386] : memref<78x125xi32, #tpu.memory_space<vmem>> -> memref<1x125xi32, #tpu.memory_space<vmem>>
        %dma_start3A_388 = tpu.memref_squeeze %dma_start3A_387 : memref<1x125xi32, #tpu.memory_space<vmem>> -> memref<125xi32, #tpu.memory_space<vmem>>
        %dma_start3A_389 = arith.constant 0 : i32
        %dma_start3A_390 = arith.constant 0 : i32
        %dma_start3A_391 = tpu.memref_slice %arg2[%arg0, %dma_start3A_389, %dma_start3A_390] : memref<2x133120x64xf32, #tpu.memory_space<hbm>> -> memref<1x133120x64xf32, #tpu.memory_space<hbm>>
        %dma_start3A_392 = tpu.memref_squeeze %dma_start3A_391 : memref<1x133120x64xf32, #tpu.memory_space<hbm>> -> memref<133120x64xf32, #tpu.memory_space<hbm>>
        %dma_start3A_393 = arith.constant 0 : i32
        %dma_start3A_394 = arith.constant 0 : i32
        %dma_start3A_395 = tpu.memref_slice %dma_start3A_392[%dma_start3A_393, %dma_start3A_394] : memref<133120x64xf32, #tpu.memory_space<hbm>> -> memref<133120x64xf32, #tpu.memory_space<hbm>>
        tpu.enqueue_indirect_dma source(%dma_start3A_395 : memref<133120x64xf32, #tpu.memory_space<hbm>>) target(%dma_start3A_385 : memref<125x64xf32, #tpu.memory_space<vmem>>) offsets(%dma_start3A_388 : memref<125xi32, #tpu.memory_space<vmem>>) semaphore(%arg13 : memref<!tpu.dma_semaphore, #tpu.memory_space<semaphore_mem>>)
      } else {
      }
      %scan3A_376 = arith.constant 0 : i32
      scf.yield %scan3A_376 : i32
    }
    %scan3A_92 = arith.constant 19 : i32
    %dma_wait3A = arith.constant 0 : i32
    %dma_wait3A_93 = arith.constant 0 : i32
    %dma_wait3A_94 = arith.constant 0 : i32
    %dma_wait3A_95 = arith.constant 0 : i32
    %dma_wait3A_96 = tpu.memref_slice %arg8[%dma_wait3A_93, %dma_wait3A_94, %dma_wait3A_95] : memref<4x125x64xf32, #tpu.memory_space<vmem>> -> memref<1x125x64xf32, #tpu.memory_space<vmem>>
    %dma_wait3A_97 = tpu.memref_squeeze %dma_wait3A_96 : memref<1x125x64xf32, #tpu.memory_space<vmem>> -> memref<125x64xf32, #tpu.memory_space<vmem>>
    %dma_wait3A_98 = arith.constant 0 : i32
    %dma_wait3A_99 = tpu.memref_slice %arg6[%dma_wait3A, %dma_wait3A_98] : memref<78x125xi32, #tpu.memory_space<vmem>> -> memref<1x125xi32, #tpu.memory_space<vmem>>
    %dma_wait3A_100 = tpu.memref_squeeze %dma_wait3A_99 : memref<1x125xi32, #tpu.memory_space<vmem>> -> memref<125xi32, #tpu.memory_space<vmem>>
    %dma_wait3A_101 = arith.constant 0 : i32
    %dma_wait3A_102 = arith.constant 0 : i32
    %dma_wait3A_103 = tpu.memref_slice %arg2[%arg0, %dma_wait3A_101, %dma_wait3A_102] : memref<2x133120x64xf32, #tpu.memory_space<hbm>> -> memref<1x133120x64xf32, #tpu.memory_space<hbm>>
    %dma_wait3A_104 = tpu.memref_squeeze %dma_wait3A_103 : memref<1x133120x64xf32, #tpu.memory_space<hbm>> -> memref<133120x64xf32, #tpu.memory_space<hbm>>
    %dma_wait3A_105 = arith.constant 0 : i32
    %dma_wait3A_106 = arith.constant 0 : i32
    %dma_wait3A_107 = tpu.memref_slice %dma_wait3A_104[%dma_wait3A_105, %dma_wait3A_106] : memref<133120x64xf32, #tpu.memory_space<hbm>> -> memref<133120x64xf32, #tpu.memory_space<hbm>>
    tpu.wait_indirect_dma semaphore(%arg10 : memref<!tpu.dma_semaphore, #tpu.memory_space<semaphore_mem>>) src(%dma_wait3A_107 : memref<133120x64xf32, #tpu.memory_space<hbm>>) dst(%dma_wait3A_97 : memref<125x64xf32, #tpu.memory_space<vmem>>)
    %dma_start3A_108 = arith.constant 0 : i32
    %dma_start3A_109 = arith.constant 76 : i32
    %dma_start3A_110 = arith.constant 0 : i32
    %dma_start3A_111 = arith.constant 0 : i32
    %dma_start3A_112 = tpu.memref_slice %arg8[%dma_start3A_108, %dma_start3A_110, %dma_start3A_111] : memref<4x125x64xf32, #tpu.memory_space<vmem>> -> memref<1x125x64xf32, #tpu.memory_space<vmem>>
    %dma_start3A_113 = tpu.memref_squeeze %dma_start3A_112 : memref<1x125x64xf32, #tpu.memory_space<vmem>> -> memref<125x64xf32, #tpu.memory_space<vmem>>
    %dma_start3A_114 = arith.constant 0 : i32
    %dma_start3A_115 = tpu.memref_slice %arg7[%dma_start3A_109, %dma_start3A_114] : memref<78x125xi32, #tpu.memory_space<vmem>> -> memref<1x125xi32, #tpu.memory_space<vmem>>
    %dma_start3A_116 = tpu.memref_squeeze %dma_start3A_115 : memref<1x125xi32, #tpu.memory_space<vmem>> -> memref<125xi32, #tpu.memory_space<vmem>>
    %dma_start3A_117 = arith.constant 0 : i32
    %dma_start3A_118 = arith.constant 0 : i32
    %dma_start3A_119 = tpu.memref_slice %arg9[%dma_start3A_117, %dma_start3A_118] : memref<10112x64xf32, #tpu.memory_space<vmem_shared>> -> memref<10112x64xf32, #tpu.memory_space<vmem_shared>>
    tpu.enqueue_indirect_dma source(%dma_start3A_113 : memref<125x64xf32, #tpu.memory_space<vmem>>) target(%dma_start3A_119 : memref<10112x64xf32, #tpu.memory_space<vmem_shared>>) offsets(%dma_start3A_116 : memref<125xi32, #tpu.memory_space<vmem>>) semaphore(%arg14 : memref<!tpu.dma_semaphore, #tpu.memory_space<semaphore_mem>>) {add = true}
    %dma_wait3A_120 = arith.constant 0 : i32
    %dma_wait3A_121 = arith.constant 1 : i32
    %dma_wait3A_122 = arith.constant 0 : i32
    %dma_wait3A_123 = arith.constant 0 : i32
    %dma_wait3A_124 = tpu.memref_slice %arg8[%dma_wait3A_121, %dma_wait3A_122, %dma_wait3A_123] : memref<4x125x64xf32, #tpu.memory_space<vmem>> -> memref<1x125x64xf32, #tpu.memory_space<vmem>>
    %dma_wait3A_125 = tpu.memref_squeeze %dma_wait3A_124 : memref<1x125x64xf32, #tpu.memory_space<vmem>> -> memref<125x64xf32, #tpu.memory_space<vmem>>
    %dma_wait3A_126 = arith.constant 0 : i32
    %dma_wait3A_127 = tpu.memref_slice %arg6[%dma_wait3A_120, %dma_wait3A_126] : memref<78x125xi32, #tpu.memory_space<vmem>> -> memref<1x125xi32, #tpu.memory_space<vmem>>
    %dma_wait3A_128 = tpu.memref_squeeze %dma_wait3A_127 : memref<1x125xi32, #tpu.memory_space<vmem>> -> memref<125xi32, #tpu.memory_space<vmem>>
    %dma_wait3A_129 = arith.constant 0 : i32
    %dma_wait3A_130 = arith.constant 0 : i32
    %dma_wait3A_131 = tpu.memref_slice %arg2[%arg0, %dma_wait3A_129, %dma_wait3A_130] : memref<2x133120x64xf32, #tpu.memory_space<hbm>> -> memref<1x133120x64xf32, #tpu.memory_space<hbm>>
    %dma_wait3A_132 = tpu.memref_squeeze %dma_wait3A_131 : memref<1x133120x64xf32, #tpu.memory_space<hbm>> -> memref<133120x64xf32, #tpu.memory_space<hbm>>
    %dma_wait3A_133 = arith.constant 0 : i32
    %dma_wait3A_134 = arith.constant 0 : i32
    %dma_wait3A_135 = tpu.memref_slice %dma_wait3A_132[%dma_wait3A_133, %dma_wait3A_134] : memref<133120x64xf32, #tpu.memory_space<hbm>> -> memref<133120x64xf32, #tpu.memory_space<hbm>>
    tpu.wait_indirect_dma semaphore(%arg11 : memref<!tpu.dma_semaphore, #tpu.memory_space<semaphore_mem>>) src(%dma_wait3A_135 : memref<133120x64xf32, #tpu.memory_space<hbm>>) dst(%dma_wait3A_125 : memref<125x64xf32, #tpu.memory_space<vmem>>)
    %dma_start3A_136 = arith.constant 1 : i32
    %dma_start3A_137 = arith.constant 77 : i32
    %dma_start3A_138 = arith.constant 0 : i32
    %dma_start3A_139 = arith.constant 0 : i32
    %dma_start3A_140 = tpu.memref_slice %arg8[%dma_start3A_136, %dma_start3A_138, %dma_start3A_139] : memref<4x125x64xf32, #tpu.memory_space<vmem>> -> memref<1x125x64xf32, #tpu.memory_space<vmem>>
    %dma_start3A_141 = tpu.memref_squeeze %dma_start3A_140 : memref<1x125x64xf32, #tpu.memory_space<vmem>> -> memref<125x64xf32, #tpu.memory_space<vmem>>
    %dma_start3A_142 = arith.constant 0 : i32
    %dma_start3A_143 = tpu.memref_slice %arg7[%dma_start3A_137, %dma_start3A_142] : memref<78x125xi32, #tpu.memory_space<vmem>> -> memref<1x125xi32, #tpu.memory_space<vmem>>
    %dma_start3A_144 = tpu.memref_squeeze %dma_start3A_143 : memref<1x125xi32, #tpu.memory_space<vmem>> -> memref<125xi32, #tpu.memory_space<vmem>>
    %dma_start3A_145 = arith.constant 0 : i32
    %dma_start3A_146 = arith.constant 0 : i32
    %dma_start3A_147 = tpu.memref_slice %arg9[%dma_start3A_145, %dma_start3A_146] : memref<10112x64xf32, #tpu.memory_space<vmem_shared>> -> memref<10112x64xf32, #tpu.memory_space<vmem_shared>>
    tpu.enqueue_indirect_dma source(%dma_start3A_141 : memref<125x64xf32, #tpu.memory_space<vmem>>) target(%dma_start3A_147 : memref<10112x64xf32, #tpu.memory_space<vmem_shared>>) offsets(%dma_start3A_144 : memref<125xi32, #tpu.memory_space<vmem>>) semaphore(%arg15 : memref<!tpu.dma_semaphore, #tpu.memory_space<semaphore_mem>>) {add = true}
    %dma_wait3A_148 = arith.constant 0 : i32
    %dma_wait3A_149 = arith.constant 0 : i32
    %dma_wait3A_150 = arith.constant 0 : i32
    %dma_wait3A_151 = arith.constant 0 : i32
    %dma_wait3A_152 = tpu.memref_slice %arg8[%dma_wait3A_148, %dma_wait3A_150, %dma_wait3A_151] : memref<4x125x64xf32, #tpu.memory_space<vmem>> -> memref<1x125x64xf32, #tpu.memory_space<vmem>>
    %dma_wait3A_153 = tpu.memref_squeeze %dma_wait3A_152 : memref<1x125x64xf32, #tpu.memory_space<vmem>> -> memref<125x64xf32, #tpu.memory_space<vmem>>
    %dma_wait3A_154 = arith.constant 0 : i32
    %dma_wait3A_155 = tpu.memref_slice %arg7[%dma_wait3A_149, %dma_wait3A_154] : memref<78x125xi32, #tpu.memory_space<vmem>> -> memref<1x125xi32, #tpu.memory_space<vmem>>
    %dma_wait3A_156 = tpu.memref_squeeze %dma_wait3A_155 : memref<1x125xi32, #tpu.memory_space<vmem>> -> memref<125xi32, #tpu.memory_space<vmem>>
    %dma_wait3A_157 = arith.constant 0 : i32
    %dma_wait3A_158 = arith.constant 0 : i32
    %dma_wait3A_159 = tpu.memref_slice %arg9[%dma_wait3A_157, %dma_wait3A_158] : memref<10112x64xf32, #tpu.memory_space<vmem_shared>> -> memref<10112x64xf32, #tpu.memory_space<vmem_shared>>
    tpu.wait_indirect_dma semaphore(%arg14 : memref<!tpu.dma_semaphore, #tpu.memory_space<semaphore_mem>>) src(%dma_wait3A_153 : memref<125x64xf32, #tpu.memory_space<vmem>>) dst(%dma_wait3A_159 : memref<10112x64xf32, #tpu.memory_space<vmem_shared>>)
    %dma_wait3A_160 = arith.constant 1 : i32
    %dma_wait3A_161 = arith.constant 0 : i32
    %dma_wait3A_162 = arith.constant 0 : i32
    %dma_wait3A_163 = arith.constant 0 : i32
    %dma_wait3A_164 = tpu.memref_slice %arg8[%dma_wait3A_160, %dma_wait3A_162, %dma_wait3A_163] : memref<4x125x64xf32, #tpu.memory_space<vmem>> -> memref<1x125x64xf32, #tpu.memory_space<vmem>>
    %dma_wait3A_165 = tpu.memref_squeeze %dma_wait3A_164 : memref<1x125x64xf32, #tpu.memory_space<vmem>> -> memref<125x64xf32, #tpu.memory_space<vmem>>
    %dma_wait3A_166 = arith.constant 0 : i32
    %dma_wait3A_167 = tpu.memref_slice %arg7[%dma_wait3A_161, %dma_wait3A_166] : memref<78x125xi32, #tpu.memory_space<vmem>> -> memref<1x125xi32, #tpu.memory_space<vmem>>
    %dma_wait3A_168 = tpu.memref_squeeze %dma_wait3A_167 : memref<1x125xi32, #tpu.memory_space<vmem>> -> memref<125xi32, #tpu.memory_space<vmem>>
    %dma_wait3A_169 = arith.constant 0 : i32
    %dma_wait3A_170 = arith.constant 0 : i32
    %dma_wait3A_171 = tpu.memref_slice %arg9[%dma_wait3A_169, %dma_wait3A_170] : memref<10112x64xf32, #tpu.memory_space<vmem_shared>> -> memref<10112x64xf32, #tpu.memory_space<vmem_shared>>
    tpu.wait_indirect_dma semaphore(%arg15 : memref<!tpu.dma_semaphore, #tpu.memory_space<semaphore_mem>>) src(%dma_wait3A_165 : memref<125x64xf32, #tpu.memory_space<vmem>>) dst(%dma_wait3A_171 : memref<10112x64xf32, #tpu.memory_space<vmem_shared>>)
    %barrier3A_172 = arith.constant 0 : index
    tpu.barrier barrier_id(%barrier3A_172)
    %mul3A_173 = arith.constant 64 : i32
    %mul3A_174 = arith.muli %arg0, %mul3A_173 : i32
    "tpu.region"() ({
      %run_scoped3A_175 = tpu.sem_alloc : memref<!tpu.dma_semaphore, #tpu.memory_space<semaphore_mem>>
      %dma_start3A_176 = tpu.memref_slice %arg5[%mul3A_53, %mul3A_174] : memref<10112x128xf32, #tpu.memory_space<hbm>> -> memref<632x64xf32, #tpu.memory_space<hbm>>
      %dma_start3A_177 = arith.constant 0 : i32
      %dma_start3A_178 = tpu.memref_slice %arg9[%mul3A_53, %dma_start3A_177] : memref<10112x64xf32, #tpu.memory_space<vmem_shared>> -> memref<632x64xf32, #tpu.memory_space<vmem_shared>>
      tpu.enqueue_dma source(%dma_start3A_178 : memref<632x64xf32, #tpu.memory_space<vmem_shared>>) target(%dma_start3A_176 : memref<632x64xf32, #tpu.memory_space<hbm>>) target_semaphore(%run_scoped3A_175 : memref<!tpu.dma_semaphore, #tpu.memory_space<semaphore_mem>>)
      %dma_wait3A_179 = tpu.memref_slice %arg5[%mul3A_53, %mul3A_174] : memref<10112x128xf32, #tpu.memory_space<hbm>> -> memref<632x64xf32, #tpu.memory_space<hbm>>
      %dma_wait3A_180 = arith.constant 0 : i32
      %dma_wait3A_181 = tpu.memref_slice %arg9[%mul3A_53, %dma_wait3A_180] : memref<10112x64xf32, #tpu.memory_space<vmem_shared>> -> memref<632x64xf32, #tpu.memory_space<vmem_shared>>
      tpu.wait_dma2 semaphore(%run_scoped3A_175 : memref<!tpu.dma_semaphore, #tpu.memory_space<semaphore_mem>>) src(%dma_wait3A_181 : memref<632x64xf32, #tpu.memory_space<vmem_shared>>) dst(%dma_wait3A_179 : memref<632x64xf32, #tpu.memory_space<hbm>>)
      tpu.yield
    }) : () -> ()
    return
  }
}

#map = affine_map<(d0, d1) -> (0, 0, 0)>
#map1 = affine_map<(d0, d1) -> (0, 0)>
module attributes {stable_mosaic.version = 14 : i64} {
  func.func @body(%arg0: i32, %arg1: i32, %arg2: memref<2x133120x64xf32, #tpu.memory_space<hbm>>, %arg3: memref<16x78x125xi32, #tpu.memory_space<hbm>>, %arg4: memref<16x78x125xi32, #tpu.memory_space<hbm>>, %arg5: memref<10112x128xf32, #tpu.memory_space<hbm>>, %arg6: memref<78x125xi32, #tpu.memory_space<vmem>>, %arg7: memref<78x125xi32, #tpu.memory_space<vmem>>, %arg8: memref<4x125x64xf32, #tpu.memory_space<vmem>>, %arg9: memref<10112x64xf32, #tpu.memory_space<vmem_shared>>, %arg10: memref<!tpu.dma_semaphore, #tpu.memory_space<semaphore_mem>>, %arg11: memref<!tpu.dma_semaphore, #tpu.memory_space<semaphore_mem>>, %arg12: memref<!tpu.dma_semaphore, #tpu.memory_space<semaphore_mem>>, %arg13: memref<!tpu.dma_semaphore, #tpu.memory_space<semaphore_mem>>, %arg14: memref<!tpu.dma_semaphore, #tpu.memory_space<semaphore_mem>>, %arg15: memref<!tpu.dma_semaphore, #tpu.memory_space<semaphore_mem>>, %arg16: memref<!tpu.dma_semaphore, #tpu.memory_space<semaphore_mem>>, %arg17: memref<!tpu.dma_semaphore, #tpu.memory_space<semaphore_mem>>) attributes {dimension_semantics = [#tpu.dimension_semantics<core_parallel>, #tpu.dimension_semantics<subcore_parallel>], iteration_bounds = array<i64: 2, 16>, scalar_prefetch = 0 : i64, scratch_operands = 12 : i64, tpu.core_type = #tpu.core_type<sc_vector_subcore>, window_params = [{transform_indices = #map}, {transform_indices = #map}, {transform_indices = #map}, {transform_indices = #map1}]} {
    "tpu.region"() ({
      %run_scoped3A_175 = tpu.sem_alloc : memref<!tpu.dma_semaphore, #tpu.memory_space<semaphore_mem>>
      %dma_start3A_176 = arith.constant 0 : i32
      %dma_start3A_177 = arith.constant 0 : i32
      %dma_start3A_178 = tpu.memref_slice %arg3[%arg1, %dma_start3A_176, %dma_start3A_177] : memref<16x78x125xi32, #tpu.memory_space<hbm>> -> memref<1x78x125xi32, #tpu.memory_space<hbm>>
      %dma_start3A_179 = tpu.memref_squeeze %dma_start3A_178 : memref<1x78x125xi32, #tpu.memory_space<hbm>> -> memref<78x125xi32, #tpu.memory_space<hbm>>
      %dma_start3A_180 = arith.constant 0 : i32
      %dma_start3A_181 = arith.constant 0 : i32
      %dma_start3A_182 = tpu.memref_slice %arg3[%arg1, %dma_start3A_180, %dma_start3A_181] : memref<16x78x125xi32, #tpu.memory_space<hbm>> -> memref<1x78x125xi32, #tpu.memory_space<hbm>>
      %dma_start3A_183 = tpu.memref_squeeze %dma_start3A_182 : memref<1x78x125xi32, #tpu.memory_space<hbm>> -> memref<78x125xi32, #tpu.memory_space<hbm>>
      tpu.enqueue_dma source(%dma_start3A_183 : memref<78x125xi32, #tpu.memory_space<hbm>>) target(%arg6 : memref<78x125xi32, #tpu.memory_space<vmem>>) target_semaphore(%run_scoped3A_175 : memref<!tpu.dma_semaphore, #tpu.memory_space<semaphore_mem>>)
      %dma_wait3A_184 = arith.constant 0 : i32
      %dma_wait3A_185 = arith.constant 0 : i32
      %dma_wait3A_186 = tpu.memref_slice %arg3[%arg1, %dma_wait3A_184, %dma_wait3A_185] : memref<16x78x125xi32, #tpu.memory_space<hbm>> -> memref<1x78x125xi32, #tpu.memory_space<hbm>>
      %dma_wait3A_187 = tpu.memref_squeeze %dma_wait3A_186 : memref<1x78x125xi32, #tpu.memory_space<hbm>> -> memref<78x125xi32, #tpu.memory_space<hbm>>
      %dma_wait3A_188 = arith.constant 0 : i32
      %dma_wait3A_189 = arith.constant 0 : i32
      %dma_wait3A_190 = tpu.memref_slice %arg3[%arg1, %dma_wait3A_188, %dma_wait3A_189] : memref<16x78x125xi32, #tpu.memory_space<hbm>> -> memref<1x78x125xi32, #tpu.memory_space<hbm>>
      %dma_wait3A_191 = tpu.memref_squeeze %dma_wait3A_190 : memref<1x78x125xi32, #tpu.memory_space<hbm>> -> memref<78x125xi32, #tpu.memory_space<hbm>>
      tpu.wait_dma2 semaphore(%run_scoped3A_175 : memref<!tpu.dma_semaphore, #tpu.memory_space<semaphore_mem>>) src(%dma_wait3A_191 : memref<78x125xi32, #tpu.memory_space<hbm>>) dst(%arg6 : memref<78x125xi32, #tpu.memory_space<vmem>>)
      tpu.yield
    }) : () -> ()
    "tpu.region"() ({
      %run_scoped3A_175 = tpu.sem_alloc : memref<!tpu.dma_semaphore, #tpu.memory_space<semaphore_mem>>
      %dma_start3A_176 = arith.constant 0 : i32
      %dma_start3A_177 = arith.constant 0 : i32
      %dma_start3A_178 = tpu.memref_slice %arg4[%arg1, %dma_start3A_176, %dma_start3A_177] : memref<16x78x125xi32, #tpu.memory_space<hbm>> -> memref<1x78x125xi32, #tpu.memory_space<hbm>>
      %dma_start3A_179 = tpu.memref_squeeze %dma_start3A_178 : memref<1x78x125xi32, #tpu.memory_space<hbm>> -> memref<78x125xi32, #tpu.memory_space<hbm>>
      %dma_start3A_180 = arith.constant 0 : i32
      %dma_start3A_181 = arith.constant 0 : i32
      %dma_start3A_182 = tpu.memref_slice %arg4[%arg1, %dma_start3A_180, %dma_start3A_181] : memref<16x78x125xi32, #tpu.memory_space<hbm>> -> memref<1x78x125xi32, #tpu.memory_space<hbm>>
      %dma_start3A_183 = tpu.memref_squeeze %dma_start3A_182 : memref<1x78x125xi32, #tpu.memory_space<hbm>> -> memref<78x125xi32, #tpu.memory_space<hbm>>
      tpu.enqueue_dma source(%dma_start3A_183 : memref<78x125xi32, #tpu.memory_space<hbm>>) target(%arg7 : memref<78x125xi32, #tpu.memory_space<vmem>>) target_semaphore(%run_scoped3A_175 : memref<!tpu.dma_semaphore, #tpu.memory_space<semaphore_mem>>)
      %dma_wait3A_184 = arith.constant 0 : i32
      %dma_wait3A_185 = arith.constant 0 : i32
      %dma_wait3A_186 = tpu.memref_slice %arg4[%arg1, %dma_wait3A_184, %dma_wait3A_185] : memref<16x78x125xi32, #tpu.memory_space<hbm>> -> memref<1x78x125xi32, #tpu.memory_space<hbm>>
      %dma_wait3A_187 = tpu.memref_squeeze %dma_wait3A_186 : memref<1x78x125xi32, #tpu.memory_space<hbm>> -> memref<78x125xi32, #tpu.memory_space<hbm>>
      %dma_wait3A_188 = arith.constant 0 : i32
      %dma_wait3A_189 = arith.constant 0 : i32
      %dma_wait3A_190 = tpu.memref_slice %arg4[%arg1, %dma_wait3A_188, %dma_wait3A_189] : memref<16x78x125xi32, #tpu.memory_space<hbm>> -> memref<1x78x125xi32, #tpu.memory_space<hbm>>
      %dma_wait3A_191 = tpu.memref_squeeze %dma_wait3A_190 : memref<1x78x125xi32, #tpu.memory_space<hbm>> -> memref<78x125xi32, #tpu.memory_space<hbm>>
      tpu.wait_dma2 semaphore(%run_scoped3A_175 : memref<!tpu.dma_semaphore, #tpu.memory_space<semaphore_mem>>) src(%dma_wait3A_191 : memref<78x125xi32, #tpu.memory_space<hbm>>) dst(%arg7 : memref<78x125xi32, #tpu.memory_space<vmem>>)
      tpu.yield
    }) : () -> ()
    %dma_start3A = arith.constant 1 : i32
    %dma_start3A_0 = arith.constant 1 : i32
    %dma_start3A_1 = arith.constant 0 : i32
    %dma_start3A_2 = arith.constant 0 : i32
    %dma_start3A_3 = tpu.memref_slice %arg8[%dma_start3A_0, %dma_start3A_1, %dma_start3A_2] : memref<4x125x64xf32, #tpu.memory_space<vmem>> -> memref<1x125x64xf32, #tpu.memory_space<vmem>>
    %dma_start3A_4 = tpu.memref_squeeze %dma_start3A_3 : memref<1x125x64xf32, #tpu.memory_space<vmem>> -> memref<125x64xf32, #tpu.memory_space<vmem>>
    %dma_start3A_5 = arith.constant 0 : i32
    %dma_start3A_6 = tpu.memref_slice %arg6[%dma_start3A, %dma_start3A_5] : memref<78x125xi32, #tpu.memory_space<vmem>> -> memref<1x125xi32, #tpu.memory_space<vmem>>
    %dma_start3A_7 = tpu.memref_squeeze %dma_start3A_6 : memref<1x125xi32, #tpu.memory_space<vmem>> -> memref<125xi32, #tpu.memory_space<vmem>>
    %dma_start3A_8 = arith.constant 0 : i32
    %dma_start3A_9 = arith.constant 0 : i32
    %dma_start3A_10 = tpu.memref_slice %arg2[%arg0, %dma_start3A_8, %dma_start3A_9] : memref<2x133120x64xf32, #tpu.memory_space<hbm>> -> memref<1x133120x64xf32, #tpu.memory_space<hbm>>
    %dma_start3A_11 = tpu.memref_squeeze %dma_start3A_10 : memref<1x133120x64xf32, #tpu.memory_space<hbm>> -> memref<133120x64xf32, #tpu.memory_space<hbm>>
    %dma_start3A_12 = arith.constant 0 : i32
    %dma_start3A_13 = arith.constant 0 : i32
    %dma_start3A_14 = tpu.memref_slice %dma_start3A_11[%dma_start3A_12, %dma_start3A_13] : memref<133120x64xf32, #tpu.memory_space<hbm>> -> memref<133120x64xf32, #tpu.memory_space<hbm>>
    tpu.enqueue_indirect_dma source(%dma_start3A_14 : memref<133120x64xf32, #tpu.memory_space<hbm>>) target(%dma_start3A_4 : memref<125x64xf32, #tpu.memory_space<vmem>>) offsets(%dma_start3A_7 : memref<125xi32, #tpu.memory_space<vmem>>) semaphore(%arg11 : memref<!tpu.dma_semaphore, #tpu.memory_space<semaphore_mem>>)
    %dma_start3A_15 = arith.constant 2 : i32
    %dma_start3A_16 = arith.constant 2 : i32
    %dma_start3A_17 = arith.constant 0 : i32
    %dma_start3A_18 = arith.constant 0 : i32
    %dma_start3A_19 = tpu.memref_slice %arg8[%dma_start3A_16, %dma_start3A_17, %dma_start3A_18] : memref<4x125x64xf32, #tpu.memory_space<vmem>> -> memref<1x125x64xf32, #tpu.memory_space<vmem>>
    %dma_start3A_20 = tpu.memref_squeeze %dma_start3A_19 : memref<1x125x64xf32, #tpu.memory_space<vmem>> -> memref<125x64xf32, #tpu.memory_space<vmem>>
    %dma_start3A_21 = arith.constant 0 : i32
    %dma_start3A_22 = tpu.memref_slice %arg6[%dma_start3A_15, %dma_start3A_21] : memref<78x125xi32, #tpu.memory_space<vmem>> -> memref<1x125xi32, #tpu.memory_space<vmem>>
    %dma_start3A_23 = tpu.memref_squeeze %dma_start3A_22 : memref<1x125xi32, #tpu.memory_space<vmem>> -> memref<125xi32, #tpu.memory_space<vmem>>
    %dma_start3A_24 = arith.constant 0 : i32
    %dma_start3A_25 = arith.constant 0 : i32
    %dma_start3A_26 = tpu.memref_slice %arg2[%arg0, %dma_start3A_24, %dma_start3A_25] : memref<2x133120x64xf32, #tpu.memory_space<hbm>> -> memref<1x133120x64xf32, #tpu.memory_space<hbm>>
    %dma_start3A_27 = tpu.memref_squeeze %dma_start3A_26 : memref<1x133120x64xf32, #tpu.memory_space<hbm>> -> memref<133120x64xf32, #tpu.memory_space<hbm>>
    %dma_start3A_28 = arith.constant 0 : i32
    %dma_start3A_29 = arith.constant 0 : i32
    %dma_start3A_30 = tpu.memref_slice %dma_start3A_27[%dma_start3A_28, %dma_start3A_29] : memref<133120x64xf32, #tpu.memory_space<hbm>> -> memref<133120x64xf32, #tpu.memory_space<hbm>>
    tpu.enqueue_indirect_dma source(%dma_start3A_30 : memref<133120x64xf32, #tpu.memory_space<hbm>>) target(%dma_start3A_20 : memref<125x64xf32, #tpu.memory_space<vmem>>) offsets(%dma_start3A_23 : memref<125xi32, #tpu.memory_space<vmem>>) semaphore(%arg12 : memref<!tpu.dma_semaphore, #tpu.memory_space<semaphore_mem>>)
    %dma_start3A_31 = arith.constant 3 : i32
    %dma_start3A_32 = arith.constant 3 : i32
    %dma_start3A_33 = arith.constant 0 : i32
    %dma_start3A_34 = arith.constant 0 : i32
    %dma_start3A_35 = tpu.memref_slice %arg8[%dma_start3A_32, %dma_start3A_33, %dma_start3A_34] : memref<4x125x64xf32, #tpu.memory_space<vmem>> -> memref<1x125x64xf32, #tpu.memory_space<vmem>>
    %dma_start3A_36 = tpu.memref_squeeze %dma_start3A_35 : memref<1x125x64xf32, #tpu.memory_space<vmem>> -> memref<125x64xf32, #tpu.memory_space<vmem>>
    %dma_start3A_37 = arith.constant 0 : i32
    %dma_start3A_38 = tpu.memref_slice %arg6[%dma_start3A_31, %dma_start3A_37] : memref<78x125xi32, #tpu.memory_space<vmem>> -> memref<1x125xi32, #tpu.memory_space<vmem>>
    %dma_start3A_39 = tpu.memref_squeeze %dma_start3A_38 : memref<1x125xi32, #tpu.memory_space<vmem>> -> memref<125xi32, #tpu.memory_space<vmem>>
    %dma_start3A_40 = arith.constant 0 : i32
    %dma_start3A_41 = arith.constant 0 : i32
    %dma_start3A_42 = tpu.memref_slice %arg2[%arg0, %dma_start3A_40, %dma_start3A_41] : memref<2x133120x64xf32, #tpu.memory_space<hbm>> -> memref<1x133120x64xf32, #tpu.memory_space<hbm>>
    %dma_start3A_43 = tpu.memref_squeeze %dma_start3A_42 : memref<1x133120x64xf32, #tpu.memory_space<hbm>> -> memref<133120x64xf32, #tpu.memory_space<hbm>>
    %dma_start3A_44 = arith.constant 0 : i32
    %dma_start3A_45 = arith.constant 0 : i32
    %dma_start3A_46 = tpu.memref_slice %dma_start3A_43[%dma_start3A_44, %dma_start3A_45] : memref<133120x64xf32, #tpu.memory_space<hbm>> -> memref<133120x64xf32, #tpu.memory_space<hbm>>
    tpu.enqueue_indirect_dma source(%dma_start3A_46 : memref<133120x64xf32, #tpu.memory_space<hbm>>) target(%dma_start3A_36 : memref<125x64xf32, #tpu.memory_space<vmem>>) offsets(%dma_start3A_39 : memref<125xi32, #tpu.memory_space<vmem>>) semaphore(%arg13 : memref<!tpu.dma_semaphore, #tpu.memory_space<semaphore_mem>>)
    %scan3A = arith.constant 0 : i32
    %scan3A_47 = arith.constant 0 : i32
    %scan3A_48 = arith.constant 500 : i32
    %scan3A_49 = arith.addi %scan3A_47, %scan3A_48 : i32
    %scan3A_50 = arith.constant 1 : i32
    %scan3A_51 = scf.for %scan3A_175 = %scan3A_47 to %scan3A_49 step %scan3A_50 iter_args(%scan3A_176 = %scan3A) -> (i32)  : i32 {
      %jit3A = arith.constant 4 : i32
      %div3A = arith.divsi %scan3A_175, %jit3A : i32
      %sign3A = arith.constant 0 : i32
      %sign3A_177 = arith.cmpi sgt, %scan3A_175, %sign3A : i32
      %sign3A_178 = arith.extui %sign3A_177 : i1 to i32
      %sign3A_179 = arith.constant 0 : i32
      %sign3A_180 = arith.cmpi slt, %scan3A_175, %sign3A_179 : i32
      %sign3A_181 = arith.extui %sign3A_180 : i1 to i32
      %sign3A_182 = arith.subi %sign3A_178, %sign3A_181 : i32
      %sign3A_183 = arith.constant 0 : i32
      %sign3A_184 = arith.cmpi sgt, %jit3A, %sign3A_183 : i32
      %sign3A_185 = arith.extui %sign3A_184 : i1 to i32
      %sign3A_186 = arith.constant 0 : i32
      %sign3A_187 = arith.cmpi slt, %jit3A, %sign3A_186 : i32
      %sign3A_188 = arith.extui %sign3A_187 : i1 to i32
      %sign3A_189 = arith.subi %sign3A_185, %sign3A_188 : i32
      %ne3A = arith.cmpi ne, %sign3A_182, %sign3A_189 : i32
      %rem3A = arith.remsi %scan3A_175, %jit3A : i32
      %ne3A_190 = arith.constant 0 : i32
      %ne3A_191 = arith.cmpi ne, %rem3A, %ne3A_190 : i32
      %and3A = arith.andi %ne3A, %ne3A_191 : i1
      %sub3A = arith.constant 1 : i32
      %sub3A_192 = arith.subi %div3A, %sub3A : i32
      %select_n3A = arith.select %and3A, %sub3A_192, %div3A : i32
      %jit3A_193 = arith.constant 4 : i32
      %eq3A = arith.constant 0 : i32
      %eq3A_194 = arith.cmpi eq, %jit3A_193, %eq3A : i32
      %jit3A_195 = arith.constant 1 : i32
      %select_n3A_196 = arith.select %eq3A_194, %jit3A_195, %jit3A_193 : i32
      %rem3A_197 = arith.remsi %scan3A_175, %select_n3A_196 : i32
      %ne3A_198 = arith.constant 0 : i32
      %ne3A_199 = arith.cmpi ne, %rem3A_197, %ne3A_198 : i32
      %lt3A = arith.constant 0 : i32
      %lt3A_200 = arith.cmpi slt, %rem3A_197, %lt3A : i32
      %lt3A_201 = arith.constant 0 : i32
      %lt3A_202 = arith.cmpi slt, %select_n3A_196, %lt3A_201 : i32
      %ne3A_203 = arith.xori %lt3A_200, %lt3A_202 : i1
      %and3A_204 = arith.andi %ne3A_203, %ne3A_199 : i1
      %add3A_205 = arith.addi %rem3A_197, %select_n3A_196 : i32
      %select_n3A_206 = arith.select %and3A_204, %add3A_205, %rem3A_197 : i32
      %broadcast_in_dim3A = arith.constant 0.000000e+00 : f32
      %broadcast_in_dim3A_207 = vector.broadcast %broadcast_in_dim3A : f32 to vector<16xf32>
      %mul3A_208 = arith.constant 16 : i32
      %mul3A_209 = arith.muli %select_n3A_206, %mul3A_208 : i32
      %swap3A = arith.constant 0 : i32
      %swap3A_210 = arith.index_cast %swap3A : i32 to index
      %swap3A_211 = arith.index_cast %select_n3A : i32 to index
      %swap3A_212 = arith.index_cast %mul3A_209 : i32 to index
      %swap3A_213 = tpu.vector_load %arg8[%swap3A_210, %swap3A_211, %swap3A_212] {strides = array<i32>} : memref<4x125x64xf32, #tpu.memory_space<vmem>>, vector<1x1x16xf32>,
      %swap3A_214 = vector.shape_cast %swap3A_213 : vector<1x1x16xf32> to vector<16xf32>
      %swap3A_215 = vector.shape_cast %broadcast_in_dim3A_207 : vector<16xf32> to vector<1x1x16xf32>
      tpu.vector_store %arg8[%swap3A_210, %swap3A_211, %swap3A_212], %swap3A_215 {strides = array<i32>} : memref<4x125x64xf32, #tpu.memory_space<vmem>>, vector<1x1x16xf32>,
      %scan3A_216 = arith.constant 0 : i32
      scf.yield %scan3A_216 : i32
    }
    %scan3A_52 = arith.constant 500 : i32
    %mul3A = arith.constant 632 : i32
    %mul3A_53 = arith.muli %arg1, %mul3A : i32
    %add3A = arith.constant 0 : i32
    %add3A_54 = arith.addi %mul3A_53, %add3A : i32
    %run_scoped3A = arith.constant 0 : i32
    "tpu.region"() ({
      %run_scoped3A_175 = tpu.sem_alloc : memref<!tpu.dma_semaphore, #tpu.memory_space<semaphore_mem>>
      %dma_start3A_176 = arith.constant 0 : i32
      %dma_start3A_177 = arith.constant 0 : i32
      %dma_start3A_178 = tpu.memref_slice %arg8[%run_scoped3A, %dma_start3A_176, %dma_start3A_177] : memref<4x125x64xf32, #tpu.memory_space<vmem>> -> memref<1x125x64xf32, #tpu.memory_space<vmem>>
      %dma_start3A_179 = tpu.memref_squeeze %dma_start3A_178 : memref<1x125x64xf32, #tpu.memory_space<vmem>> -> memref<125x64xf32, #tpu.memory_space<vmem>>
      %dma_start3A_180 = arith.constant 0 : i32
      %dma_start3A_181 = tpu.memref_slice %arg9[%add3A_54, %dma_start3A_180] : memref<10112x64xf32, #tpu.memory_space<vmem_shared>> -> memref<125x64xf32, #tpu.memory_space<vmem_shared>>
      %dma_start3A_182 = arith.constant 0 : i32
      %dma_start3A_183 = tpu.memref_slice %arg9[%add3A_54, %dma_start3A_182] : memref<10112x64xf32, #tpu.memory_space<vmem_shared>> -> memref<125x64xf32, #tpu.memory_space<vmem_shared>>
      %dma_start3A_184 = arith.constant 0 : i32
      %dma_start3A_185 = arith.constant 0 : i32
      %dma_start3A_186 = tpu.memref_slice %arg8[%run_scoped3A, %dma_start3A_184, %dma_start3A_185] : memref<4x125x64xf32, #tpu.memory_space<vmem>> -> memref<1x125x64xf32, #tpu.memory_space<vmem>>
      %dma_start3A_187 = tpu.memref_squeeze %dma_start3A_186 : memref<1x125x64xf32, #tpu.memory_space<vmem>> -> memref<125x64xf32, #tpu.memory_space<vmem>>
      tpu.enqueue_dma source(%dma_start3A_187 : memref<125x64xf32, #tpu.memory_space<vmem>>) target(%dma_start3A_183 : memref<125x64xf32, #tpu.memory_space<vmem_shared>>) target_semaphore(%run_scoped3A_175 : memref<!tpu.dma_semaphore, #tpu.memory_space<semaphore_mem>>)
      %dma_wait3A_188 = arith.constant 0 : i32
      %dma_wait3A_189 = arith.constant 0 : i32
      %dma_wait3A_190 = tpu.memref_slice %arg8[%run_scoped3A, %dma_wait3A_188, %dma_wait3A_189] : memref<4x125x64xf32, #tpu.memory_space<vmem>> -> memref<1x125x64xf32, #tpu.memory_space<vmem>>
      %dma_wait3A_191 = tpu.memref_squeeze %dma_wait3A_190 : memref<1x125x64xf32, #tpu.memory_space<vmem>> -> memref<125x64xf32, #tpu.memory_space<vmem>>
      %dma_wait3A_192 = arith.constant 0 : i32
      %dma_wait3A_193 = tpu.memref_slice %arg9[%add3A_54, %dma_wait3A_192] : memref<10112x64xf32, #tpu.memory_space<vmem_shared>> -> memref<125x64xf32, #tpu.memory_space<vmem_shared>>
      %dma_wait3A_194 = arith.constant 0 : i32
      %dma_wait3A_195 = tpu.memref_slice %arg9[%add3A_54, %dma_wait3A_194] : memref<10112x64xf32, #tpu.memory_space<vmem_shared>> -> memref<125x64xf32, #tpu.memory_space<vmem_shared>>
      %dma_wait3A_196 = arith.constant 0 : i32
      %dma_wait3A_197 = arith.constant 0 : i32
      %dma_wait3A_198 = tpu.memref_slice %arg8[%run_scoped3A, %dma_wait3A_196, %dma_wait3A_197] : memref<4x125x64xf32, #tpu.memory_space<vmem>> -> memref<1x125x64xf32, #tpu.memory_space<vmem>>
      %dma_wait3A_199 = tpu.memref_squeeze %dma_wait3A_198 : memref<1x125x64xf32, #tpu.memory_space<vmem>> -> memref<125x64xf32, #tpu.memory_space<vmem>>
      tpu.wait_dma2 semaphore(%run_scoped3A_175 : memref<!tpu.dma_semaphore, #tpu.memory_space<semaphore_mem>>) src(%dma_wait3A_199 : memref<125x64xf32, #tpu.memory_space<vmem>>) dst(%dma_wait3A_195 : memref<125x64xf32, #tpu.memory_space<vmem_shared>>)
      tpu.yield
    }) : () -> ()
    %add3A_55 = arith.constant 125 : i32
    %add3A_56 = arith.addi %mul3A_53, %add3A_55 : i32
    %run_scoped3A_57 = arith.constant 0 : i32
    "tpu.region"() ({
      %run_scoped3A_175 = tpu.sem_alloc : memref<!tpu.dma_semaphore, #tpu.memory_space<semaphore_mem>>
      %dma_start3A_176 = arith.constant 0 : i32
      %dma_start3A_177 = arith.constant 0 : i32
      %dma_start3A_178 = tpu.memref_slice %arg8[%run_scoped3A_57, %dma_start3A_176, %dma_start3A_177] : memref<4x125x64xf32, #tpu.memory_space<vmem>> -> memref<1x125x64xf32, #tpu.memory_space<vmem>>
      %dma_start3A_179 = tpu.memref_squeeze %dma_start3A_178 : memref<1x125x64xf32, #tpu.memory_space<vmem>> -> memref<125x64xf32, #tpu.memory_space<vmem>>
      %dma_start3A_180 = arith.constant 0 : i32
      %dma_start3A_181 = tpu.memref_slice %arg9[%add3A_56, %dma_start3A_180] : memref<10112x64xf32, #tpu.memory_space<vmem_shared>> -> memref<125x64xf32, #tpu.memory_space<vmem_shared>>
      %dma_start3A_182 = arith.constant 0 : i32
      %dma_start3A_183 = tpu.memref_slice %arg9[%add3A_56, %dma_start3A_182] : memref<10112x64xf32, #tpu.memory_space<vmem_shared>> -> memref<125x64xf32, #tpu.memory_space<vmem_shared>>
      %dma_start3A_184 = arith.constant 0 : i32
      %dma_start3A_185 = arith.constant 0 : i32
      %dma_start3A_186 = tpu.memref_slice %arg8[%run_scoped3A_57, %dma_start3A_184, %dma_start3A_185] : memref<4x125x64xf32, #tpu.memory_space<vmem>> -> memref<1x125x64xf32, #tpu.memory_space<vmem>>
      %dma_start3A_187 = tpu.memref_squeeze %dma_start3A_186 : memref<1x125x64xf32, #tpu.memory_space<vmem>> -> memref<125x64xf32, #tpu.memory_space<vmem>>
      tpu.enqueue_dma source(%dma_start3A_187 : memref<125x64xf32, #tpu.memory_space<vmem>>) target(%dma_start3A_183 : memref<125x64xf32, #tpu.memory_space<vmem_shared>>) target_semaphore(%run_scoped3A_175 : memref<!tpu.dma_semaphore, #tpu.memory_space<semaphore_mem>>)
      %dma_wait3A_188 = arith.constant 0 : i32
      %dma_wait3A_189 = arith.constant 0 : i32
      %dma_wait3A_190 = tpu.memref_slice %arg8[%run_scoped3A_57, %dma_wait3A_188, %dma_wait3A_189] : memref<4x125x64xf32, #tpu.memory_space<vmem>> -> memref<1x125x64xf32, #tpu.memory_space<vmem>>
      %dma_wait3A_191 = tpu.memref_squeeze %dma_wait3A_190 : memref<1x125x64xf32, #tpu.memory_space<vmem>> -> memref<125x64xf32, #tpu.memory_space<vmem>>
      %dma_wait3A_192 = arith.constant 0 : i32
      %dma_wait3A_193 = tpu.memref_slice %arg9[%add3A_56, %dma_wait3A_192] : memref<10112x64xf32, #tpu.memory_space<vmem_shared>> -> memref<125x64xf32, #tpu.memory_space<vmem_shared>>
      %dma_wait3A_194 = arith.constant 0 : i32
      %dma_wait3A_195 = tpu.memref_slice %arg9[%add3A_56, %dma_wait3A_194] : memref<10112x64xf32, #tpu.memory_space<vmem_shared>> -> memref<125x64xf32, #tpu.memory_space<vmem_shared>>
      %dma_wait3A_196 = arith.constant 0 : i32
      %dma_wait3A_197 = arith.constant 0 : i32
      %dma_wait3A_198 = tpu.memref_slice %arg8[%run_scoped3A_57, %dma_wait3A_196, %dma_wait3A_197] : memref<4x125x64xf32, #tpu.memory_space<vmem>> -> memref<1x125x64xf32, #tpu.memory_space<vmem>>
      %dma_wait3A_199 = tpu.memref_squeeze %dma_wait3A_198 : memref<1x125x64xf32, #tpu.memory_space<vmem>> -> memref<125x64xf32, #tpu.memory_space<vmem>>
      tpu.wait_dma2 semaphore(%run_scoped3A_175 : memref<!tpu.dma_semaphore, #tpu.memory_space<semaphore_mem>>) src(%dma_wait3A_199 : memref<125x64xf32, #tpu.memory_space<vmem>>) dst(%dma_wait3A_195 : memref<125x64xf32, #tpu.memory_space<vmem_shared>>)
      tpu.yield
    }) : () -> ()
    %add3A_58 = arith.constant 250 : i32
    %add3A_59 = arith.addi %mul3A_53, %add3A_58 : i32
    %run_scoped3A_60 = arith.constant 0 : i32
    "tpu.region"() ({
      %run_scoped3A_175 = tpu.sem_alloc : memref<!tpu.dma_semaphore, #tpu.memory_space<semaphore_mem>>
      %dma_start3A_176 = arith.constant 0 : i32
      %dma_start3A_177 = arith.constant 0 : i32
      %dma_start3A_178 = tpu.memref_slice %arg8[%run_scoped3A_60, %dma_start3A_176, %dma_start3A_177] : memref<4x125x64xf32, #tpu.memory_space<vmem>> -> memref<1x125x64xf32, #tpu.memory_space<vmem>>
      %dma_start3A_179 = tpu.memref_squeeze %dma_start3A_178 : memref<1x125x64xf32, #tpu.memory_space<vmem>> -> memref<125x64xf32, #tpu.memory_space<vmem>>
      %dma_start3A_180 = arith.constant 0 : i32
      %dma_start3A_181 = tpu.memref_slice %arg9[%add3A_59, %dma_start3A_180] : memref<10112x64xf32, #tpu.memory_space<vmem_shared>> -> memref<125x64xf32, #tpu.memory_space<vmem_shared>>
      %dma_start3A_182 = arith.constant 0 : i32
      %dma_start3A_183 = tpu.memref_slice %arg9[%add3A_59, %dma_start3A_182] : memref<10112x64xf32, #tpu.memory_space<vmem_shared>> -> memref<125x64xf32, #tpu.memory_space<vmem_shared>>
      %dma_start3A_184 = arith.constant 0 : i32
      %dma_start3A_185 = arith.constant 0 : i32
      %dma_start3A_186 = tpu.memref_slice %arg8[%run_scoped3A_60, %dma_start3A_184, %dma_start3A_185] : memref<4x125x64xf32, #tpu.memory_space<vmem>> -> memref<1x125x64xf32, #tpu.memory_space<vmem>>
      %dma_start3A_187 = tpu.memref_squeeze %dma_start3A_186 : memref<1x125x64xf32, #tpu.memory_space<vmem>> -> memref<125x64xf32, #tpu.memory_space<vmem>>
      tpu.enqueue_dma source(%dma_start3A_187 : memref<125x64xf32, #tpu.memory_space<vmem>>) target(%dma_start3A_183 : memref<125x64xf32, #tpu.memory_space<vmem_shared>>) target_semaphore(%run_scoped3A_175 : memref<!tpu.dma_semaphore, #tpu.memory_space<semaphore_mem>>)
      %dma_wait3A_188 = arith.constant 0 : i32
      %dma_wait3A_189 = arith.constant 0 : i32
      %dma_wait3A_190 = tpu.memref_slice %arg8[%run_scoped3A_60, %dma_wait3A_188, %dma_wait3A_189] : memref<4x125x64xf32, #tpu.memory_space<vmem>> -> memref<1x125x64xf32, #tpu.memory_space<vmem>>
      %dma_wait3A_191 = tpu.memref_squeeze %dma_wait3A_190 : memref<1x125x64xf32, #tpu.memory_space<vmem>> -> memref<125x64xf32, #tpu.memory_space<vmem>>
      %dma_wait3A_192 = arith.constant 0 : i32
      %dma_wait3A_193 = tpu.memref_slice %arg9[%add3A_59, %dma_wait3A_192] : memref<10112x64xf32, #tpu.memory_space<vmem_shared>> -> memref<125x64xf32, #tpu.memory_space<vmem_shared>>
      %dma_wait3A_194 = arith.constant 0 : i32
      %dma_wait3A_195 = tpu.memref_slice %arg9[%add3A_59, %dma_wait3A_194] : memref<10112x64xf32, #tpu.memory_space<vmem_shared>> -> memref<125x64xf32, #tpu.memory_space<vmem_shared>>
      %dma_wait3A_196 = arith.constant 0 : i32
      %dma_wait3A_197 = arith.constant 0 : i32
      %dma_wait3A_198 = tpu.memref_slice %arg8[%run_scoped3A_60, %dma_wait3A_196, %dma_wait3A_197] : memref<4x125x64xf32, #tpu.memory_space<vmem>> -> memref<1x125x64xf32, #tpu.memory_space<vmem>>
      %dma_wait3A_199 = tpu.memref_squeeze %dma_wait3A_198 : memref<1x125x64xf32, #tpu.memory_space<vmem>> -> memref<125x64xf32, #tpu.memory_space<vmem>>
      tpu.wait_dma2 semaphore(%run_scoped3A_175 : memref<!tpu.dma_semaphore, #tpu.memory_space<semaphore_mem>>) src(%dma_wait3A_199 : memref<125x64xf32, #tpu.memory_space<vmem>>) dst(%dma_wait3A_195 : memref<125x64xf32, #tpu.memory_space<vmem_shared>>)
      tpu.yield
    }) : () -> ()
    %add3A_61 = arith.constant 375 : i32
    %add3A_62 = arith.addi %mul3A_53, %add3A_61 : i32
    %run_scoped3A_63 = arith.constant 0 : i32
    "tpu.region"() ({
      %run_scoped3A_175 = tpu.sem_alloc : memref<!tpu.dma_semaphore, #tpu.memory_space<semaphore_mem>>
      %dma_start3A_176 = arith.constant 0 : i32
      %dma_start3A_177 = arith.constant 0 : i32
      %dma_start3A_178 = tpu.memref_slice %arg8[%run_scoped3A_63, %dma_start3A_176, %dma_start3A_177] : memref<4x125x64xf32, #tpu.memory_space<vmem>> -> memref<1x125x64xf32, #tpu.memory_space<vmem>>
      %dma_start3A_179 = tpu.memref_squeeze %dma_start3A_178 : memref<1x125x64xf32, #tpu.memory_space<vmem>> -> memref<125x64xf32, #tpu.memory_space<vmem>>
      %dma_start3A_180 = arith.constant 0 : i32
      %dma_start3A_181 = tpu.memref_slice %arg9[%add3A_62, %dma_start3A_180] : memref<10112x64xf32, #tpu.memory_space<vmem_shared>> -> memref<125x64xf32, #tpu.memory_space<vmem_shared>>
      %dma_start3A_182 = arith.constant 0 : i32
      %dma_start3A_183 = tpu.memref_slice %arg9[%add3A_62, %dma_start3A_182] : memref<10112x64xf32, #tpu.memory_space<vmem_shared>> -> memref<125x64xf32, #tpu.memory_space<vmem_shared>>
      %dma_start3A_184 = arith.constant 0 : i32
      %dma_start3A_185 = arith.constant 0 : i32
      %dma_start3A_186 = tpu.memref_slice %arg8[%run_scoped3A_63, %dma_start3A_184, %dma_start3A_185] : memref<4x125x64xf32, #tpu.memory_space<vmem>> -> memref<1x125x64xf32, #tpu.memory_space<vmem>>
      %dma_start3A_187 = tpu.memref_squeeze %dma_start3A_186 : memref<1x125x64xf32, #tpu.memory_space<vmem>> -> memref<125x64xf32, #tpu.memory_space<vmem>>
      tpu.enqueue_dma source(%dma_start3A_187 : memref<125x64xf32, #tpu.memory_space<vmem>>) target(%dma_start3A_183 : memref<125x64xf32, #tpu.memory_space<vmem_shared>>) target_semaphore(%run_scoped3A_175 : memref<!tpu.dma_semaphore, #tpu.memory_space<semaphore_mem>>)
      %dma_wait3A_188 = arith.constant 0 : i32
      %dma_wait3A_189 = arith.constant 0 : i32
      %dma_wait3A_190 = tpu.memref_slice %arg8[%run_scoped3A_63, %dma_wait3A_188, %dma_wait3A_189] : memref<4x125x64xf32, #tpu.memory_space<vmem>> -> memref<1x125x64xf32, #tpu.memory_space<vmem>>
      %dma_wait3A_191 = tpu.memref_squeeze %dma_wait3A_190 : memref<1x125x64xf32, #tpu.memory_space<vmem>> -> memref<125x64xf32, #tpu.memory_space<vmem>>
      %dma_wait3A_192 = arith.constant 0 : i32
      %dma_wait3A_193 = tpu.memref_slice %arg9[%add3A_62, %dma_wait3A_192] : memref<10112x64xf32, #tpu.memory_space<vmem_shared>> -> memref<125x64xf32, #tpu.memory_space<vmem_shared>>
      %dma_wait3A_194 = arith.constant 0 : i32
      %dma_wait3A_195 = tpu.memref_slice %arg9[%add3A_62, %dma_wait3A_194] : memref<10112x64xf32, #tpu.memory_space<vmem_shared>> -> memref<125x64xf32, #tpu.memory_space<vmem_shared>>
      %dma_wait3A_196 = arith.constant 0 : i32
      %dma_wait3A_197 = arith.constant 0 : i32
      %dma_wait3A_198 = tpu.memref_slice %arg8[%run_scoped3A_63, %dma_wait3A_196, %dma_wait3A_197] : memref<4x125x64xf32, #tpu.memory_space<vmem>> -> memref<1x125x64xf32, #tpu.memory_space<vmem>>
      %dma_wait3A_199 = tpu.memref_squeeze %dma_wait3A_198 : memref<1x125x64xf32, #tpu.memory_space<vmem>> -> memref<125x64xf32, #tpu.memory_space<vmem>>
      tpu.wait_dma2 semaphore(%run_scoped3A_175 : memref<!tpu.dma_semaphore, #tpu.memory_space<semaphore_mem>>) src(%dma_wait3A_199 : memref<125x64xf32, #tpu.memory_space<vmem>>) dst(%dma_wait3A_195 : memref<125x64xf32, #tpu.memory_space<vmem_shared>>)
      tpu.yield
    }) : () -> ()
    %add3A_64 = arith.constant 500 : i32
    %add3A_65 = arith.addi %mul3A_53, %add3A_64 : i32
    %run_scoped3A_66 = arith.constant 0 : i32
    "tpu.region"() ({
      %run_scoped3A_175 = tpu.sem_alloc : memref<!tpu.dma_semaphore, #tpu.memory_space<semaphore_mem>>
      %dma_start3A_176 = arith.constant 0 : i32
      %dma_start3A_177 = arith.constant 0 : i32
      %dma_start3A_178 = tpu.memref_slice %arg8[%run_scoped3A_66, %dma_start3A_176, %dma_start3A_177] : memref<4x125x64xf32, #tpu.memory_space<vmem>> -> memref<1x125x64xf32, #tpu.memory_space<vmem>>
      %dma_start3A_179 = tpu.memref_squeeze %dma_start3A_178 : memref<1x125x64xf32, #tpu.memory_space<vmem>> -> memref<125x64xf32, #tpu.memory_space<vmem>>
      %dma_start3A_180 = arith.constant 0 : i32
      %dma_start3A_181 = tpu.memref_slice %arg9[%add3A_65, %dma_start3A_180] : memref<10112x64xf32, #tpu.memory_space<vmem_shared>> -> memref<125x64xf32, #tpu.memory_space<vmem_shared>>
      %dma_start3A_182 = arith.constant 0 : i32
      %dma_start3A_183 = tpu.memref_slice %arg9[%add3A_65, %dma_start3A_182] : memref<10112x64xf32, #tpu.memory_space<vmem_shared>> -> memref<125x64xf32, #tpu.memory_space<vmem_shared>>
      %dma_start3A_184 = arith.constant 0 : i32
      %dma_start3A_185 = arith.constant 0 : i32
      %dma_start3A_186 = tpu.memref_slice %arg8[%run_scoped3A_66, %dma_start3A_184, %dma_start3A_185] : memref<4x125x64xf32, #tpu.memory_space<vmem>> -> memref<1x125x64xf32, #tpu.memory_space<vmem>>
      %dma_start3A_187 = tpu.memref_squeeze %dma_start3A_186 : memref<1x125x64xf32, #tpu.memory_space<vmem>> -> memref<125x64xf32, #tpu.memory_space<vmem>>
      tpu.enqueue_dma source(%dma_start3A_187 : memref<125x64xf32, #tpu.memory_space<vmem>>) target(%dma_start3A_183 : memref<125x64xf32, #tpu.memory_space<vmem_shared>>) target_semaphore(%run_scoped3A_175 : memref<!tpu.dma_semaphore, #tpu.memory_space<semaphore_mem>>)
      %dma_wait3A_188 = arith.constant 0 : i32
      %dma_wait3A_189 = arith.constant 0 : i32
      %dma_wait3A_190 = tpu.memref_slice %arg8[%run_scoped3A_66, %dma_wait3A_188, %dma_wait3A_189] : memref<4x125x64xf32, #tpu.memory_space<vmem>> -> memref<1x125x64xf32, #tpu.memory_space<vmem>>
      %dma_wait3A_191 = tpu.memref_squeeze %dma_wait3A_190 : memref<1x125x64xf32, #tpu.memory_space<vmem>> -> memref<125x64xf32, #tpu.memory_space<vmem>>
      %dma_wait3A_192 = arith.constant 0 : i32
      %dma_wait3A_193 = tpu.memref_slice %arg9[%add3A_65, %dma_wait3A_192] : memref<10112x64xf32, #tpu.memory_space<vmem_shared>> -> memref<125x64xf32, #tpu.memory_space<vmem_shared>>
      %dma_wait3A_194 = arith.constant 0 : i32
      %dma_wait3A_195 = tpu.memref_slice %arg9[%add3A_65, %dma_wait3A_194] : memref<10112x64xf32, #tpu.memory_space<vmem_shared>> -> memref<125x64xf32, #tpu.memory_space<vmem_shared>>
      %dma_wait3A_196 = arith.constant 0 : i32
      %dma_wait3A_197 = arith.constant 0 : i32
      %dma_wait3A_198 = tpu.memref_slice %arg8[%run_scoped3A_66, %dma_wait3A_196, %dma_wait3A_197] : memref<4x125x64xf32, #tpu.memory_space<vmem>> -> memref<1x125x64xf32, #tpu.memory_space<vmem>>
      %dma_wait3A_199 = tpu.memref_squeeze %dma_wait3A_198 : memref<1x125x64xf32, #tpu.memory_space<vmem>> -> memref<125x64xf32, #tpu.memory_space<vmem>>
      tpu.wait_dma2 semaphore(%run_scoped3A_175 : memref<!tpu.dma_semaphore, #tpu.memory_space<semaphore_mem>>) src(%dma_wait3A_199 : memref<125x64xf32, #tpu.memory_space<vmem>>) dst(%dma_wait3A_195 : memref<125x64xf32, #tpu.memory_space<vmem_shared>>)
      tpu.yield
    }) : () -> ()
    %add3A_67 = arith.constant 625 : i32
    %add3A_68 = arith.addi %mul3A_53, %add3A_67 : i32
    %run_scoped3A_69 = arith.constant 0 : i32
    "tpu.region"() ({
      %run_scoped3A_175 = tpu.sem_alloc : memref<!tpu.dma_semaphore, #tpu.memory_space<semaphore_mem>>
      %dma_start3A_176 = arith.constant 0 : i32
      %dma_start3A_177 = arith.constant 0 : i32
      %dma_start3A_178 = tpu.memref_slice %arg8[%run_scoped3A_69, %dma_start3A_176, %dma_start3A_177] : memref<4x125x64xf32, #tpu.memory_space<vmem>> -> memref<1x7x64xf32, #tpu.memory_space<vmem>>
      %dma_start3A_179 = tpu.memref_squeeze %dma_start3A_178 : memref<1x7x64xf32, #tpu.memory_space<vmem>> -> memref<7x64xf32, #tpu.memory_space<vmem>>
      %dma_start3A_180 = arith.constant 0 : i32
      %dma_start3A_181 = tpu.memref_slice %arg9[%add3A_68, %dma_start3A_180] : memref<10112x64xf32, #tpu.memory_space<vmem_shared>> -> memref<7x64xf32, #tpu.memory_space<vmem_shared>>
      %dma_start3A_182 = arith.constant 0 : i32
      %dma_start3A_183 = tpu.memref_slice %arg9[%add3A_68, %dma_start3A_182] : memref<10112x64xf32, #tpu.memory_space<vmem_shared>> -> memref<7x64xf32, #tpu.memory_space<vmem_shared>>
      %dma_start3A_184 = arith.constant 0 : i32
      %dma_start3A_185 = arith.constant 0 : i32
      %dma_start3A_186 = tpu.memref_slice %arg8[%run_scoped3A_69, %dma_start3A_184, %dma_start3A_185] : memref<4x125x64xf32, #tpu.memory_space<vmem>> -> memref<1x7x64xf32, #tpu.memory_space<vmem>>
      %dma_start3A_187 = tpu.memref_squeeze %dma_start3A_186 : memref<1x7x64xf32, #tpu.memory_space<vmem>> -> memref<7x64xf32, #tpu.memory_space<vmem>>
      tpu.enqueue_dma source(%dma_start3A_187 : memref<7x64xf32, #tpu.memory_space<vmem>>) target(%dma_start3A_183 : memref<7x64xf32, #tpu.memory_space<vmem_shared>>) target_semaphore(%run_scoped3A_175 : memref<!tpu.dma_semaphore, #tpu.memory_space<semaphore_mem>>)
      %dma_wait3A_188 = arith.constant 0 : i32
      %dma_wait3A_189 = arith.constant 0 : i32
      %dma_wait3A_190 = tpu.memref_slice %arg8[%run_scoped3A_69, %dma_wait3A_188, %dma_wait3A_189] : memref<4x125x64xf32, #tpu.memory_space<vmem>> -> memref<1x7x64xf32, #tpu.memory_space<vmem>>
      %dma_wait3A_191 = tpu.memref_squeeze %dma_wait3A_190 : memref<1x7x64xf32, #tpu.memory_space<vmem>> -> memref<7x64xf32, #tpu.memory_space<vmem>>
      %dma_wait3A_192 = arith.constant 0 : i32
      %dma_wait3A_193 = tpu.memref_slice %arg9[%add3A_68, %dma_wait3A_192] : memref<10112x64xf32, #tpu.memory_space<vmem_shared>> -> memref<7x64xf32, #tpu.memory_space<vmem_shared>>
      %dma_wait3A_194 = arith.constant 0 : i32
      %dma_wait3A_195 = tpu.memref_slice %arg9[%add3A_68, %dma_wait3A_194] : memref<10112x64xf32, #tpu.memory_space<vmem_shared>> -> memref<7x64xf32, #tpu.memory_space<vmem_shared>>
      %dma_wait3A_196 = arith.constant 0 : i32
      %dma_wait3A_197 = arith.constant 0 : i32
      %dma_wait3A_198 = tpu.memref_slice %arg8[%run_scoped3A_69, %dma_wait3A_196, %dma_wait3A_197] : memref<4x125x64xf32, #tpu.memory_space<vmem>> -> memref<1x7x64xf32, #tpu.memory_space<vmem>>
      %dma_wait3A_199 = tpu.memref_squeeze %dma_wait3A_198 : memref<1x7x64xf32, #tpu.memory_space<vmem>> -> memref<7x64xf32, #tpu.memory_space<vmem>>
      tpu.wait_dma2 semaphore(%run_scoped3A_175 : memref<!tpu.dma_semaphore, #tpu.memory_space<semaphore_mem>>) src(%dma_wait3A_199 : memref<7x64xf32, #tpu.memory_space<vmem>>) dst(%dma_wait3A_195 : memref<7x64xf32, #tpu.memory_space<vmem_shared>>)
      tpu.yield
    }) : () -> ()
    %barrier3A = arith.constant 0 : index
    tpu.barrier barrier_id(%barrier3A)
    %dma_start3A_70 = arith.constant 0 : i32
    %dma_start3A_71 = arith.constant 0 : i32
    %dma_start3A_72 = arith.constant 0 : i32
    %dma_start3A_73 = arith.constant 0 : i32
    %dma_start3A_74 = tpu.memref_slice %arg8[%dma_start3A_71, %dma_start3A_72, %dma_start3A_73] : memref<4x125x64xf32, #tpu.memory_space<vmem>> -> memref<1x125x64xf32, #tpu.memory_space<vmem>>
    %dma_start3A_75 = tpu.memref_squeeze %dma_start3A_74 : memref<1x125x64xf32, #tpu.memory_space<vmem>> -> memref<125x64xf32, #tpu.memory_space<vmem>>
    %dma_start3A_76 = arith.constant 0 : i32
    %dma_start3A_77 = tpu.memref_slice %arg6[%dma_start3A_70, %dma_start3A_76] : memref<78x125xi32, #tpu.memory_space<vmem>> -> memref<1x125xi32, #tpu.memory_space<vmem>>
    %dma_start3A_78 = tpu.memref_squeeze %dma_start3A_77 : memref<1x125xi32, #tpu.memory_space<vmem>> -> memref<125xi32, #tpu.memory_space<vmem>>
    %dma_start3A_79 = arith.constant 0 : i32
    %dma_start3A_80 = arith.constant 0 : i32
    %dma_start3A_81 = tpu.memref_slice %arg2[%arg0, %dma_start3A_79, %dma_start3A_80] : memref<2x133120x64xf32, #tpu.memory_space<hbm>> -> memref<1x133120x64xf32, #tpu.memory_space<hbm>>
    %dma_start3A_82 = tpu.memref_squeeze %dma_start3A_81 : memref<1x133120x64xf32, #tpu.memory_space<hbm>> -> memref<133120x64xf32, #tpu.memory_space<hbm>>
    %dma_start3A_83 = arith.constant 0 : i32
    %dma_start3A_84 = arith.constant 0 : i32
    %dma_start3A_85 = tpu.memref_slice %dma_start3A_82[%dma_start3A_83, %dma_start3A_84] : memref<133120x64xf32, #tpu.memory_space<hbm>> -> memref<133120x64xf32, #tpu.memory_space<hbm>>
    tpu.enqueue_indirect_dma source(%dma_start3A_85 : memref<133120x64xf32, #tpu.memory_space<hbm>>) target(%dma_start3A_75 : memref<125x64xf32, #tpu.memory_space<vmem>>) offsets(%dma_start3A_78 : memref<125xi32, #tpu.memory_space<vmem>>) semaphore(%arg10 : memref<!tpu.dma_semaphore, #tpu.memory_space<semaphore_mem>>)
    %scan3A_86 = arith.constant 0 : i32
    %scan3A_87 = arith.constant 0 : i32
    %scan3A_88 = arith.constant 19 : i32
    %scan3A_89 = arith.addi %scan3A_87, %scan3A_88 : i32
    %scan3A_90 = arith.constant 1 : i32
    %scan3A_91 = scf.for %scan3A_175 = %scan3A_87 to %scan3A_89 step %scan3A_90 iter_args(%scan3A_176 = %scan3A_86) -> (i32)  : i32 {
      %mul3A_177 = arith.constant 4 : i32
      %mul3A_178 = arith.muli %scan3A_175, %mul3A_177 : i32
      %dma_wait3A_179 = arith.constant 0 : i32
      %dma_wait3A_180 = arith.constant 0 : i32
      %dma_wait3A_181 = arith.constant 0 : i32
      %dma_wait3A_182 = arith.constant 0 : i32
      %dma_wait3A_183 = tpu.memref_slice %arg8[%dma_wait3A_180, %dma_wait3A_181, %dma_wait3A_182] : memref<4x125x64xf32, #tpu.memory_space<vmem>> -> memref<1x125x64xf32, #tpu.memory_space<vmem>>
      %dma_wait3A_184 = tpu.memref_squeeze %dma_wait3A_183 : memref<1x125x64xf32, #tpu.memory_space<vmem>> -> memref<125x64xf32, #tpu.memory_space<vmem>>
      %dma_wait3A_185 = arith.constant 0 : i32
      %dma_wait3A_186 = tpu.memref_slice %arg6[%dma_wait3A_179, %dma_wait3A_185] : memref<78x125xi32, #tpu.memory_space<vmem>> -> memref<1x125xi32, #tpu.memory_space<vmem>>
      %dma_wait3A_187 = tpu.memref_squeeze %dma_wait3A_186 : memref<1x125xi32, #tpu.memory_space<vmem>> -> memref<125xi32, #tpu.memory_space<vmem>>
      %dma_wait3A_188 = arith.constant 0 : i32
      %dma_wait3A_189 = arith.constant 0 : i32
      %dma_wait3A_190 = tpu.memref_slice %arg2[%arg0, %dma_wait3A_188, %dma_wait3A_189] : memref<2x133120x64xf32, #tpu.memory_space<hbm>> -> memref<1x133120x64xf32, #tpu.memory_space<hbm>>
      %dma_wait3A_191 = tpu.memref_squeeze %dma_wait3A_190 : memref<1x133120x64xf32, #tpu.memory_space<hbm>> -> memref<133120x64xf32, #tpu.memory_space<hbm>>
      %dma_wait3A_192 = arith.constant 0 : i32
      %dma_wait3A_193 = arith.constant 0 : i32
      %dma_wait3A_194 = tpu.memref_slice %dma_wait3A_191[%dma_wait3A_192, %dma_wait3A_193] : memref<133120x64xf32, #tpu.memory_space<hbm>> -> memref<133120x64xf32, #tpu.memory_space<hbm>>
      tpu.wait_indirect_dma semaphore(%arg10 : memref<!tpu.dma_semaphore, #tpu.memory_space<semaphore_mem>>) src(%dma_wait3A_194 : memref<133120x64xf32, #tpu.memory_space<hbm>>) dst(%dma_wait3A_184 : memref<125x64xf32, #tpu.memory_space<vmem>>)
      %add3A_195 = arith.constant 0 : i32
      %add3A_196 = arith.addi %mul3A_178, %add3A_195 : i32
      %dma_start3A_197 = arith.constant 0 : i32
      %dma_start3A_198 = arith.constant 0 : i32
      %dma_start3A_199 = arith.constant 0 : i32
      %dma_start3A_200 = tpu.memref_slice %arg8[%dma_start3A_197, %dma_start3A_198, %dma_start3A_199] : memref<4x125x64xf32, #tpu.memory_space<vmem>> -> memref<1x125x64xf32, #tpu.memory_space<vmem>>
      %dma_start3A_201 = tpu.memref_squeeze %dma_start3A_200 : memref<1x125x64xf32, #tpu.memory_space<vmem>> -> memref<125x64xf32, #tpu.memory_space<vmem>>
      %dma_start3A_202 = arith.constant 0 : i32
      %dma_start3A_203 = tpu.memref_slice %arg7[%add3A_196, %dma_start3A_202] : memref<78x125xi32, #tpu.memory_space<vmem>> -> memref<1x125xi32, #tpu.memory_space<vmem>>
      %dma_start3A_204 = tpu.memref_squeeze %dma_start3A_203 : memref<1x125xi32, #tpu.memory_space<vmem>> -> memref<125xi32, #tpu.memory_space<vmem>>
      %dma_start3A_205 = arith.constant 0 : i32
      %dma_start3A_206 = arith.constant 0 : i32
      %dma_start3A_207 = tpu.memref_slice %arg9[%dma_start3A_205, %dma_start3A_206] : memref<10112x64xf32, #tpu.memory_space<vmem_shared>> -> memref<10112x64xf32, #tpu.memory_space<vmem_shared>>
      tpu.enqueue_indirect_dma source(%dma_start3A_201 : memref<125x64xf32, #tpu.memory_space<vmem>>) target(%dma_start3A_207 : memref<10112x64xf32, #tpu.memory_space<vmem_shared>>) offsets(%dma_start3A_204 : memref<125xi32, #tpu.memory_space<vmem>>) semaphore(%arg14 : memref<!tpu.dma_semaphore, #tpu.memory_space<semaphore_mem>>) {add = true}
      %dma_wait3A_208 = arith.constant 0 : i32
      %dma_wait3A_209 = arith.constant 1 : i32
      %dma_wait3A_210 = arith.constant 0 : i32
      %dma_wait3A_211 = arith.constant 0 : i32
      %dma_wait3A_212 = tpu.memref_slice %arg8[%dma_wait3A_209, %dma_wait3A_210, %dma_wait3A_211] : memref<4x125x64xf32, #tpu.memory_space<vmem>> -> memref<1x125x64xf32, #tpu.memory_space<vmem>>
      %dma_wait3A_213 = tpu.memref_squeeze %dma_wait3A_212 : memref<1x125x64xf32, #tpu.memory_space<vmem>> -> memref<125x64xf32, #tpu.memory_space<vmem>>
      %dma_wait3A_214 = arith.constant 0 : i32
      %dma_wait3A_215 = tpu.memref_slice %arg6[%dma_wait3A_208, %dma_wait3A_214] : memref<78x125xi32, #tpu.memory_space<vmem>> -> memref<1x125xi32, #tpu.memory_space<vmem>>
      %dma_wait3A_216 = tpu.memref_squeeze %dma_wait3A_215 : memref<1x125xi32, #tpu.memory_space<vmem>> -> memref<125xi32, #tpu.memory_space<vmem>>
      %dma_wait3A_217 = arith.constant 0 : i32
      %dma_wait3A_218 = arith.constant 0 : i32
      %dma_wait3A_219 = tpu.memref_slice %arg2[%arg0, %dma_wait3A_217, %dma_wait3A_218] : memref<2x133120x64xf32, #tpu.memory_space<hbm>> -> memref<1x133120x64xf32, #tpu.memory_space<hbm>>
      %dma_wait3A_220 = tpu.memref_squeeze %dma_wait3A_219 : memref<1x133120x64xf32, #tpu.memory_space<hbm>> -> memref<133120x64xf32, #tpu.memory_space<hbm>>
      %dma_wait3A_221 = arith.constant 0 : i32
      %dma_wait3A_222 = arith.constant 0 : i32
      %dma_wait3A_223 = tpu.memref_slice %dma_wait3A_220[%dma_wait3A_221, %dma_wait3A_222] : memref<133120x64xf32, #tpu.memory_space<hbm>> -> memref<133120x64xf32, #tpu.memory_space<hbm>>
      tpu.wait_indirect_dma semaphore(%arg11 : memref<!tpu.dma_semaphore, #tpu.memory_space<semaphore_mem>>) src(%dma_wait3A_223 : memref<133120x64xf32, #tpu.memory_space<hbm>>) dst(%dma_wait3A_213 : memref<125x64xf32, #tpu.memory_space<vmem>>)
      %add3A_224 = arith.constant 1 : i32
      %add3A_225 = arith.addi %mul3A_178, %add3A_224 : i32
      %dma_start3A_226 = arith.constant 1 : i32
      %dma_start3A_227 = arith.constant 0 : i32
      %dma_start3A_228 = arith.constant 0 : i32
      %dma_start3A_229 = tpu.memref_slice %arg8[%dma_start3A_226, %dma_start3A_227, %dma_start3A_228] : memref<4x125x64xf32, #tpu.memory_space<vmem>> -> memref<1x125x64xf32, #tpu.memory_space<vmem>>
      %dma_start3A_230 = tpu.memref_squeeze %dma_start3A_229 : memref<1x125x64xf32, #tpu.memory_space<vmem>> -> memref<125x64xf32, #tpu.memory_space<vmem>>
      %dma_start3A_231 = arith.constant 0 : i32
      %dma_start3A_232 = tpu.memref_slice %arg7[%add3A_225, %dma_start3A_231] : memref<78x125xi32, #tpu.memory_space<vmem>> -> memref<1x125xi32, #tpu.memory_space<vmem>>
      %dma_start3A_233 = tpu.memref_squeeze %dma_start3A_232 : memref<1x125xi32, #tpu.memory_space<vmem>> -> memref<125xi32, #tpu.memory_space<vmem>>
      %dma_start3A_234 = arith.constant 0 : i32
      %dma_start3A_235 = arith.constant 0 : i32
      %dma_start3A_236 = tpu.memref_slice %arg9[%dma_start3A_234, %dma_start3A_235] : memref<10112x64xf32, #tpu.memory_space<vmem_shared>> -> memref<10112x64xf32, #tpu.memory_space<vmem_shared>>
      tpu.enqueue_indirect_dma source(%dma_start3A_230 : memref<125x64xf32, #tpu.memory_space<vmem>>) target(%dma_start3A_236 : memref<10112x64xf32, #tpu.memory_space<vmem_shared>>) offsets(%dma_start3A_233 : memref<125xi32, #tpu.memory_space<vmem>>) semaphore(%arg15 : memref<!tpu.dma_semaphore, #tpu.memory_space<semaphore_mem>>) {add = true}
      %dma_wait3A_237 = arith.constant 0 : i32
      %dma_wait3A_238 = arith.constant 2 : i32
      %dma_wait3A_239 = arith.constant 0 : i32
      %dma_wait3A_240 = arith.constant 0 : i32
      %dma_wait3A_241 = tpu.memref_slice %arg8[%dma_wait3A_238, %dma_wait3A_239, %dma_wait3A_240] : memref<4x125x64xf32, #tpu.memory_space<vmem>> -> memref<1x125x64xf32, #tpu.memory_space<vmem>>
      %dma_wait3A_242 = tpu.memref_squeeze %dma_wait3A_241 : memref<1x125x64xf32, #tpu.memory_space<vmem>> -> memref<125x64xf32, #tpu.memory_space<vmem>>
      %dma_wait3A_243 = arith.constant 0 : i32
      %dma_wait3A_244 = tpu.memref_slice %arg6[%dma_wait3A_237, %dma_wait3A_243] : memref<78x125xi32, #tpu.memory_space<vmem>> -> memref<1x125xi32, #tpu.memory_space<vmem>>
      %dma_wait3A_245 = tpu.memref_squeeze %dma_wait3A_244 : memref<1x125xi32, #tpu.memory_space<vmem>> -> memref<125xi32, #tpu.memory_space<vmem>>
      %dma_wait3A_246 = arith.constant 0 : i32
      %dma_wait3A_247 = arith.constant 0 : i32
      %dma_wait3A_248 = tpu.memref_slice %arg2[%arg0, %dma_wait3A_246, %dma_wait3A_247] : memref<2x133120x64xf32, #tpu.memory_space<hbm>> -> memref<1x133120x64xf32, #tpu.memory_space<hbm>>
      %dma_wait3A_249 = tpu.memref_squeeze %dma_wait3A_248 : memref<1x133120x64xf32, #tpu.memory_space<hbm>> -> memref<133120x64xf32, #tpu.memory_space<hbm>>
      %dma_wait3A_250 = arith.constant 0 : i32
      %dma_wait3A_251 = arith.constant 0 : i32
      %dma_wait3A_252 = tpu.memref_slice %dma_wait3A_249[%dma_wait3A_250, %dma_wait3A_251] : memref<133120x64xf32, #tpu.memory_space<hbm>> -> memref<133120x64xf32, #tpu.memory_space<hbm>>
      tpu.wait_indirect_dma semaphore(%arg12 : memref<!tpu.dma_semaphore, #tpu.memory_space<semaphore_mem>>) src(%dma_wait3A_252 : memref<133120x64xf32, #tpu.memory_space<hbm>>) dst(%dma_wait3A_242 : memref<125x64xf32, #tpu.memory_space<vmem>>)
      %add3A_253 = arith.constant 2 : i32
      %add3A_254 = arith.addi %mul3A_178, %add3A_253 : i32
      %dma_start3A_255 = arith.constant 2 : i32
      %dma_start3A_256 = arith.constant 0 : i32
      %dma_start3A_257 = arith.constant 0 : i32
      %dma_start3A_258 = tpu.memref_slice %arg8[%dma_start3A_255, %dma_start3A_256, %dma_start3A_257] : memref<4x125x64xf32, #tpu.memory_space<vmem>> -> memref<1x125x64xf32, #tpu.memory_space<vmem>>
      %dma_start3A_259 = tpu.memref_squeeze %dma_start3A_258 : memref<1x125x64xf32, #tpu.memory_space<vmem>> -> memref<125x64xf32, #tpu.memory_space<vmem>>
      %dma_start3A_260 = arith.constant 0 : i32
      %dma_start3A_261 = tpu.memref_slice %arg7[%add3A_254, %dma_start3A_260] : memref<78x125xi32, #tpu.memory_space<vmem>> -> memref<1x125xi32, #tpu.memory_space<vmem>>
      %dma_start3A_262 = tpu.memref_squeeze %dma_start3A_261 : memref<1x125xi32, #tpu.memory_space<vmem>> -> memref<125xi32, #tpu.memory_space<vmem>>
      %dma_start3A_263 = arith.constant 0 : i32
      %dma_start3A_264 = arith.constant 0 : i32
      %dma_start3A_265 = tpu.memref_slice %arg9[%dma_start3A_263, %dma_start3A_264] : memref<10112x64xf32, #tpu.memory_space<vmem_shared>> -> memref<10112x64xf32, #tpu.memory_space<vmem_shared>>
      tpu.enqueue_indirect_dma source(%dma_start3A_259 : memref<125x64xf32, #tpu.memory_space<vmem>>) target(%dma_start3A_265 : memref<10112x64xf32, #tpu.memory_space<vmem_shared>>) offsets(%dma_start3A_262 : memref<125xi32, #tpu.memory_space<vmem>>) semaphore(%arg16 : memref<!tpu.dma_semaphore, #tpu.memory_space<semaphore_mem>>) {add = true}
      %dma_wait3A_266 = arith.constant 0 : i32
      %dma_wait3A_267 = arith.constant 3 : i32
      %dma_wait3A_268 = arith.constant 0 : i32
      %dma_wait3A_269 = arith.constant 0 : i32
      %dma_wait3A_270 = tpu.memref_slice %arg8[%dma_wait3A_267, %dma_wait3A_268, %dma_wait3A_269] : memref<4x125x64xf32, #tpu.memory_space<vmem>> -> memref<1x125x64xf32, #tpu.memory_space<vmem>>
      %dma_wait3A_271 = tpu.memref_squeeze %dma_wait3A_270 : memref<1x125x64xf32, #tpu.memory_space<vmem>> -> memref<125x64xf32, #tpu.memory_space<vmem>>
      %dma_wait3A_272 = arith.constant 0 : i32
      %dma_wait3A_273 = tpu.memref_slice %arg6[%dma_wait3A_266, %dma_wait3A_272] : memref<78x125xi32, #tpu.memory_space<vmem>> -> memref<1x125xi32, #tpu.memory_space<vmem>>
      %dma_wait3A_274 = tpu.memref_squeeze %dma_wait3A_273 : memref<1x125xi32, #tpu.memory_space<vmem>> -> memref<125xi32, #tpu.memory_space<vmem>>
      %dma_wait3A_275 = arith.constant 0 : i32
      %dma_wait3A_276 = arith.constant 0 : i32
      %dma_wait3A_277 = tpu.memref_slice %arg2[%arg0, %dma_wait3A_275, %dma_wait3A_276] : memref<2x133120x64xf32, #tpu.memory_space<hbm>> -> memref<1x133120x64xf32, #tpu.memory_space<hbm>>
      %dma_wait3A_278 = tpu.memref_squeeze %dma_wait3A_277 : memref<1x133120x64xf32, #tpu.memory_space<hbm>> -> memref<133120x64xf32, #tpu.memory_space<hbm>>
      %dma_wait3A_279 = arith.constant 0 : i32
      %dma_wait3A_280 = arith.constant 0 : i32
      %dma_wait3A_281 = tpu.memref_slice %dma_wait3A_278[%dma_wait3A_279, %dma_wait3A_280] : memref<133120x64xf32, #tpu.memory_space<hbm>> -> memref<133120x64xf32, #tpu.memory_space<hbm>>
      tpu.wait_indirect_dma semaphore(%arg13 : memref<!tpu.dma_semaphore, #tpu.memory_space<semaphore_mem>>) src(%dma_wait3A_281 : memref<133120x64xf32, #tpu.memory_space<hbm>>) dst(%dma_wait3A_271 : memref<125x64xf32, #tpu.memory_space<vmem>>)
      %add3A_282 = arith.constant 3 : i32
      %add3A_283 = arith.addi %mul3A_178, %add3A_282 : i32
      %dma_start3A_284 = arith.constant 3 : i32
      %dma_start3A_285 = arith.constant 0 : i32
      %dma_start3A_286 = arith.constant 0 : i32
      %dma_start3A_287 = tpu.memref_slice %arg8[%dma_start3A_284, %dma_start3A_285, %dma_start3A_286] : memref<4x125x64xf32, #tpu.memory_space<vmem>> -> memref<1x125x64xf32, #tpu.memory_space<vmem>>
      %dma_start3A_288 = tpu.memref_squeeze %dma_start3A_287 : memref<1x125x64xf32, #tpu.memory_space<vmem>> -> memref<125x64xf32, #tpu.memory_space<vmem>>
      %dma_start3A_289 = arith.constant 0 : i32
      %dma_start3A_290 = tpu.memref_slice %arg7[%add3A_283, %dma_start3A_289] : memref<78x125xi32, #tpu.memory_space<vmem>> -> memref<1x125xi32, #tpu.memory_space<vmem>>
      %dma_start3A_291 = tpu.memref_squeeze %dma_start3A_290 : memref<1x125xi32, #tpu.memory_space<vmem>> -> memref<125xi32, #tpu.memory_space<vmem>>
      %dma_start3A_292 = arith.constant 0 : i32
      %dma_start3A_293 = arith.constant 0 : i32
      %dma_start3A_294 = tpu.memref_slice %arg9[%dma_start3A_292, %dma_start3A_293] : memref<10112x64xf32, #tpu.memory_space<vmem_shared>> -> memref<10112x64xf32, #tpu.memory_space<vmem_shared>>
      tpu.enqueue_indirect_dma source(%dma_start3A_288 : memref<125x64xf32, #tpu.memory_space<vmem>>) target(%dma_start3A_294 : memref<10112x64xf32, #tpu.memory_space<vmem_shared>>) offsets(%dma_start3A_291 : memref<125xi32, #tpu.memory_space<vmem>>) semaphore(%arg17 : memref<!tpu.dma_semaphore, #tpu.memory_space<semaphore_mem>>) {add = true}
      %dma_wait3A_295 = arith.constant 0 : i32
      %dma_wait3A_296 = arith.constant 0 : i32
      %dma_wait3A_297 = arith.constant 0 : i32
      %dma_wait3A_298 = arith.constant 0 : i32
      %dma_wait3A_299 = tpu.memref_slice %arg8[%dma_wait3A_295, %dma_wait3A_297, %dma_wait3A_298] : memref<4x125x64xf32, #tpu.memory_space<vmem>> -> memref<1x125x64xf32, #tpu.memory_space<vmem>>
      %dma_wait3A_300 = tpu.memref_squeeze %dma_wait3A_299 : memref<1x125x64xf32, #tpu.memory_space<vmem>> -> memref<125x64xf32, #tpu.memory_space<vmem>>
      %dma_wait3A_301 = arith.constant 0 : i32
      %dma_wait3A_302 = tpu.memref_slice %arg7[%dma_wait3A_296, %dma_wait3A_301] : memref<78x125xi32, #tpu.memory_space<vmem>> -> memref<1x125xi32, #tpu.memory_space<vmem>>
      %dma_wait3A_303 = tpu.memref_squeeze %dma_wait3A_302 : memref<1x125xi32, #tpu.memory_space<vmem>> -> memref<125xi32, #tpu.memory_space<vmem>>
      %dma_wait3A_304 = arith.constant 0 : i32
      %dma_wait3A_305 = arith.constant 0 : i32
      %dma_wait3A_306 = tpu.memref_slice %arg9[%dma_wait3A_304, %dma_wait3A_305] : memref<10112x64xf32, #tpu.memory_space<vmem_shared>> -> memref<10112x64xf32, #tpu.memory_space<vmem_shared>>
      tpu.wait_indirect_dma semaphore(%arg14 : memref<!tpu.dma_semaphore, #tpu.memory_space<semaphore_mem>>) src(%dma_wait3A_300 : memref<125x64xf32, #tpu.memory_space<vmem>>) dst(%dma_wait3A_306 : memref<10112x64xf32, #tpu.memory_space<vmem_shared>>)
      %add3A_307 = arith.constant 0 : i32
      %add3A_308 = arith.addi %mul3A_178, %add3A_307 : i32
      %add3A_309 = arith.constant 4 : i32
      %add3A_310 = arith.addi %add3A_308, %add3A_309 : i32
      %lt3A = arith.constant 78 : i32
      %lt3A_311 = arith.cmpi slt, %add3A_310, %lt3A : i32
      %convert_element_type3A = arith.extui %lt3A_311 : i1 to i32
      %cond3A = arith.constant 0 : i32
      %cond3A_312 = arith.cmpi ne, %convert_element_type3A, %cond3A : i32
      scf.if %cond3A_312 {
        %add3A_377 = arith.constant 0 : i32
        %add3A_378 = arith.addi %mul3A_178, %add3A_377 : i32
        %add3A_379 = arith.constant 4 : i32
        %add3A_380 = arith.addi %add3A_378, %add3A_379 : i32
        %dma_start3A_381 = arith.constant 0 : i32
        %dma_start3A_382 = arith.constant 0 : i32
        %dma_start3A_383 = arith.constant 0 : i32
        %dma_start3A_384 = tpu.memref_slice %arg8[%dma_start3A_381, %dma_start3A_382, %dma_start3A_383] : memref<4x125x64xf32, #tpu.memory_space<vmem>> -> memref<1x125x64xf32, #tpu.memory_space<vmem>>
        %dma_start3A_385 = tpu.memref_squeeze %dma_start3A_384 : memref<1x125x64xf32, #tpu.memory_space<vmem>> -> memref<125x64xf32, #tpu.memory_space<vmem>>
        %dma_start3A_386 = arith.constant 0 : i32
        %dma_start3A_387 = tpu.memref_slice %arg6[%add3A_380, %dma_start3A_386] : memref<78x125xi32, #tpu.memory_space<vmem>> -> memref<1x125xi32, #tpu.memory_space<vmem>>
        %dma_start3A_388 = tpu.memref_squeeze %dma_start3A_387 : memref<1x125xi32, #tpu.memory_space<vmem>> -> memref<125xi32, #tpu.memory_space<vmem>>
        %dma_start3A_389 = arith.constant 0 : i32
        %dma_start3A_390 = arith.constant 0 : i32
        %dma_start3A_391 = tpu.memref_slice %arg2[%arg0, %dma_start3A_389, %dma_start3A_390] : memref<2x133120x64xf32, #tpu.memory_space<hbm>> -> memref<1x133120x64xf32, #tpu.memory_space<hbm>>
        %dma_start3A_392 = tpu.memref_squeeze %dma_start3A_391 : memref<1x133120x64xf32, #tpu.memory_space<hbm>> -> memref<133120x64xf32, #tpu.memory_space<hbm>>
        %dma_start3A_393 = arith.constant 0 : i32
        %dma_start3A_394 = arith.constant 0 : i32
        %dma_start3A_395 = tpu.memref_slice %dma_start3A_392[%dma_start3A_393, %dma_start3A_394] : memref<133120x64xf32, #tpu.memory_space<hbm>> -> memref<133120x64xf32, #tpu.memory_space<hbm>>
        tpu.enqueue_indirect_dma source(%dma_start3A_395 : memref<133120x64xf32, #tpu.memory_space<hbm>>) target(%dma_start3A_385 : memref<125x64xf32, #tpu.memory_space<vmem>>) offsets(%dma_start3A_388 : memref<125xi32, #tpu.memory_space<vmem>>) semaphore(%arg10 : memref<!tpu.dma_semaphore, #tpu.memory_space<semaphore_mem>>)
      } else {
      }
      %dma_wait3A_313 = arith.constant 1 : i32
      %dma_wait3A_314 = arith.constant 0 : i32
      %dma_wait3A_315 = arith.constant 0 : i32
      %dma_wait3A_316 = arith.constant 0 : i32
      %dma_wait3A_317 = tpu.memref_slice %arg8[%dma_wait3A_313, %dma_wait3A_315, %dma_wait3A_316] : memref<4x125x64xf32, #tpu.memory_space<vmem>> -> memref<1x125x64xf32, #tpu.memory_space<vmem>>
      %dma_wait3A_318 = tpu.memref_squeeze %dma_wait3A_317 : memref<1x125x64xf32, #tpu.memory_space<vmem>> -> memref<125x64xf32, #tpu.memory_space<vmem>>
      %dma_wait3A_319 = arith.constant 0 : i32
      %dma_wait3A_320 = tpu.memref_slice %arg7[%dma_wait3A_314, %dma_wait3A_319] : memref<78x125xi32, #tpu.memory_space<vmem>> -> memref<1x125xi32, #tpu.memory_space<vmem>>
      %dma_wait3A_321 = tpu.memref_squeeze %dma_wait3A_320 : memref<1x125xi32, #tpu.memory_space<vmem>> -> memref<125xi32, #tpu.memory_space<vmem>>
      %dma_wait3A_322 = arith.constant 0 : i32
      %dma_wait3A_323 = arith.constant 0 : i32
      %dma_wait3A_324 = tpu.memref_slice %arg9[%dma_wait3A_322, %dma_wait3A_323] : memref<10112x64xf32, #tpu.memory_space<vmem_shared>> -> memref<10112x64xf32, #tpu.memory_space<vmem_shared>>
      tpu.wait_indirect_dma semaphore(%arg15 : memref<!tpu.dma_semaphore, #tpu.memory_space<semaphore_mem>>) src(%dma_wait3A_318 : memref<125x64xf32, #tpu.memory_space<vmem>>) dst(%dma_wait3A_324 : memref<10112x64xf32, #tpu.memory_space<vmem_shared>>)
      %add3A_325 = arith.constant 1 : i32
      %add3A_326 = arith.addi %mul3A_178, %add3A_325 : i32
      %add3A_327 = arith.constant 4 : i32
      %add3A_328 = arith.addi %add3A_326, %add3A_327 : i32
      %lt3A_329 = arith.constant 78 : i32
      %lt3A_330 = arith.cmpi slt, %add3A_328, %lt3A_329 : i32
      %convert_element_type3A_331 = arith.extui %lt3A_330 : i1 to i32
      %cond3A_332 = arith.constant 0 : i32
      %cond3A_333 = arith.cmpi ne, %convert_element_type3A_331, %cond3A_332 : i32
      scf.if %cond3A_333 {
        %add3A_377 = arith.constant 1 : i32
        %add3A_378 = arith.addi %mul3A_178, %add3A_377 : i32
        %add3A_379 = arith.constant 4 : i32
        %add3A_380 = arith.addi %add3A_378, %add3A_379 : i32
        %dma_start3A_381 = arith.constant 1 : i32
        %dma_start3A_382 = arith.constant 0 : i32
        %dma_start3A_383 = arith.constant 0 : i32
        %dma_start3A_384 = tpu.memref_slice %arg8[%dma_start3A_381, %dma_start3A_382, %dma_start3A_383] : memref<4x125x64xf32, #tpu.memory_space<vmem>> -> memref<1x125x64xf32, #tpu.memory_space<vmem>>
        %dma_start3A_385 = tpu.memref_squeeze %dma_start3A_384 : memref<1x125x64xf32, #tpu.memory_space<vmem>> -> memref<125x64xf32, #tpu.memory_space<vmem>>
        %dma_start3A_386 = arith.constant 0 : i32
        %dma_start3A_387 = tpu.memref_slice %arg6[%add3A_380, %dma_start3A_386] : memref<78x125xi32, #tpu.memory_space<vmem>> -> memref<1x125xi32, #tpu.memory_space<vmem>>
        %dma_start3A_388 = tpu.memref_squeeze %dma_start3A_387 : memref<1x125xi32, #tpu.memory_space<vmem>> -> memref<125xi32, #tpu.memory_space<vmem>>
        %dma_start3A_389 = arith.constant 0 : i32
        %dma_start3A_390 = arith.constant 0 : i32
        %dma_start3A_391 = tpu.memref_slice %arg2[%arg0, %dma_start3A_389, %dma_start3A_390] : memref<2x133120x64xf32, #tpu.memory_space<hbm>> -> memref<1x133120x64xf32, #tpu.memory_space<hbm>>
        %dma_start3A_392 = tpu.memref_squeeze %dma_start3A_391 : memref<1x133120x64xf32, #tpu.memory_space<hbm>> -> memref<133120x64xf32, #tpu.memory_space<hbm>>
        %dma_start3A_393 = arith.constant 0 : i32
        %dma_start3A_394 = arith.constant 0 : i32
        %dma_start3A_395 = tpu.memref_slice %dma_start3A_392[%dma_start3A_393, %dma_start3A_394] : memref<133120x64xf32, #tpu.memory_space<hbm>> -> memref<133120x64xf32, #tpu.memory_space<hbm>>
        tpu.enqueue_indirect_dma source(%dma_start3A_395 : memref<133120x64xf32, #tpu.memory_space<hbm>>) target(%dma_start3A_385 : memref<125x64xf32, #tpu.memory_space<vmem>>) offsets(%dma_start3A_388 : memref<125xi32, #tpu.memory_space<vmem>>) semaphore(%arg11 : memref<!tpu.dma_semaphore, #tpu.memory_space<semaphore_mem>>)
      } else {
      }
      %dma_wait3A_334 = arith.constant 2 : i32
      %dma_wait3A_335 = arith.constant 0 : i32
      %dma_wait3A_336 = arith.constant 0 : i32
      %dma_wait3A_337 = arith.constant 0 : i32
      %dma_wait3A_338 = tpu.memref_slice %arg8[%dma_wait3A_334, %dma_wait3A_336, %dma_wait3A_337] : memref<4x125x64xf32, #tpu.memory_space<vmem>> -> memref<1x125x64xf32, #tpu.memory_space<vmem>>
      %dma_wait3A_339 = tpu.memref_squeeze %dma_wait3A_338 : memref<1x125x64xf32, #tpu.memory_space<vmem>> -> memref<125x64xf32, #tpu.memory_space<vmem>>
      %dma_wait3A_340 = arith.constant 0 : i32
      %dma_wait3A_341 = tpu.memref_slice %arg7[%dma_wait3A_335, %dma_wait3A_340] : memref<78x125xi32, #tpu.memory_space<vmem>> -> memref<1x125xi32, #tpu.memory_space<vmem>>
      %dma_wait3A_342 = tpu.memref_squeeze %dma_wait3A_341 : memref<1x125xi32, #tpu.memory_space<vmem>> -> memref<125xi32, #tpu.memory_space<vmem>>
      %dma_wait3A_343 = arith.constant 0 : i32
      %dma_wait3A_344 = arith.constant 0 : i32
      %dma_wait3A_345 = tpu.memref_slice %arg9[%dma_wait3A_343, %dma_wait3A_344] : memref<10112x64xf32, #tpu.memory_space<vmem_shared>> -> memref<10112x64xf32, #tpu.memory_space<vmem_shared>>
      tpu.wait_indirect_dma semaphore(%arg16 : memref<!tpu.dma_semaphore, #tpu.memory_space<semaphore_mem>>) src(%dma_wait3A_339 : memref<125x64xf32, #tpu.memory_space<vmem>>) dst(%dma_wait3A_345 : memref<10112x64xf32, #tpu.memory_space<vmem_shared>>)
      %add3A_346 = arith.constant 2 : i32
      %add3A_347 = arith.addi %mul3A_178, %add3A_346 : i32
      %add3A_348 = arith.constant 4 : i32
      %add3A_349 = arith.addi %add3A_347, %add3A_348 : i32
      %lt3A_350 = arith.constant 78 : i32
      %lt3A_351 = arith.cmpi slt, %add3A_349, %lt3A_350 : i32
      %convert_element_type3A_352 = arith.extui %lt3A_351 : i1 to i32
      %cond3A_353 = arith.constant 0 : i32
      %cond3A_354 = arith.cmpi ne, %convert_element_type3A_352, %cond3A_353 : i32
      scf.if %cond3A_354 {
        %add3A_377 = arith.constant 2 : i32
        %add3A_378 = arith.addi %mul3A_178, %add3A_377 : i32
        %add3A_379 = arith.constant 4 : i32
        %add3A_380 = arith.addi %add3A_378, %add3A_379 : i32
        %dma_start3A_381 = arith.constant 2 : i32
        %dma_start3A_382 = arith.constant 0 : i32
        %dma_start3A_383 = arith.constant 0 : i32
        %dma_start3A_384 = tpu.memref_slice %arg8[%dma_start3A_381, %dma_start3A_382, %dma_start3A_383] : memref<4x125x64xf32, #tpu.memory_space<vmem>> -> memref<1x125x64xf32, #tpu.memory_space<vmem>>
        %dma_start3A_385 = tpu.memref_squeeze %dma_start3A_384 : memref<1x125x64xf32, #tpu.memory_space<vmem>> -> memref<125x64xf32, #tpu.memory_space<vmem>>
        %dma_start3A_386 = arith.constant 0 : i32
        %dma_start3A_387 = tpu.memref_slice %arg6[%add3A_380, %dma_start3A_386] : memref<78x125xi32, #tpu.memory_space<vmem>> -> memref<1x125xi32, #tpu.memory_space<vmem>>
        %dma_start3A_388 = tpu.memref_squeeze %dma_start3A_387 : memref<1x125xi32, #tpu.memory_space<vmem>> -> memref<125xi32, #tpu.memory_space<vmem>>
        %dma_start3A_389 = arith.constant 0 : i32
        %dma_start3A_390 = arith.constant 0 : i32
        %dma_start3A_391 = tpu.memref_slice %arg2[%arg0, %dma_start3A_389, %dma_start3A_390] : memref<2x133120x64xf32, #tpu.memory_space<hbm>> -> memref<1x133120x64xf32, #tpu.memory_space<hbm>>
        %dma_start3A_392 = tpu.memref_squeeze %dma_start3A_391 : memref<1x133120x64xf32, #tpu.memory_space<hbm>> -> memref<133120x64xf32, #tpu.memory_space<hbm>>
        %dma_start3A_393 = arith.constant 0 : i32
        %dma_start3A_394 = arith.constant 0 : i32
        %dma_start3A_395 = tpu.memref_slice %dma_start3A_392[%dma_start3A_393, %dma_start3A_394] : memref<133120x64xf32, #tpu.memory_space<hbm>> -> memref<133120x64xf32, #tpu.memory_space<hbm>>
        tpu.enqueue_indirect_dma source(%dma_start3A_395 : memref<133120x64xf32, #tpu.memory_space<hbm>>) target(%dma_start3A_385 : memref<125x64xf32, #tpu.memory_space<vmem>>) offsets(%dma_start3A_388 : memref<125xi32, #tpu.memory_space<vmem>>) semaphore(%arg12 : memref<!tpu.dma_semaphore, #tpu.memory_space<semaphore_mem>>)
      } else {
      }
      %dma_wait3A_355 = arith.constant 3 : i32
      %dma_wait3A_356 = arith.constant 0 : i32
      %dma_wait3A_357 = arith.constant 0 : i32
      %dma_wait3A_358 = arith.constant 0 : i32
      %dma_wait3A_359 = tpu.memref_slice %arg8[%dma_wait3A_355, %dma_wait3A_357, %dma_wait3A_358] : memref<4x125x64xf32, #tpu.memory_space<vmem>> -> memref<1x125x64xf32, #tpu.memory_space<vmem>>
      %dma_wait3A_360 = tpu.memref_squeeze %dma_wait3A_359 : memref<1x125x64xf32, #tpu.memory_space<vmem>> -> memref<125x64xf32, #tpu.memory_space<vmem>>
      %dma_wait3A_361 = arith.constant 0 : i32
      %dma_wait3A_362 = tpu.memref_slice %arg7[%dma_wait3A_356, %dma_wait3A_361] : memref<78x125xi32, #tpu.memory_space<vmem>> -> memref<1x125xi32, #tpu.memory_space<vmem>>
      %dma_wait3A_363 = tpu.memref_squeeze %dma_wait3A_362 : memref<1x125xi32, #tpu.memory_space<vmem>> -> memref<125xi32, #tpu.memory_space<vmem>>
      %dma_wait3A_364 = arith.constant 0 : i32
      %dma_wait3A_365 = arith.constant 0 : i32
      %dma_wait3A_366 = tpu.memref_slice %arg9[%dma_wait3A_364, %dma_wait3A_365] : memref<10112x64xf32, #tpu.memory_space<vmem_shared>> -> memref<10112x64xf32, #tpu.memory_space<vmem_shared>>
      tpu.wait_indirect_dma semaphore(%arg17 : memref<!tpu.dma_semaphore, #tpu.memory_space<semaphore_mem>>) src(%dma_wait3A_360 : memref<125x64xf32, #tpu.memory_space<vmem>>) dst(%dma_wait3A_366 : memref<10112x64xf32, #tpu.memory_space<vmem_shared>>)
      %add3A_367 = arith.constant 3 : i32
      %add3A_368 = arith.addi %mul3A_178, %add3A_367 : i32
      %add3A_369 = arith.constant 4 : i32
      %add3A_370 = arith.addi %add3A_368, %add3A_369 : i32
      %lt3A_371 = arith.constant 78 : i32
      %lt3A_372 = arith.cmpi slt, %add3A_370, %lt3A_371 : i32
      %convert_element_type3A_373 = arith.extui %lt3A_372 : i1 to i32
      %cond3A_374 = arith.constant 0 : i32
      %cond3A_375 = arith.cmpi ne, %convert_element_type3A_373, %cond3A_374 : i32
      scf.if %cond3A_375 {
        %add3A_377 = arith.constant 3 : i32
        %add3A_378 = arith.addi %mul3A_178, %add3A_377 : i32
        %add3A_379 = arith.constant 4 : i32
        %add3A_380 = arith.addi %add3A_378, %add3A_379 : i32
        %dma_start3A_381 = arith.constant 3 : i32
        %dma_start3A_382 = arith.constant 0 : i32
        %dma_start3A_383 = arith.constant 0 : i32
        %dma_start3A_384 = tpu.memref_slice %arg8[%dma_start3A_381, %dma_start3A_382, %dma_start3A_383] : memref<4x125x64xf32, #tpu.memory_space<vmem>> -> memref<1x125x64xf32, #tpu.memory_space<vmem>>
        %dma_start3A_385 = tpu.memref_squeeze %dma_start3A_384 : memref<1x125x64xf32, #tpu.memory_space<vmem>> -> memref<125x64xf32, #tpu.memory_space<vmem>>
        %dma_start3A_386 = arith.constant 0 : i32
        %dma_start3A_387 = tpu.memref_slice %arg6[%add3A_380, %dma_start3A_386] : memref<78x125xi32, #tpu.memory_space<vmem>> -> memref<1x125xi32, #tpu.memory_space<vmem>>
        %dma_start3A_388 = tpu.memref_squeeze %dma_start3A_387 : memref<1x125xi32, #tpu.memory_space<vmem>> -> memref<125xi32, #tpu.memory_space<vmem>>
        %dma_start3A_389 = arith.constant 0 : i32
        %dma_start3A_390 = arith.constant 0 : i32
        %dma_start3A_391 = tpu.memref_slice %arg2[%arg0, %dma_start3A_389, %dma_start3A_390] : memref<2x133120x64xf32, #tpu.memory_space<hbm>> -> memref<1x133120x64xf32, #tpu.memory_space<hbm>>
        %dma_start3A_392 = tpu.memref_squeeze %dma_start3A_391 : memref<1x133120x64xf32, #tpu.memory_space<hbm>> -> memref<133120x64xf32, #tpu.memory_space<hbm>>
        %dma_start3A_393 = arith.constant 0 : i32
        %dma_start3A_394 = arith.constant 0 : i32
        %dma_start3A_395 = tpu.memref_slice %dma_start3A_392[%dma_start3A_393, %dma_start3A_394] : memref<133120x64xf32, #tpu.memory_space<hbm>> -> memref<133120x64xf32, #tpu.memory_space<hbm>>
        tpu.enqueue_indirect_dma source(%dma_start3A_395 : memref<133120x64xf32, #tpu.memory_space<hbm>>) target(%dma_start3A_385 : memref<125x64xf32, #tpu.memory_space<vmem>>) offsets(%dma_start3A_388 : memref<125xi32, #tpu.memory_space<vmem>>) semaphore(%arg13 : memref<!tpu.dma_semaphore, #tpu.memory_space<semaphore_mem>>)
      } else {
      }
      %scan3A_376 = arith.constant 0 : i32
      scf.yield %scan3A_376 : i32
    }
    %scan3A_92 = arith.constant 19 : i32
    %dma_wait3A = arith.constant 0 : i32
    %dma_wait3A_93 = arith.constant 0 : i32
    %dma_wait3A_94 = arith.constant 0 : i32
    %dma_wait3A_95 = arith.constant 0 : i32
    %dma_wait3A_96 = tpu.memref_slice %arg8[%dma_wait3A_93, %dma_wait3A_94, %dma_wait3A_95] : memref<4x125x64xf32, #tpu.memory_space<vmem>> -> memref<1x125x64xf32, #tpu.memory_space<vmem>>
    %dma_wait3A_97 = tpu.memref_squeeze %dma_wait3A_96 : memref<1x125x64xf32, #tpu.memory_space<vmem>> -> memref<125x64xf32, #tpu.memory_space<vmem>>
    %dma_wait3A_98 = arith.constant 0 : i32
    %dma_wait3A_99 = tpu.memref_slice %arg6[%dma_wait3A, %dma_wait3A_98] : memref<78x125xi32, #tpu.memory_space<vmem>> -> memref<1x125xi32, #tpu.memory_space<vmem>>
    %dma_wait3A_100 = tpu.memref_squeeze %dma_wait3A_99 : memref<1x125xi32, #tpu.memory_space<vmem>> -> memref<125xi32, #tpu.memory_space<vmem>>
    %dma_wait3A_101 = arith.constant 0 : i32
    %dma_wait3A_102 = arith.constant 0 : i32
    %dma_wait3A_103 = tpu.memref_slice %arg2[%arg0, %dma_wait3A_101, %dma_wait3A_102] : memref<2x133120x64xf32, #tpu.memory_space<hbm>> -> memref<1x133120x64xf32, #tpu.memory_space<hbm>>
    %dma_wait3A_104 = tpu.memref_squeeze %dma_wait3A_103 : memref<1x133120x64xf32, #tpu.memory_space<hbm>> -> memref<133120x64xf32, #tpu.memory_space<hbm>>
    %dma_wait3A_105 = arith.constant 0 : i32
    %dma_wait3A_106 = arith.constant 0 : i32
    %dma_wait3A_107 = tpu.memref_slice %dma_wait3A_104[%dma_wait3A_105, %dma_wait3A_106] : memref<133120x64xf32, #tpu.memory_space<hbm>> -> memref<133120x64xf32, #tpu.memory_space<hbm>>
    tpu.wait_indirect_dma semaphore(%arg10 : memref<!tpu.dma_semaphore, #tpu.memory_space<semaphore_mem>>) src(%dma_wait3A_107 : memref<133120x64xf32, #tpu.memory_space<hbm>>) dst(%dma_wait3A_97 : memref<125x64xf32, #tpu.memory_space<vmem>>)
    %dma_start3A_108 = arith.constant 0 : i32
    %dma_start3A_109 = arith.constant 76 : i32
    %dma_start3A_110 = arith.constant 0 : i32
    %dma_start3A_111 = arith.constant 0 : i32
    %dma_start3A_112 = tpu.memref_slice %arg8[%dma_start3A_108, %dma_start3A_110, %dma_start3A_111] : memref<4x125x64xf32, #tpu.memory_space<vmem>> -> memref<1x125x64xf32, #tpu.memory_space<vmem>>
    %dma_start3A_113 = tpu.memref_squeeze %dma_start3A_112 : memref<1x125x64xf32, #tpu.memory_space<vmem>> -> memref<125x64xf32, #tpu.memory_space<vmem>>
    %dma_start3A_114 = arith.constant 0 : i32
    %dma_start3A_115 = tpu.memref_slice %arg7[%dma_start3A_109, %dma_start3A_114] : memref<78x125xi32, #tpu.memory_space<vmem>> -> memref<1x125xi32, #tpu.memory_space<vmem>>
    %dma_start3A_116 = tpu.memref_squeeze %dma_start3A_115 : memref<1x125xi32, #tpu.memory_space<vmem>> -> memref<125xi32, #tpu.memory_space<vmem>>
    %dma_start3A_117 = arith.constant 0 : i32
    %dma_start3A_118 = arith.constant 0 : i32
    %dma_start3A_119 = tpu.memref_slice %arg9[%dma_start3A_117, %dma_start3A_118] : memref<10112x64xf32, #tpu.memory_space<vmem_shared>> -> memref<10112x64xf32, #tpu.memory_space<vmem_shared>>
    tpu.enqueue_indirect_dma source(%dma_start3A_113 : memref<125x64xf32, #tpu.memory_space<vmem>>) target(%dma_start3A_119 : memref<10112x64xf32, #tpu.memory_space<vmem_shared>>) offsets(%dma_start3A_116 : memref<125xi32, #tpu.memory_space<vmem>>) semaphore(%arg14 : memref<!tpu.dma_semaphore, #tpu.memory_space<semaphore_mem>>) {add = true}
    %dma_wait3A_120 = arith.constant 0 : i32
    %dma_wait3A_121 = arith.constant 1 : i32
    %dma_wait3A_122 = arith.constant 0 : i32
    %dma_wait3A_123 = arith.constant 0 : i32
    %dma_wait3A_124 = tpu.memref_slice %arg8[%dma_wait3A_121, %dma_wait3A_122, %dma_wait3A_123] : memref<4x125x64xf32, #tpu.memory_space<vmem>> -> memref<1x125x64xf32, #tpu.memory_space<vmem>>
    %dma_wait3A_125 = tpu.memref_squeeze %dma_wait3A_124 : memref<1x125x64xf32, #tpu.memory_space<vmem>> -> memref<125x64xf32, #tpu.memory_space<vmem>>
    %dma_wait3A_126 = arith.constant 0 : i32
    %dma_wait3A_127 = tpu.memref_slice %arg6[%dma_wait3A_120, %dma_wait3A_126] : memref<78x125xi32, #tpu.memory_space<vmem>> -> memref<1x125xi32, #tpu.memory_space<vmem>>
    %dma_wait3A_128 = tpu.memref_squeeze %dma_wait3A_127 : memref<1x125xi32, #tpu.memory_space<vmem>> -> memref<125xi32, #tpu.memory_space<vmem>>
    %dma_wait3A_129 = arith.constant 0 : i32
    %dma_wait3A_130 = arith.constant 0 : i32
    %dma_wait3A_131 = tpu.memref_slice %arg2[%arg0, %dma_wait3A_129, %dma_wait3A_130] : memref<2x133120x64xf32, #tpu.memory_space<hbm>> -> memref<1x133120x64xf32, #tpu.memory_space<hbm>>
    %dma_wait3A_132 = tpu.memref_squeeze %dma_wait3A_131 : memref<1x133120x64xf32, #tpu.memory_space<hbm>> -> memref<133120x64xf32, #tpu.memory_space<hbm>>
    %dma_wait3A_133 = arith.constant 0 : i32
    %dma_wait3A_134 = arith.constant 0 : i32
    %dma_wait3A_135 = tpu.memref_slice %dma_wait3A_132[%dma_wait3A_133, %dma_wait3A_134] : memref<133120x64xf32, #tpu.memory_space<hbm>> -> memref<133120x64xf32, #tpu.memory_space<hbm>>
    tpu.wait_indirect_dma semaphore(%arg11 : memref<!tpu.dma_semaphore, #tpu.memory_space<semaphore_mem>>) src(%dma_wait3A_135 : memref<133120x64xf32, #tpu.memory_space<hbm>>) dst(%dma_wait3A_125 : memref<125x64xf32, #tpu.memory_space<vmem>>)
    %dma_start3A_136 = arith.constant 1 : i32
    %dma_start3A_137 = arith.constant 77 : i32
    %dma_start3A_138 = arith.constant 0 : i32
    %dma_start3A_139 = arith.constant 0 : i32
    %dma_start3A_140 = tpu.memref_slice %arg8[%dma_start3A_136, %dma_start3A_138, %dma_start3A_139] : memref<4x125x64xf32, #tpu.memory_space<vmem>> -> memref<1x125x64xf32, #tpu.memory_space<vmem>>
    %dma_start3A_141 = tpu.memref_squeeze %dma_start3A_140 : memref<1x125x64xf32, #tpu.memory_space<vmem>> -> memref<125x64xf32, #tpu.memory_space<vmem>>
    %dma_start3A_142 = arith.constant 0 : i32
    %dma_start3A_143 = tpu.memref_slice %arg7[%dma_start3A_137, %dma_start3A_142] : memref<78x125xi32, #tpu.memory_space<vmem>> -> memref<1x125xi32, #tpu.memory_space<vmem>>
    %dma_start3A_144 = tpu.memref_squeeze %dma_start3A_143 : memref<1x125xi32, #tpu.memory_space<vmem>> -> memref<125xi32, #tpu.memory_space<vmem>>
    %dma_start3A_145 = arith.constant 0 : i32
    %dma_start3A_146 = arith.constant 0 : i32
    %dma_start3A_147 = tpu.memref_slice %arg9[%dma_start3A_145, %dma_start3A_146] : memref<10112x64xf32, #tpu.memory_space<vmem_shared>> -> memref<10112x64xf32, #tpu.memory_space<vmem_shared>>
    tpu.enqueue_indirect_dma source(%dma_start3A_141 : memref<125x64xf32, #tpu.memory_space<vmem>>) target(%dma_start3A_147 : memref<10112x64xf32, #tpu.memory_space<vmem_shared>>) offsets(%dma_start3A_144 : memref<125xi32, #tpu.memory_space<vmem>>) semaphore(%arg15 : memref<!tpu.dma_semaphore, #tpu.memory_space<semaphore_mem>>) {add = true}
    %dma_wait3A_148 = arith.constant 0 : i32
    %dma_wait3A_149 = arith.constant 0 : i32
    %dma_wait3A_150 = arith.constant 0 : i32
    %dma_wait3A_151 = arith.constant 0 : i32
    %dma_wait3A_152 = tpu.memref_slice %arg8[%dma_wait3A_148, %dma_wait3A_150, %dma_wait3A_151] : memref<4x125x64xf32, #tpu.memory_space<vmem>> -> memref<1x125x64xf32, #tpu.memory_space<vmem>>
    %dma_wait3A_153 = tpu.memref_squeeze %dma_wait3A_152 : memref<1x125x64xf32, #tpu.memory_space<vmem>> -> memref<125x64xf32, #tpu.memory_space<vmem>>
    %dma_wait3A_154 = arith.constant 0 : i32
    %dma_wait3A_155 = tpu.memref_slice %arg7[%dma_wait3A_149, %dma_wait3A_154] : memref<78x125xi32, #tpu.memory_space<vmem>> -> memref<1x125xi32, #tpu.memory_space<vmem>>
    %dma_wait3A_156 = tpu.memref_squeeze %dma_wait3A_155 : memref<1x125xi32, #tpu.memory_space<vmem>> -> memref<125xi32, #tpu.memory_space<vmem>>
    %dma_wait3A_157 = arith.constant 0 : i32
    %dma_wait3A_158 = arith.constant 0 : i32
    %dma_wait3A_159 = tpu.memref_slice %arg9[%dma_wait3A_157, %dma_wait3A_158] : memref<10112x64xf32, #tpu.memory_space<vmem_shared>> -> memref<10112x64xf32, #tpu.memory_space<vmem_shared>>
    tpu.wait_indirect_dma semaphore(%arg14 : memref<!tpu.dma_semaphore, #tpu.memory_space<semaphore_mem>>) src(%dma_wait3A_153 : memref<125x64xf32, #tpu.memory_space<vmem>>) dst(%dma_wait3A_159 : memref<10112x64xf32, #tpu.memory_space<vmem_shared>>)
    %dma_wait3A_160 = arith.constant 1 : i32
    %dma_wait3A_161 = arith.constant 0 : i32
    %dma_wait3A_162 = arith.constant 0 : i32
    %dma_wait3A_163 = arith.constant 0 : i32
    %dma_wait3A_164 = tpu.memref_slice %arg8[%dma_wait3A_160, %dma_wait3A_162, %dma_wait3A_163] : memref<4x125x64xf32, #tpu.memory_space<vmem>> -> memref<1x125x64xf32, #tpu.memory_space<vmem>>
    %dma_wait3A_165 = tpu.memref_squeeze %dma_wait3A_164 : memref<1x125x64xf32, #tpu.memory_space<vmem>> -> memref<125x64xf32, #tpu.memory_space<vmem>>
    %dma_wait3A_166 = arith.constant 0 : i32
    %dma_wait3A_167 = tpu.memref_slice %arg7[%dma_wait3A_161, %dma_wait3A_166] : memref<78x125xi32, #tpu.memory_space<vmem>> -> memref<1x125xi32, #tpu.memory_space<vmem>>
    %dma_wait3A_168 = tpu.memref_squeeze %dma_wait3A_167 : memref<1x125xi32, #tpu.memory_space<vmem>> -> memref<125xi32, #tpu.memory_space<vmem>>
    %dma_wait3A_169 = arith.constant 0 : i32
    %dma_wait3A_170 = arith.constant 0 : i32
    %dma_wait3A_171 = tpu.memref_slice %arg9[%dma_wait3A_169, %dma_wait3A_170] : memref<10112x64xf32, #tpu.memory_space<vmem_shared>> -> memref<10112x64xf32, #tpu.memory_space<vmem_shared>>
    tpu.wait_indirect_dma semaphore(%arg15 : memref<!tpu.dma_semaphore, #tpu.memory_space<semaphore_mem>>) src(%dma_wait3A_165 : memref<125x64xf32, #tpu.memory_space<vmem>>) dst(%dma_wait3A_171 : memref<10112x64xf32, #tpu.memory_space<vmem_shared>>)
    %barrier3A_172 = arith.constant 0 : index
    tpu.barrier barrier_id(%barrier3A_172)
    %mul3A_173 = arith.constant 64 : i32
    %mul3A_174 = arith.muli %arg0, %mul3A_173 : i32
    "tpu.region"() ({
      %run_scoped3A_175 = tpu.sem_alloc : memref<!tpu.dma_semaphore, #tpu.memory_space<semaphore_mem>>
      %dma_start3A_176 = tpu.memref_slice %arg5[%mul3A_53, %mul3A_174] : memref<10112x128xf32, #tpu.memory_space<hbm>> -> memref<632x64xf32, #tpu.memory_space<hbm>>
      %dma_start3A_177 = arith.constant 0 : i32
      %dma_start3A_178 = tpu.memref_slice %arg9[%mul3A_53, %dma_start3A_177] : memref<10112x64xf32, #tpu.memory_space<vmem_shared>> -> memref<632x64xf32, #tpu.memory_space<vmem_shared>>
      tpu.enqueue_dma source(%dma_start3A_178 : memref<632x64xf32, #tpu.memory_space<vmem_shared>>) target(%dma_start3A_176 : memref<632x64xf32, #tpu.memory_space<hbm>>) target_semaphore(%run_scoped3A_175 : memref<!tpu.dma_semaphore, #tpu.memory_space<semaphore_mem>>)
      %dma_wait3A_179 = tpu.memref_slice %arg5[%mul3A_53, %mul3A_174] : memref<10112x128xf32, #tpu.memory_space<hbm>> -> memref<632x64xf32, #tpu.memory_space<hbm>>
      %dma_wait3A_180 = arith.constant 0 : i32
      %dma_wait3A_181 = tpu.memref_slice %arg9[%mul3A_53, %dma_wait3A_180] : memref<10112x64xf32, #tpu.memory_space<vmem_shared>> -> memref<632x64xf32, #tpu.memory_space<vmem_shared>>
      tpu.wait_dma2 semaphore(%run_scoped3A_175 : memref<!tpu.dma_semaphore, #tpu.memory_space<semaphore_mem>>) src(%dma_wait3A_181 : memref<632x64xf32, #tpu.memory_space<vmem_shared>>) dst(%dma_wait3A_179 : memref<632x64xf32, #tpu.memory_space<hbm>>)
      tpu.yield
    }) : () -> ()
    return
  }
}

module attributes {stable_mosaic.version = 14 : i64} {
  func.func @_gemm_body(%arg0: i32, %arg1: i32, %arg2: memref<5120x128xf32, #tpu.memory_space<vmem>>, %arg3: memref<5120x128xf32, #tpu.memory_space<vmem>>, %arg4: memref<1x128x128xf32, #tpu.memory_space<vmem>>, %arg5: memref<2x5120x128xf32, #tpu.memory_space<vmem>>) attributes {dimension_semantics = [#tpu.dimension_semantics<arbitrary>, #tpu.dimension_semantics<arbitrary>], iteration_bounds = array<i64: 1, 13>, scalar_prefetch = 0 : i64, scratch_operands = 0 : i64, tpu.core_type = #tpu.core_type<tc>, window_params = [{transform_indices = @transform_0, window_bounds = array<i64: 5120, 128>}, {transform_indices = @transform_1, window_bounds = array<i64: 5120, 128>}, {transform_indices = @transform_2, window_bounds = array<i64: 1, 128, 128>}, {transform_indices = @transform_3, window_bounds = array<i64: 2, 5120, 128>}]} {
    %get3A = arith.constant 0 : index
    %get3A_0 = arith.constant 0 : index
    %get3A_1 = arith.constant 0 : index
    %get3A_2 = vector.load %arg4[%get3A, %get3A_0, %get3A_1] : memref<1x128x128xf32, #tpu.memory_space<vmem>>, vector<1x128x128xf32>
    %get3A_3 = vector.shape_cast %get3A_2 : vector<1x128x128xf32> to vector<128x128xf32>
    %convert_element_type3A = arith.truncf %get3A_3 : vector<128x128xf32> to vector<128x128xbf16>
    %get3A_4 = arith.constant 0 : index
    %get3A_5 = arith.constant 0 : index
    %get3A_6 = vector.load %arg2[%get3A_4, %get3A_5] : memref<5120x128xf32, #tpu.memory_space<vmem>>, vector<5120x128xf32>
    %convert_element_type3A_7 = arith.truncf %get3A_6 : vector<5120x128xf32> to vector<5120x128xbf16>
    %dot_general3A = arith.constant dense<0.000000e+00> : vector<5120x128xf32>
    %dot_general3A_8 = tpu.matmul %convert_element_type3A_7, %convert_element_type3A, %dot_general3A {dimension_numbers = #tpu.dot_dimension_numbers<[1], [0], [0], [1], [0, 0, 1, 1], [], []>, transpose_lhs_hint = false} : vector<5120x128xbf16>, vector<128x128xbf16>, vector<5120x128xf32> -> vector<5120x128xf32>
    %get3A_9 = arith.constant 0 : index
    %get3A_10 = arith.constant 0 : index
    %get3A_11 = vector.load %arg3[%get3A_9, %get3A_10] : memref<5120x128xf32, #tpu.memory_space<vmem>>, vector<5120x128xf32>
    %convert_element_type3A_12 = arith.truncf %get3A_11 : vector<5120x128xf32> to vector<5120x128xbf16>
    %dot_general3A_13 = arith.constant dense<0.000000e+00> : vector<5120x128xf32>
    %dot_general3A_14 = tpu.matmul %convert_element_type3A_12, %convert_element_type3A, %dot_general3A_13 {dimension_numbers = #tpu.dot_dimension_numbers<[1], [0], [0], [1], [0, 0, 1, 1], [], []>, transpose_lhs_hint = false} : vector<5120x128xbf16>, vector<128x128xbf16>, vector<5120x128xf32> -> vector<5120x128xf32>
    %slice3A = vector.extract_strided_slice %dot_general3A_8 {offsets = [0, 0], sizes = [5120, 64], strides = [1, 1]} : vector<5120x128xf32> to vector<5120x64xf32>
    %slice3A_15 = vector.extract_strided_slice %dot_general3A_14 {offsets = [0, 0], sizes = [5120, 64], strides = [1, 1]} : vector<5120x128xf32> to vector<5120x64xf32>
    %concatenate3A = tpu.concatenate %slice3A, %slice3A_15 in 1 : vector<5120x64xf32>, vector<5120x64xf32> -> vector<5120x128xf32>
    %swap3A = arith.constant 0 : index
    %swap3A_16 = arith.constant 0 : index
    %swap3A_17 = arith.constant 0 : index
    %swap3A_18 = vector.load %arg5[%swap3A, %swap3A_16, %swap3A_17] : memref<2x5120x128xf32, #tpu.memory_space<vmem>>, vector<1x5120x128xf32>
    %swap3A_19 = vector.shape_cast %swap3A_18 : vector<1x5120x128xf32> to vector<5120x128xf32>
    %swap3A_20 = vector.shape_cast %concatenate3A : vector<5120x128xf32> to vector<1x5120x128xf32>
    tpu.vector_store %arg5[%swap3A, %swap3A_16, %swap3A_17], %swap3A_20 {strides = array<i32>} : memref<2x5120x128xf32, #tpu.memory_space<vmem>>, vector<1x5120x128xf32>,
    %slice3A_21 = vector.extract_strided_slice %dot_general3A_8 {offsets = [0, 64], sizes = [5120, 64], strides = [1, 1]} : vector<5120x128xf32> to vector<5120x64xf32>
    %slice3A_22 = vector.extract_strided_slice %dot_general3A_14 {offsets = [0, 64], sizes = [5120, 64], strides = [1, 1]} : vector<5120x128xf32> to vector<5120x64xf32>
    %concatenate3A_23 = tpu.concatenate %slice3A_21, %slice3A_22 in 1 : vector<5120x64xf32>, vector<5120x64xf32> -> vector<5120x128xf32>
    %swap3A_24 = arith.constant 1 : index
    %swap3A_25 = arith.constant 0 : index
    %swap3A_26 = arith.constant 0 : index
    %swap3A_27 = vector.load %arg5[%swap3A_24, %swap3A_25, %swap3A_26] : memref<2x5120x128xf32, #tpu.memory_space<vmem>>, vector<1x5120x128xf32>
    %swap3A_28 = vector.shape_cast %swap3A_27 : vector<1x5120x128xf32> to vector<5120x128xf32>
    %swap3A_29 = vector.shape_cast %concatenate3A_23 : vector<5120x128xf32> to vector<1x5120x128xf32>
    tpu.vector_store %arg5[%swap3A_24, %swap3A_25, %swap3A_26], %swap3A_29 {strides = array<i32>} : memref<2x5120x128xf32, #tpu.memory_space<vmem>>, vector<1x5120x128xf32>,
    return
  }
  func.func @transform_0(%arg0: i32, %arg1: i32) -> (i32, i32) {
    %c0_i32 = arith.constant 0 : i32
    %c0_i32_0 = arith.constant 0 : i32
    return %arg0, %c0_i32 : i32, i32
  }
  func.func @transform_1(%arg0: i32, %arg1: i32) -> (i32, i32) {
    %add3A = arith.constant 1 : i32
    %add3A_0 = arith.addi %arg0, %add3A : i32
    %c0_i32 = arith.constant 0 : i32
    %c0_i32_1 = arith.constant 0 : i32
    return %add3A_0, %c0_i32 : i32, i32
  }
  func.func @transform_2(%arg0: i32, %arg1: i32) -> (i32, i32, i32) {
    %add3A = arith.constant 13 : i32
    %add3A_0 = arith.addi %arg1, %add3A : i32
    %lt3A = arith.constant 13 : i32
    %lt3A_1 = arith.cmpi slt, %add3A_0, %lt3A : i32
    %add3A_2 = arith.constant 1 : i32
    %add3A_3 = arith.addi %add3A_0, %add3A_2 : i32
    %select_n3A = arith.select %lt3A_1, %add3A_0, %add3A_3 : i32
    %c0_i32 = arith.constant 0 : i32
    %c0_i32_4 = arith.constant 0 : i32
    %c0_i32_5 = arith.constant 0 : i32
    return %select_n3A, %c0_i32, %c0_i32_4 : i32, i32, i32
  }
  func.func @transform_3(%arg0: i32, %arg1: i32) -> (i32, i32, i32) {
    %mul3A = arith.constant 1 : i32
    %mul3A_0 = arith.muli %arg1, %mul3A : i32
    %add3A = arith.addi %mul3A_0, %arg0 : i32
    %c0_i32 = arith.constant 0 : i32
    %c0_i32_1 = arith.constant 0 : i32
    %c0_i32_2 = arith.constant 0 : i32
    return %c0_i32, %add3A, %c0_i32_1 : i32, i32, i32
  }
}

module attributes {stable_mosaic.version = 14 : i64} {
  func.func @_gemm_body(%arg0: i32, %arg1: i32, %arg2: memref<5120x128xf32, #tpu.memory_space<vmem>>, %arg3: memref<5120x128xf32, #tpu.memory_space<vmem>>, %arg4: memref<1x128x128xf32, #tpu.memory_space<vmem>>, %arg5: memref<2x5120x128xf32, #tpu.memory_space<vmem>>) attributes {dimension_semantics = [#tpu.dimension_semantics<arbitrary>, #tpu.dimension_semantics<arbitrary>], iteration_bounds = array<i64: 1, 13>, scalar_prefetch = 0 : i64, scratch_operands = 0 : i64, tpu.core_type = #tpu.core_type<tc>, window_params = [{transform_indices = @transform_0, window_bounds = array<i64: 5120, 128>}, {transform_indices = @transform_1, window_bounds = array<i64: 5120, 128>}, {transform_indices = @transform_2, window_bounds = array<i64: 1, 128, 128>}, {transform_indices = @transform_3, window_bounds = array<i64: 2, 5120, 128>}]} {
    %get3A = arith.constant 0 : index
    %get3A_0 = arith.constant 0 : index
    %get3A_1 = arith.constant 0 : index
    %get3A_2 = vector.load %arg4[%get3A, %get3A_0, %get3A_1] : memref<1x128x128xf32, #tpu.memory_space<vmem>>, vector<1x128x128xf32>
    %get3A_3 = vector.shape_cast %get3A_2 : vector<1x128x128xf32> to vector<128x128xf32>
    %convert_element_type3A = arith.truncf %get3A_3 : vector<128x128xf32> to vector<128x128xbf16>
    %get3A_4 = arith.constant 0 : index
    %get3A_5 = arith.constant 0 : index
    %get3A_6 = vector.load %arg2[%get3A_4, %get3A_5] : memref<5120x128xf32, #tpu.memory_space<vmem>>, vector<5120x128xf32>
    %convert_element_type3A_7 = arith.truncf %get3A_6 : vector<5120x128xf32> to vector<5120x128xbf16>
    %dot_general3A = arith.constant dense<0.000000e+00> : vector<5120x128xf32>
    %dot_general3A_8 = tpu.matmul %convert_element_type3A_7, %convert_element_type3A, %dot_general3A {dimension_numbers = #tpu.dot_dimension_numbers<[1], [0], [0], [1], [0, 0, 1, 1], [], []>, transpose_lhs_hint = false} : vector<5120x128xbf16>, vector<128x128xbf16>, vector<5120x128xf32> -> vector<5120x128xf32>
    %get3A_9 = arith.constant 0 : index
    %get3A_10 = arith.constant 0 : index
    %get3A_11 = vector.load %arg3[%get3A_9, %get3A_10] : memref<5120x128xf32, #tpu.memory_space<vmem>>, vector<5120x128xf32>
    %convert_element_type3A_12 = arith.truncf %get3A_11 : vector<5120x128xf32> to vector<5120x128xbf16>
    %dot_general3A_13 = arith.constant dense<0.000000e+00> : vector<5120x128xf32>
    %dot_general3A_14 = tpu.matmul %convert_element_type3A_12, %convert_element_type3A, %dot_general3A_13 {dimension_numbers = #tpu.dot_dimension_numbers<[1], [0], [0], [1], [0, 0, 1, 1], [], []>, transpose_lhs_hint = false} : vector<5120x128xbf16>, vector<128x128xbf16>, vector<5120x128xf32> -> vector<5120x128xf32>
    %slice3A = vector.extract_strided_slice %dot_general3A_8 {offsets = [0, 0], sizes = [5120, 64], strides = [1, 1]} : vector<5120x128xf32> to vector<5120x64xf32>
    %slice3A_15 = vector.extract_strided_slice %dot_general3A_14 {offsets = [0, 0], sizes = [5120, 64], strides = [1, 1]} : vector<5120x128xf32> to vector<5120x64xf32>
    %concatenate3A = tpu.concatenate %slice3A, %slice3A_15 in 1 : vector<5120x64xf32>, vector<5120x64xf32> -> vector<5120x128xf32>
    %swap3A = arith.constant 0 : index
    %swap3A_16 = arith.constant 0 : index
    %swap3A_17 = arith.constant 0 : index
    %swap3A_18 = vector.load %arg5[%swap3A, %swap3A_16, %swap3A_17] : memref<2x5120x128xf32, #tpu.memory_space<vmem>>, vector<1x5120x128xf32>
    %swap3A_19 = vector.shape_cast %swap3A_18 : vector<1x5120x128xf32> to vector<5120x128xf32>
    %swap3A_20 = vector.shape_cast %concatenate3A : vector<5120x128xf32> to vector<1x5120x128xf32>
    tpu.vector_store %arg5[%swap3A, %swap3A_16, %swap3A_17], %swap3A_20 {strides = array<i32>} : memref<2x5120x128xf32, #tpu.memory_space<vmem>>, vector<1x5120x128xf32>,
    %slice3A_21 = vector.extract_strided_slice %dot_general3A_8 {offsets = [0, 64], sizes = [5120, 64], strides = [1, 1]} : vector<5120x128xf32> to vector<5120x64xf32>
    %slice3A_22 = vector.extract_strided_slice %dot_general3A_14 {offsets = [0, 64], sizes = [5120, 64], strides = [1, 1]} : vector<5120x128xf32> to vector<5120x64xf32>
    %concatenate3A_23 = tpu.concatenate %slice3A_21, %slice3A_22 in 1 : vector<5120x64xf32>, vector<5120x64xf32> -> vector<5120x128xf32>
    %swap3A_24 = arith.constant 1 : index
    %swap3A_25 = arith.constant 0 : index
    %swap3A_26 = arith.constant 0 : index
    %swap3A_27 = vector.load %arg5[%swap3A_24, %swap3A_25, %swap3A_26] : memref<2x5120x128xf32, #tpu.memory_space<vmem>>, vector<1x5120x128xf32>
    %swap3A_28 = vector.shape_cast %swap3A_27 : vector<1x5120x128xf32> to vector<5120x128xf32>
    %swap3A_29 = vector.shape_cast %concatenate3A_23 : vector<5120x128xf32> to vector<1x5120x128xf32>
    tpu.vector_store %arg5[%swap3A_24, %swap3A_25, %swap3A_26], %swap3A_29 {strides = array<i32>} : memref<2x5120x128xf32, #tpu.memory_space<vmem>>, vector<1x5120x128xf32>,
    return
  }
  func.func @transform_0(%arg0: i32, %arg1: i32) -> (i32, i32) {
    %c0_i32 = arith.constant 0 : i32
    %c0_i32_0 = arith.constant 0 : i32
    return %arg0, %c0_i32 : i32, i32
  }
  func.func @transform_1(%arg0: i32, %arg1: i32) -> (i32, i32) {
    %add3A = arith.constant 1 : i32
    %add3A_0 = arith.addi %arg0, %add3A : i32
    %c0_i32 = arith.constant 0 : i32
    %c0_i32_1 = arith.constant 0 : i32
    return %add3A_0, %c0_i32 : i32, i32
  }
  func.func @transform_2(%arg0: i32, %arg1: i32) -> (i32, i32, i32) {
    %add3A = arith.constant 0 : i32
    %add3A_0 = arith.addi %arg1, %add3A : i32
    %lt3A = arith.constant 13 : i32
    %lt3A_1 = arith.cmpi slt, %add3A_0, %lt3A : i32
    %add3A_2 = arith.constant 1 : i32
    %add3A_3 = arith.addi %add3A_0, %add3A_2 : i32
    %select_n3A = arith.select %lt3A_1, %add3A_0, %add3A_3 : i32
    %c0_i32 = arith.constant 0 : i32
    %c0_i32_4 = arith.constant 0 : i32
    %c0_i32_5 = arith.constant 0 : i32
    return %select_n3A, %c0_i32, %c0_i32_4 : i32, i32, i32
  }
  func.func @transform_3(%arg0: i32, %arg1: i32) -> (i32, i32, i32) {
    %mul3A = arith.constant 1 : i32
    %mul3A_0 = arith.muli %arg1, %mul3A : i32
    %add3A = arith.addi %mul3A_0, %arg0 : i32
    %c0_i32 = arith.constant 0 : i32
    %c0_i32_1 = arith.constant 0 : i32
    %c0_i32_2 = arith.constant 0 : i32
    return %c0_i32, %add3A, %c0_i32_1 : i32, i32, i32
  }
}

module attributes {stable_mosaic.version = 14 : i64} {
  func.func @_finish_body(%arg0: i32, %arg1: memref<1000x128xf32, #tpu.memory_space<vmem>>, %arg2: memref<1x128x128xf32, #tpu.memory_space<vmem>>, %arg3: memref<1000x128xf32, #tpu.memory_space<vmem>>, %arg4: memref<1000x128xf32, #tpu.memory_space<vmem>>, %arg5: memref<1000x128xf32, #tpu.memory_space<vmem>>) attributes {dimension_semantics = [#tpu.dimension_semantics<arbitrary>], iteration_bounds = array<i64: 10>, scalar_prefetch = 0 : i64, scratch_operands = 0 : i64, tpu.core_type = #tpu.core_type<tc>, window_params = [{transform_indices = @transform_0, window_bounds = array<i64: 1000, 128>}, {transform_indices = @transform_1, window_bounds = array<i64: 1, 128, 128>}, {transform_indices = @transform_2, window_bounds = array<i64: 1000, 128>}, {transform_indices = @transform_3, window_bounds = array<i64: 1000, 128>}, {transform_indices = @transform_4, window_bounds = array<i64: 1000, 128>}]} {
    %get3A = arith.constant 0 : index
    %get3A_0 = arith.constant 0 : index
    %get3A_1 = vector.load %arg1[%get3A, %get3A_0] : memref<1000x128xf32, #tpu.memory_space<vmem>>, vector<1000x128xf32>
    %convert_element_type3A = arith.truncf %get3A_1 : vector<1000x128xf32> to vector<1000x128xbf16>
    %get3A_2 = arith.constant 0 : index
    %get3A_3 = arith.constant 0 : index
    %get3A_4 = arith.constant 0 : index
    %get3A_5 = vector.load %arg2[%get3A_2, %get3A_3, %get3A_4] : memref<1x128x128xf32, #tpu.memory_space<vmem>>, vector<1x128x128xf32>
    %get3A_6 = vector.shape_cast %get3A_5 : vector<1x128x128xf32> to vector<128x128xf32>
    %convert_element_type3A_7 = arith.truncf %get3A_6 : vector<128x128xf32> to vector<128x128xbf16>
    %dot_general3A = arith.constant dense<0.000000e+00> : vector<1000x128xf32>
    %dot_general3A_8 = tpu.matmul %convert_element_type3A, %convert_element_type3A_7, %dot_general3A {dimension_numbers = #tpu.dot_dimension_numbers<[1], [0], [0], [1], [0, 0, 1, 1], [], []>, transpose_lhs_hint = false} : vector<1000x128xbf16>, vector<128x128xbf16>, vector<1000x128xf32> -> vector<1000x128xf32>
    %get3A_9 = arith.constant 0 : index
    %get3A_10 = arith.constant 0 : index
    %get3A_11 = vector.load %arg3[%get3A_9, %get3A_10] : memref<1000x128xf32, #tpu.memory_space<vmem>>, vector<1000x128xf32>
    %add3A = arith.addf %dot_general3A_8, %get3A_11 : vector<1000x128xf32>
    %get3A_12 = arith.constant 0 : index
    %get3A_13 = arith.constant 0 : index
    %get3A_14 = vector.load %arg4[%get3A_12, %get3A_13] : memref<1000x128xf32, #tpu.memory_space<vmem>>, vector<1000x128xf32>
    %add3A_15 = arith.addf %add3A, %get3A_14 : vector<1000x128xf32>
    %swap3A = arith.constant 0 : index
    %swap3A_16 = arith.constant 0 : index
    %swap3A_17 = vector.load %arg5[%swap3A, %swap3A_16] : memref<1000x128xf32, #tpu.memory_space<vmem>>, vector<1000x128xf32>
    tpu.vector_store %arg5[%swap3A, %swap3A_16], %add3A_15 {strides = array<i32>} : memref<1000x128xf32, #tpu.memory_space<vmem>>, vector<1000x128xf32>,
    return
  }
  func.func @transform_0(%arg0: i32) -> (i32, i32) {
    %c0_i32 = arith.constant 0 : i32
    %c0_i32_0 = arith.constant 0 : i32
    return %arg0, %c0_i32 : i32, i32
  }
  func.func @transform_1(%arg0: i32) -> (i32, i32, i32) {
    %c13_i32 = arith.constant 13 : i32
    %c0_i32 = arith.constant 0 : i32
    %c0_i32_0 = arith.constant 0 : i32
    %c0_i32_1 = arith.constant 0 : i32
    return %c13_i32, %c0_i32, %c0_i32_0 : i32, i32, i32
  }
  func.func @transform_2(%arg0: i32) -> (i32, i32) {
    %c0_i32 = arith.constant 0 : i32
    %c0_i32_0 = arith.constant 0 : i32
    return %arg0, %c0_i32 : i32, i32
  }
  func.func @transform_3(%arg0: i32) -> (i32, i32) {
    %c0_i32 = arith.constant 0 : i32
    %c0_i32_0 = arith.constant 0 : i32
    return %arg0, %c0_i32 : i32, i32
  }
  func.func @transform_4(%arg0: i32) -> (i32, i32) {
    %c0_i32 = arith.constant 0 : i32
    %c0_i32_0 = arith.constant 0 : i32
    return %arg0, %c0_i32 : i32, i32
  }
}

</mosaic_0001>

<sc_bundles>
// kernel: kernel.11.cloned.1.call-start
scs
__scs_entry_jumppad:
0x0: {  	(pc) =	sbr.rel $0x88, $3  }
0x1: {  	(tag) =	ssettag $0x0;
	lr =	simm.s32 $0x1  }
0x2: {  	[smem:$0x3F9D] =	sst lr;
	_ =	strace $0xD0000000  }
0x3: {  	_ = 	snop  }
0x4: {  	_ = 	snop  }
0x5: {  	_ = 	snop  }
0x6: {  	_ = 	snop  }
0x7: {  	_ = 	snop  }
__scs_overlays_trampoline_lowered:
0x8: {  	[smem:$0x3FAC] =	sst s0  }
0x9: {  	[smem:$0x3FAD] =	sst s1  }
0xa: {  	[smem:$0x3FAE] =	sst s2  }
0xb: {  	[smem:$0x3FAF] =	sst s3  }
0xc: {  	[smem:$0x3FB0] =	sst s4  }
0xd: {  	[smem:$0x3FB1] =	sst s5  }
0xe: {  	[smem:$0x3FB2] =	sst s6  }
0xf: {  	[smem:$0x3FB3] =	sst s7  }
0x10: {  	[smem:$0x3FB4] =	sst s8  }
0x11: {  	[smem:$0x3FB5] =	sst s9;
	s0 =	simm.s32 @!p0 $0x0  }
0x12: {  	s1 =	sld [smem:$0x3F9B];
	s0 =	simm.s32 @p0 $0x1  }
0x13: {  	[smem:$0x3FB6] =	sst s0;
	s0 =	simm.s32 @!p1 $0x0  }
0x14: {  	s2 =	sld [smem:$0x3F9A];
	s0 =	simm.s32 @p1 $0x1  }
0x15: {  	[smem:$0x3FB7] =	sst s0;
	s0 =	simm.s32 @!p2 $0x0  }
0x16: {  	s3 =	sld [smem:$0x3FDB];
	s0 =	simm.s32 @p2 $0x1  }
0x17: {  	s4 =	simm.s32 $0x1BF5;
	[smem:$0x3FB9] =	sst s0  }
0x18: {  	s0 =	sld [smem:$0x3F9C];
	_ =	swait.ge [sflag:s4], $0x0  }
0x19: {  	s7 =	sld [smem:$0x3F9D]  }
0x1a: {  	s8 =	sadd.s32 $0xFFFFE003, lr  }
0x1b: {  	s9 =	sadd.s32 $0xFFFFFEF7, lr;
	s5 =	simm.s32 $0xFFFFFFFF;
	p2 =	slt.u32 s8, $0xFFFFF086  }
0x1c: {  	p1 =	slt.u32 s9, $0xF7A;
	s5 =	simm.s32 @!p2 $0x0  }
0x1d: {  	s5 =	simm.s32 @p1 $0x1;
	p0 =	seq.s32 s7, s2  }
0x1e: {  	s7 =	smul.u32 @!p0 $0xF7A, s2;
	p2 =	seq.s32 @!p0 s5, $0x0  }
0x1f: {  	s9 =	smul.u32 $0xF7A, s1;
	s8 =	simm.s32 @!p0 $0x1BF5;
	p2 =	por !p2, p0  }
0x20: {  	[sflag:s8] =	ssyncset.s32 @!p0 $0xFFFFF086;
	s6 =	sadd.s32 @!p0 s3, s7;
	s7 =	simm.s32 @!p0 $0x108  }
0x21: {  	s3 =	sadd.s32 s3, s9;
	s6 =	sadd.s32 @!p0 $0x88, s6;
	s7 =	simm.s32 @p2 $0x1082  }
0x22: {  	[simem:s7], [sflag:s8] =	dma.local @!p0 [hbm:s6], $0xF7A  }
0x23: {  	s9 =	sor.u32 $0xD0000000, s2;
	s6 =	simm.s32 $0x108;
	_ =	swait.ge @!p0 [sflag:s8], $0x0  }
0x24: {  	s3 =	sadd.s32 $0x88, s3;
	s6 =	simm.s32 @!p1 $0x1082;
	[sflag:s4] =	ssyncset.s32 $0xFFFFF086  }
0x25: {  	[simem:s6], [sflag:s4] =	dma.local [hbm:s3], $0xF7A  }
0x26: {  	[smem:$0x3F9D] =	sst s1;
	(tag) =	ssettag s2;
	_ =	strace s9  }
0x27: {  	s1 =	sld [smem:$0x3FAD]  }
0x28: {  	s2 =	sld [smem:$0x3FAE]  }
0x29: {  	s4 =	sld [smem:$0x3FB0]  }
0x2a: {  	p0 =	seq.s32 s5, $0x0;
	s5 =	sld [smem:$0x3FB1]  }
0x2b: {  	s6 =	sld [smem:$0x3FB2]  }
0x2c: {  	s7 =	sld [smem:$0x3FB3]  }
0x2d: {  	s3 =	simm.s32 $0x108;
	s8 =	sld [smem:$0x3FB4]  }
0x2e: {  	s3 =	simm.s32 @!p0 $0x1082;
	s9 =	sld [smem:$0x3FB5]  }
0x2f: {  	lr =	sadd.s32 s0, s3;
	s0 =	sld [smem:$0x3FAC]  }
0x30: {  	s3 =	sld [smem:$0x3FAF]  }
0x31: {  	[smem:$0x3FB8] =	sst s10  }
0x32: {  	s10 =	sld [smem:$0x3FB6];
	_ =	sdelay $0x3  }
0x33: {  	p0 =	seq.s32 s10, $0x1;
	s10 =	sld [smem:$0x3FB8];
	_ =	sdelay $0x3  }
0x34: {  	[smem:$0x3FB8] =	sst s10  }
0x35: {  	s10 =	sld [smem:$0x3FB7];
	_ =	sdelay $0x3  }
0x36: {  	p1 =	seq.s32 s10, $0x1;
	s10 =	sld [smem:$0x3FB8];
	_ =	sdelay $0x3  }
0x37: {  	[smem:$0x3FB8] =	sst s10  }
0x38: {  	s10 =	sld [smem:$0x3FB9]  }
0x39: {  	_ = 	snop;
	(pc) =	sbr.ind lr, $3  }
0x3a: {  	_ = 	snop  }
0x3b: {  	_ = 	snop  }
0x3c: {  	p2 =	seq.s32 s10, $0x1;
	s10 =	sld [smem:$0x3FB8]  }
0x3d: {  	_ =	shalt  }
0x3e: {  	_ =	shalt  }
0x3f: {  	_ =	shalt  }
0x40: {  	_ =	shalt  }
0x41: {  	_ =	shalt  }
0x42: {  	_ =	shalt  }
0x43: {  	_ =	shalt  }
0x44: {  	_ =	shalt  }
0x45: {  	_ =	shalt  }
0x46: {  	_ =	shalt  }
0x47: {  	_ =	shalt  }
0x48: {  	_ =	shalt  }
0x49: {  	_ =	shalt  }
0x4a: {  	_ =	shalt  }
0x4b: {  	_ =	shalt  }
0x4c: {  	_ =	shalt  }
0x4d: {  	_ =	shalt  }
0x4e: {  	_ =	shalt  }
0x4f: {  	_ =	shalt  }
0x50: {  	_ =	shalt  }
0x51: {  	_ =	shalt  }
0x52: {  	_ =	shalt  }
0x53: {  	_ =	shalt  }
0x54: {  	_ =	shalt  }
0x55: {  	_ =	shalt  }
0x56: {  	_ =	shalt  }
0x57: {  	_ =	shalt  }
0x58: {  	_ =	shalt  }
0x59: {  	_ =	shalt  }
0x5a: {  	_ =	shalt  }
0x5b: {  	_ =	shalt  }
0x5c: {  	_ =	shalt  }
0x5d: {  	_ =	shalt  }
0x5e: {  	_ =	shalt  }
0x5f: {  	_ =	shalt  }
0x60: {  	_ =	shalt  }
0x61: {  	_ =	shalt  }
0x62: {  	_ =	shalt  }
0x63: {  	_ =	shalt  }
0x64: {  	_ =	shalt  }
0x65: {  	_ =	shalt  }
0x66: {  	_ =	shalt  }
0x67: {  	_ =	shalt  }
0x68: {  	_ =	shalt  }
0x69: {  	_ =	shalt  }
0x6a: {  	_ =	shalt  }
0x6b: {  	_ =	shalt  }
0x6c: {  	_ =	shalt  }
0x6d: {  	_ =	shalt  }
0x6e: {  	_ =	shalt  }
0x6f: {  	_ =	shalt  }
0x70: {  	_ =	shalt  }
0x71: {  	_ =	shalt  }
0x72: {  	_ =	shalt  }
0x73: {  	_ =	shalt  }
0x74: {  	_ =	shalt  }
0x75: {  	_ =	shalt  }
0x76: {  	_ =	shalt  }
0x77: {  	_ =	shalt  }
0x78: {  	_ =	shalt  }
0x79: {  	_ =	shalt  }
0x7a: {  	_ =	shalt  }
0x7b: {  	_ =	shalt  }
0x7c: {  	_ =	shalt  }
0x7d: {  	_ =	shalt  }
0x7e: {  	_ =	shalt  }
0x7f: {  	_ =	shalt  }
0x80: {  	_ =	shalt  }
0x81: {  	_ =	shalt  }
0x82: {  	_ =	shalt  }
0x83: {  	_ =	shalt  }
0x84: {  	_ =	shalt  }
0x85: {  	_ =	shalt  }
0x86: {  	_ =	shalt  }
0x87: {  	_ =	shalt  }
.Lfunc_end0:
.L_simem_size_0:
called_computation.1_lowered:
.L_overlay_start_0:
0x88: {  	s2 =	sld [smem:$0x3FD9]  }
0x89: {  	s3 =	sld [smem:$0x3FFE];
	_ =	sdelay $0x1  }
0x8a: {  	s1 =	srdreg.scid  }
0x8b: {  	s0 =	sand.u32 $0x1, s1  }
0x8c: {  	s16 =	sshll.u32 s0, $0xA;
	s2 =	sadd.s32 s3, s2  }
0x8d: {  	s2 =	sadd.s32 s2, s16  }
0x8e: {  	[smem:$0x3FC4] =	sst s2  }
0x8f: {  	_ = 	snop  }
0x90: {  	(tm) =	ssettm $0x1  }
0x91: {  	s17 =	sld [smem:$0x3FFB];
	_ =	sdelay $0x3  }
0x92: {  	_ =	strace s17  }
0x93: {  	s2 =	sld [smem:$0x3FFC];
	_ =	sdelay $0x3  }
0x94: {  	_ =	strace s2  }
0x95: {  	s2 =	sld [smem:$0x3FFD];
	_ =	sdelay $0x3  }
0x96: {  	_ =	strace s2  }
0x97: {  	_ =	strace $0x8FFFFFFF  }
0x98: {  	s18 =	sld [smem:$0x3FDB];
	_ =	sdelay $0x1  }
0x99: {  	s19 =	simm.s32 $_scs_section_size  }
0x9a: {  	s4 =	simm.s32 $_size__tile_overlayer_lowered;
	s5 =	simm.s32 $_tile_overlayer_lowered  }
0x9b: {  	s22 =	simm.s32 $0x1BFF;
	s21 =	sshll.u32 s5, $0x1;
	s2 =	sadd.s32 s19, s18  }
0x9c: {  	s6 =	simm.s32 $0x0;
	s20 =	sshll.u32 s4, $0x1;
	s4 =	sadd.s32 s21, s2  }
0x9d: {  	[timem:s6], [sflag:s22] =	dma.local [hbm:s4], s20  }
0x9e: {  	_ =	swait.ge [sflag:s22], s20  }
0x9f: {  	s3 =	ssub.s32 $0x0, s20;
	[sflag:s22] =	ssyncset.done $0x0  }
0xa0: {  	[sflag:s22] =	ssyncadd.s32 s3;
	_ =	sdelay $0x1  }
0xa1: {  	s23 =	simm.s32 $0x1B8B  }
0xa2: {  	_ =	swait.ge [sflag:s23], $0x1  }
0xa3: {  	[sflag:s23] =	ssyncset.done $0x0  }
0xa4: {  	s25 =	simm.s32 $0x1B8E;
	s24 =	sld [smem:$0x3FFE];
	[sflag:s23] =	ssyncadd.s32 $0xFFFFFFFF  }
0xa5: {  	s26 =	simm.s32 $execute0_lowered;
	[smem:$0x3FD2] =	sst s25  }
0xa6: {  	s4 =	sshll.u32 s26, $0x1;
	_ =	strace $0x80000046;
	[dreg:$0x1] =	wrdreg $0xFFFFFFFF  }
0xa7: {  	s28 =	simm.s32 $_size_execute0_lowered;
	s2 =	sadd.s32 s2, s4;
	[dreg:$0x0] =	wrdreg $0x0  }
0xa8: {  	s4 =	sshll.u32 s28, $0x1;
	[dreg:$0x2] =	wrdreg s2  }
0xa9: {  	[dreg:$0x3] =	wrdreg s4  }
0xaa: {  	[dreg:$0x4] =	wrdreg $0xC0  }
0xab: {  	_ =	task [dreg:s6], $0x5FFFF  }
0xac: {  	[dreg:$0x1] =	wrdreg $0xFFFFFFFF  }
0xad: {  	[dreg:$0x0] =	wrdreg $0x60  }
0xae: {  	[dreg:$0x2] =	wrdreg s24  }
0xaf: {  	[dreg:$0x3] =	wrdreg $0xCB000  }
0xb0: {  	[dreg:$0x4] =	wrdreg $0xA  }
0xb1: {  	_ =	task.clear_ibuf [dreg:s6], $0x5FFFF;
	_ =	strace $0x90000046  }
0xb2: {  	s29 =	simm.s32 $0xA;
	_ =	strace $0x80000048  }
0xb3: {  	_ =	swait.ge [sflag:s29], $0x1  }
0xb4: {  	[sflag:s29] =	ssyncadd.s32 $0xFFFFFFFF  }
0xb5: {  	_ =	strace $0x90000048  }
0xb6: {  	_ =	sfence  }
0xb7: {  	s30 =	sld [smem:$0x0];
	_ =	sdelay $0x2  }
0xb8: {  	s31 =	sshll.u32 s1, $0xD;
	s1 =	sshrl.u32 s1, $0x2  }
0xb9: {  	s3 =	sand.u32 $0x4000, s31;
	s1 =	sadd.s32 s1, s30  }
0xba: {  	s0 =	sor.u32 s3, s0;
	s1 =	sshll.u32 s1, $0x11  }
0xbb: {  	s0 =	sor.u32 s1, s0  }
0xbc: {  	s0 =	sadd.s32 $0x8F2B, s0  }
0xbd: {  	[sflag:s0] =	ssyncadd.remote.s32 $0x1  }
0xbe: {  	_ =	sfence.sel $0xFFFF  }
0xbf: {  	[dreg:$0x0] =	wrdreg $0xFFFFFFFF;
	(pc) =	sbr.abs _section_cstart, $3  }
0xc0: {  	[dreg:$0x1] =	wrdreg $0xFFFFFFFF  }
0xc1: {  	_ =	task.clear_ibuf [dreg:s6], $0x2FFFF;
	_ =	strace $0x9FFFFFFF  }
0xc2: {  	(tm) =	ssettm $0x7FFFFFFF  }
0xc3: {  	_ =	shalt  }
tec
execute0_lowered:
.L_overlay_start_1:
0x0: {  	(tag) =	ssettag $0x1  }
0x1: {  	s0 =	rddreg [dreg:$0x0]  }
0x2: {  	s1 =	rddreg [dreg:$0x1];
	s2 =	simm.s32 $0x0;
	s3 =	srdreg.scid  }
0x3: {  	s8 =	stileid.u32;
	s15 =	simm.s32 $0x9;
	s17 =	simm.s32 $0x7D  }
0x4: {  	s19 =	simm.s32 $0x6D40;
	s28 =	simm.s32 $0x3;
	s29 =	simm.s32 $0x4  }
0x5: {  	s30 =	simm.s32 $0x5;
	s31 =	simm.s32 $0x6;
	s5 =	smul.u32 $0x13C00, s8  }
0x6: {  	s16 =	simm.s32 $0x8;
	s20 =	simm.s32 $0x0;
	s21 =	smul.u32 $0x4E0, s8  }
0x7: {  	[smem:$0x7FF] =	sst s2;
	s3 =	sand.u32 $0x1, s3;
	s22 =	smul.u32 $0x27800, s8  }
0x8: {  	s4 =	smul.u32 $0x104000, s3;
	_ =	strace $0x80000047;
	s6 =	sshll.u32 s3, $0x6  }
0x9: {  	s3 =	ssub.s32 $0x2, s3;
	s5 =	sor.u32 s6, s5;
	s23 =	sadd.s32 s21, s0  }
0xa: {  	s25 =	sshrl.u32 s3, $0x1;
	s6 =	sshrl.u32 s22, $0x2;
	s21 =	simm.s32 $0x8C80  }
0xb: {  	s7 =	sadd.s32 s4, s0;
	s24 =	sshrl.u32 s5, $0x3;
	s3 =	ssub.s32 s3, s25  }
0xc: {  	s26 =	sadd.s32 $0x1C00, s23;
	s5 =	sadd.s32 $0x6A00, s23;
	s6 =	sadd.s32 s6, s1  }
0xd: {  	s23 =	simm.s32 $0xABC0;
	s25 =	simm.s32 $0x1;
	s0 =	sadd.s32 s24, s0  }
0xe: {  	[dreg:$0x3] =	wrdreg s26;
	s7 =	sadd.s32 $0xB800, s7;
	s8 =	sadd.s32 $0x1F40, s6  }
0xf: {  	s9 =	sadd.s32 $0x3E80, s6;
	s10 =	sadd.s32 $0x5DC0, s6;
	s11 =	sadd.s32 $0x7D00, s6  }
0x10: {  	s12 =	sadd.s32 $0x9C40, s6;
	s14 =	smax.u32 s3, $0x1;
	s24 =	simm.s32 $0x4E00  }
0x11: {  	v0 =	vimm.f32 $0.0e+00;
	s26 =	simm.s32 $0x2;
	s13 =	sadd.s32 $0x213800, s0;
	s0 =	simm.s32 $0x7  }
.LBB2_1:
0x12: {  	s3 =	rddreg [dreg:$0x3]  }
0x13: {  	[tilespmem:s2], [sflag:$0x9] =	stream.linear.gather [hbm4b:s3+s2], $0x2700, $0x38;
	[tilespmem:$0x16900] =	vst v63  }
0x14: {  	_ =	swait.ge [sflag:s15], $0x2700  }
0x15: {  	[sflag:s15] =	ssyncset.done $0x0  }
0x16: {  	s18 =	simm.s32 $0x2700;
	[sflag:s15] =	ssyncadd.s32 $0xFFFFD900  }
0x17: {  	[tilespmem:s18], [sflag:$0x9] =	stream.linear.gather [hbm4b:s5+s2], $0x2700, $0x38;
	[tilespmem:$0x16900] =	vst v63  }
0x18: {  	_ =	swait.ge [sflag:s15], $0x2700  }
0x19: {  	[sflag:s15] =	ssyncset.done $0x0  }
0x1a: {  	s22 =	simm.s32 $0x80;
	[sflag:s15] =	ssyncadd.s32 $0xFFFFD900  }
0x1b: {  	[tilespmem:s19], [sflag:$0x2] =	stream.indirect.gather [hbm4b:s7+s17], $0x40, s22, s17, $0xb8;
	[tilespmem:$0x16900] =	vst v63  }
0x1c: {  	s4 =	simm.s32 $0x100  }
0x1d: {  	[tilespmem:s21], [sflag:$0x3] =	stream.indirect.gather [hbm4b:s7+s17], $0x40, s4, s17, $0xb8;
	[tilespmem:$0x16900] =	vst v63  }
0x1e: {  	s18 =	simm.s32 $0x180;
	s22 =	sand.u32 $0x7F00, s2  }
0x1f: {  	[tilespmem:s23], [sflag:$0x4] =	stream.indirect.gather [hbm4b:s7+s17], $0x40, s18, s17, $0xb8;
	[tilespmem:$0x16900] =	vst v63  }
0x20: {  	s22 =	sshrl.u32 s22, $0x2;
	s18 =	sand.u32 $0x30, s2  }
0x21: {  	s3 =	simm.s32 $0x40;
	s18 =	sor.u32 s18, s22;
	s22 =	simm.s32 $0x0  }
.LBB2_2:
0x22: {  	p0 =	sne.s32 s3, $0x7CC0  }
0x23: {  	[tilespmem:s18+$0x4E00] =	vst v0;
	s22 =	sadd.s32 $0x10, s22;
	s18 =	smov.u32 s3;
	s3 =	sadd.s32 $0x40, s3  }
.Ltmp0:
0x24: {  	(pc) =	sbr.rel @p0 .LBB2_2-.Ltmp0, $4  }
0x25: {  	_ = 	snop  }
0x26: {  	s18 =	sand.u32 $0x7F00, s18  }
0x27: {  	s4 =	sand.u32 $0x30, s22;
	s18 =	sshrl.u32 s18, $0x2  }
0x28: {  	s18 =	sor.u32 s4, s18  }
0x29: {  	[tilespmem:s18+$0x4E00] =	vst v0  }
0x2a: {  	[spmem:s6] =	stream.linear.scatter [tilespmem:s24], [sflag:$0x9], $0x1F40, $0x38;
	[tilespmem:$0x16900] =	vst v63  }
0x2b: {  	_ =	swait.ge [sflag:s15], $0x1F40  }
0x2c: {  	[sflag:s15] =	ssyncset.done $0x0  }
0x2d: {  	[sflag:s15] =	ssyncadd.s32 $0xFFFFE0C0  }
0x2e: {  	[spmem:s8] =	stream.linear.scatter [tilespmem:s24], [sflag:$0x9], $0x1F40, $0x38;
	[tilespmem:$0x16900] =	vst v63  }
0x2f: {  	_ =	swait.ge [sflag:s15], $0x1F40  }
0x30: {  	[sflag:s15] =	ssyncset.done $0x0  }
0x31: {  	[sflag:s15] =	ssyncadd.s32 $0xFFFFE0C0  }
0x32: {  	[spmem:s9] =	stream.linear.scatter [tilespmem:s24], [sflag:$0x9], $0x1F40, $0x38;
	[tilespmem:$0x16900] =	vst v63  }
0x33: {  	_ =	swait.ge [sflag:s15], $0x1F40  }
0x34: {  	[sflag:s15] =	ssyncset.done $0x0  }
0x35: {  	[sflag:s15] =	ssyncadd.s32 $0xFFFFE0C0  }
0x36: {  	[spmem:s10] =	stream.linear.scatter [tilespmem:s24], [sflag:$0x9], $0x1F40, $0x38;
	[tilespmem:$0x16900] =	vst v63  }
0x37: {  	_ =	swait.ge [sflag:s15], $0x1F40  }
0x38: {  	[sflag:s15] =	ssyncset.done $0x0  }
0x39: {  	[sflag:s15] =	ssyncadd.s32 $0xFFFFE0C0  }
0x3a: {  	[spmem:s11] =	stream.linear.scatter [tilespmem:s24], [sflag:$0x9], $0x1F40, $0x38;
	[tilespmem:$0x16900] =	vst v63  }
0x3b: {  	_ =	swait.ge [sflag:s15], $0x1F40  }
0x3c: {  	[sflag:s15] =	ssyncset.done $0x0  }
0x3d: {  	[sflag:s15] =	ssyncadd.s32 $0xFFFFE0C0  }
0x3e: {  	[spmem:s12] =	stream.linear.scatter [tilespmem:s24], [sflag:$0x9], $0x1C0, $0x38;
	[tilespmem:$0x16900] =	vst v63  }
0x3f: {  	_ =	swait.ge [sflag:s15], $0x1C0  }
0x40: {  	[sflag:s15] =	ssyncset.done $0x0  }
0x41: {  	[sflag:s15] =	ssyncadd.s32 $0xFFFFFE40  }
0x42: {  	s3 =	simm.s32 $0x0;
	[bflag:$0x0] =	sbarrier.arrive $0xFFFF  }
0x43: {  	[tilespmem:s24], [sflag:$0x1] =	stream.indirect.gather [hbm4b:s7+s17], $0x40, s3, s17, $0xb8;
	[tilespmem:$0x16900] =	vst v63  }
0x44: {  	_ =	swait.ge [sflag:s25], $0x1F40  }
0x45: {  	[sflag:s25] =	ssyncset.done $0x0  }
0x46: {  	s22 =	simm.s32 $0x2700;
	[sflag:s25] =	ssyncadd.s32 $0xFFFFE0C0  }
0x47: {  	[spmem:s1] =	stream.indirect.scatter.add.f32 [tilespmem:s24], [sflag:$0x5], $0x40, s22, s17, $0xb8;
	[tilespmem:$0x16900] =	vst v63  }
0x48: {  	_ =	swait.ge [sflag:s26], $0x1F40  }
0x49: {  	[sflag:s26] =	ssyncset.done $0x0  }
0x4a: {  	s4 =	simm.s32 $0x2780;
	[sflag:s26] =	ssyncadd.s32 $0xFFFFE0C0  }
0x4b: {  	[spmem:s1] =	stream.indirect.scatter.add.f32 [tilespmem:s19], [sflag:$0x6], $0x40, s4, s17, $0xb8;
	[tilespmem:$0x16900] =	vst v63  }
0x4c: {  	_ =	swait.ge [sflag:s28], $0x1F40  }
0x4d: {  	[sflag:s28] =	ssyncset.done $0x0  }
0x4e: {  	s18 =	simm.s32 $0x2800;
	[sflag:s28] =	ssyncadd.s32 $0xFFFFE0C0  }
0x4f: {  	[spmem:s1] =	stream.indirect.scatter.add.f32 [tilespmem:s21], [sflag:$0x7], $0x40, s18, s17, $0xb8;
	[tilespmem:$0x16900] =	vst v63  }
0x50: {  	_ =	swait.ge [sflag:s29], $0x1F40  }
0x51: {  	[sflag:s29] =	ssyncset.done $0x0  }
0x52: {  	s22 =	simm.s32 $0x2880;
	[sflag:s29] =	ssyncadd.s32 $0xFFFFE0C0  }
0x53: {  	[spmem:s1] =	stream.indirect.scatter.add.f32 [tilespmem:s23], [sflag:$0x8], $0x40, s22, s17, $0xb8;
	[tilespmem:$0x16900] =	vst v63  }
0x54: {  	_ =	swait.ge [sflag:s30], $0x1F40  }
0x55: {  	[sflag:s30] =	ssyncset.done $0x0  }
0x56: {  	s4 =	simm.s32 $0x200;
	[sflag:s30] =	ssyncadd.s32 $0xFFFFE0C0  }
0x57: {  	[tilespmem:s24], [sflag:$0x1] =	stream.indirect.gather [hbm4b:s7+s17], $0x40, s4, s17, $0xb8;
	[tilespmem:$0x16900] =	vst v63  }
0x58: {  	_ =	swait.ge [sflag:s31], $0x1F40  }
0x59: {  	[sflag:s31] =	ssyncset.done $0x0  }
0x5a: {  	s18 =	simm.s32 $0x280;
	[sflag:s31] =	ssyncadd.s32 $0xFFFFE0C0  }
0x5b: {  	[tilespmem:s19], [sflag:$0x2] =	stream.indirect.gather [hbm4b:s7+s17], $0x40, s18, s17, $0xb8;
	[tilespmem:$0x16900] =	vst v63  }
0x5c: {  	_ =	swait.ge [sflag:s0], $0x1F40  }
0x5d: {  	[sflag:s0] =	ssyncset.done $0x0  }
0x5e: {  	s22 =	simm.s32 $0x300;
	[sflag:s0] =	ssyncadd.s32 $0xFFFFE0C0  }
0x5f: {  	[tilespmem:s21], [sflag:$0x3] =	stream.indirect.gather [hbm4b:s7+s17], $0x40, s22, s17, $0xb8;
	[tilespmem:$0x16900] =	vst v63  }
0x60: {  	_ =	swait.ge [sflag:s16], $0x1F40  }
0x61: {  	[sflag:s16] =	ssyncset.done $0x0  }
0x62: {  	s3 =	simm.s32 $0x800;
	s18 =	simm.s32 $0x380;
	[sflag:s16] =	ssyncadd.s32 $0xFFFFE0C0  }
.LBB2_4:
0x63: {  	[tilespmem:s23], [sflag:$0x4] =	stream.indirect.gather [hbm4b:s7+s17], $0x40, s18, s17, $0xb8;
	[tilespmem:$0x16900] =	vst v63  }
0x64: {  	s4 =	smov.u32 s3  }
0x65: {  	p0 =	sne.s32 s3, $0x8800;
	s3 =	sadd.s32 $0x800, s3;
	_ =	swait.ge [sflag:s25], $0x1F40  }
0x66: {  	s22 =	sshra.s32 s4, $0x2;
	[sflag:s25] =	ssyncset.done $0x0  }
0x67: {  	s4 =	sadd.s32 $0x2700, s22;
	[sflag:s25] =	ssyncadd.s32 $0xFFFFE0C0  }
0x68: {  	[spmem:s1] =	stream.indirect.scatter.add.f32 [tilespmem:s24], [sflag:$0x5], $0x40, s4, s17, $0xb8;
	[tilespmem:$0x16900] =	vst v63  }
0x69: {  	_ =	swait.ge [sflag:s26], $0x1F40  }
0x6a: {  	[sflag:s26] =	ssyncset.done $0x0  }
0x6b: {  	s4 =	sadd.s32 $0x2780, s22;
	[sflag:s26] =	ssyncadd.s32 $0xFFFFE0C0  }
0x6c: {  	[spmem:s1] =	stream.indirect.scatter.add.f32 [tilespmem:s19], [sflag:$0x6], $0x40, s4, s17, $0xb8;
	[tilespmem:$0x16900] =	vst v63  }
0x6d: {  	_ =	swait.ge [sflag:s28], $0x1F40  }
0x6e: {  	[sflag:s28] =	ssyncset.done $0x0  }
0x6f: {  	s4 =	sadd.s32 $0x2800, s22;
	[sflag:s28] =	ssyncadd.s32 $0xFFFFE0C0  }
0x70: {  	[spmem:s1] =	stream.indirect.scatter.add.f32 [tilespmem:s21], [sflag:$0x7], $0x40, s4, s17, $0xb8;
	[tilespmem:$0x16900] =	vst v63  }
0x71: {  	_ =	swait.ge [sflag:s29], $0x1F40  }
0x72: {  	[sflag:s29] =	ssyncset.done $0x0  }
0x73: {  	s4 =	sadd.s32 $0x2880, s22;
	[sflag:s29] =	ssyncadd.s32 $0xFFFFE0C0  }
0x74: {  	[spmem:s1] =	stream.indirect.scatter.add.f32 [tilespmem:s23], [sflag:$0x8], $0x40, s4, s17, $0xb8;
	[tilespmem:$0x16900] =	vst v63  }
0x75: {  	_ =	swait.ge [sflag:s30], $0x1F40  }
0x76: {  	[sflag:s30] =	ssyncset.done $0x0  }
0x77: {  	s4 =	sadd.s32 $0x200, s22;
	[sflag:s30] =	ssyncadd.s32 $0xFFFFE0C0  }
0x78: {  	[tilespmem:s24], [sflag:$0x1] =	stream.indirect.gather [hbm4b:s7+s17], $0x40, s4, s17, $0xb8;
	[tilespmem:$0x16900] =	vst v63  }
0x79: {  	_ =	swait.ge [sflag:s31], $0x1F40  }
0x7a: {  	[sflag:s31] =	ssyncset.done $0x0  }
0x7b: {  	s4 =	sadd.s32 $0x280, s22;
	[sflag:s31] =	ssyncadd.s32 $0xFFFFE0C0  }
0x7c: {  	[tilespmem:s19], [sflag:$0x2] =	stream.indirect.gather [hbm4b:s7+s17], $0x40, s4, s17, $0xb8;
	[tilespmem:$0x16900] =	vst v63  }
0x7d: {  	_ =	swait.ge [sflag:s0], $0x1F40  }
0x7e: {  	[sflag:s0] =	ssyncset.done $0x0  }
.Ltmp1:
0x7f: {  	s4 =	sadd.s32 $0x300, s22;
	[sflag:s0] =	ssyncadd.s32 $0xFFFFE0C0;
	(pc) =	sbr.rel @p0 .LBB2_4-.Ltmp1, $4  }
0x80: {  	[tilespmem:s21], [sflag:$0x3] =	stream.indirect.gather [hbm4b:s7+s17], $0x40, s4, s17, $0xb8;
	[tilespmem:$0x16900] =	vst v63  }
0x81: {  	_ =	swait.ge [sflag:s16], $0x1F40  }
0x82: {  	[sflag:s16] =	ssyncset.done $0x0  }
0x83: {  	s18 =	sadd.s32 $0x380, s22;
	[sflag:s16] =	ssyncadd.s32 $0xFFFFE0C0  }
0x84: {  	[tilespmem:s23], [sflag:$0x4] =	stream.indirect.gather [hbm4b:s7+s17], $0x40, s18, s17, $0xb8;
	[tilespmem:$0x16900] =	vst v63  }
0x85: {  	_ =	swait.ge [sflag:s25], $0x1F40  }
0x86: {  	[sflag:s25] =	ssyncset.done $0x0  }
0x87: {  	s3 =	simm.s32 $0x4B00;
	[sflag:s25] =	ssyncadd.s32 $0xFFFFE0C0  }
0x88: {  	[spmem:s1] =	stream.indirect.scatter.add.f32 [tilespmem:s24], [sflag:$0x5], $0x40, s3, s17, $0xb8;
	[tilespmem:$0x16900] =	vst v63  }
0x89: {  	_ =	swait.ge [sflag:s26], $0x1F40  }
0x8a: {  	[sflag:s26] =	ssyncset.done $0x0  }
0x8b: {  	s4 =	simm.s32 $0x4B80;
	[sflag:s26] =	ssyncadd.s32 $0xFFFFE0C0  }
0x8c: {  	[spmem:s1] =	stream.indirect.scatter.add.f32 [tilespmem:s19], [sflag:$0x6], $0x40, s4, s17, $0xb8;
	[tilespmem:$0x16900] =	vst v63  }
0x8d: {  	_ =	swait.ge [sflag:s28], $0x1F40  }
0x8e: {  	[sflag:s28] =	ssyncset.done $0x0  }
0x8f: {  	s18 =	simm.s32 $0x4C00;
	[sflag:s28] =	ssyncadd.s32 $0xFFFFE0C0  }
0x90: {  	[spmem:s1] =	stream.indirect.scatter.add.f32 [tilespmem:s21], [sflag:$0x7], $0x40, s18, s17, $0xb8;
	[tilespmem:$0x16900] =	vst v63  }
0x91: {  	_ =	swait.ge [sflag:s29], $0x1F40  }
0x92: {  	[sflag:s29] =	ssyncset.done $0x0  }
0x93: {  	s22 =	simm.s32 $0x4C80;
	[sflag:s29] =	ssyncadd.s32 $0xFFFFE0C0  }
0x94: {  	[spmem:s1] =	stream.indirect.scatter.add.f32 [tilespmem:s23], [sflag:$0x8], $0x40, s22, s17, $0xb8;
	[tilespmem:$0x16900] =	vst v63  }
0x95: {  	_ =	swait.ge [sflag:s30], $0x1F40  }
0x96: {  	[sflag:s30] =	ssyncset.done $0x0  }
0x97: {  	s4 =	simm.s32 $0x2600;
	[sflag:s30] =	ssyncadd.s32 $0xFFFFE0C0  }
0x98: {  	[tilespmem:s24], [sflag:$0x1] =	stream.indirect.gather [hbm4b:s7+s17], $0x40, s4, s17, $0xb8;
	[tilespmem:$0x16900] =	vst v63  }
0x99: {  	_ =	swait.ge [sflag:s31], $0x1F40  }
0x9a: {  	[sflag:s31] =	ssyncset.done $0x0  }
0x9b: {  	s18 =	simm.s32 $0x2680;
	[sflag:s31] =	ssyncadd.s32 $0xFFFFE0C0  }
0x9c: {  	[tilespmem:s19], [sflag:$0x2] =	stream.indirect.gather [hbm4b:s7+s17], $0x40, s18, s17, $0xb8;
	[tilespmem:$0x16900] =	vst v63  }
0x9d: {  	_ =	swait.ge [sflag:s0], $0x1F40  }
0x9e: {  	[sflag:s0] =	ssyncset.done $0x0  }
0x9f: {  	[sflag:s0] =	ssyncadd.s32 $0xFFFFE0C0  }
0xa0: {  	_ =	swait.ge [sflag:s16], $0x1F40  }
0xa1: {  	[sflag:s16] =	ssyncset.done $0x0  }
0xa2: {  	[sflag:s16] =	ssyncadd.s32 $0xFFFFE0C0  }
0xa3: {  	_ =	swait.ge [sflag:s25], $0x1F40  }
0xa4: {  	[sflag:s25] =	ssyncset.done $0x0  }
0xa5: {  	s22 =	simm.s32 $0x4D00;
	[sflag:s25] =	ssyncadd.s32 $0xFFFFE0C0  }
0xa6: {  	[spmem:s1] =	stream.indirect.scatter.add.f32 [tilespmem:s24], [sflag:$0x5], $0x40, s22, s17, $0xb8;
	[tilespmem:$0x16900] =	vst v63  }
0xa7: {  	_ =	swait.ge [sflag:s26], $0x1F40  }
0xa8: {  	[sflag:s26] =	ssyncset.done $0x0  }
0xa9: {  	s4 =	simm.s32 $0x4D80;
	[sflag:s26] =	ssyncadd.s32 $0xFFFFE0C0  }
0xaa: {  	[spmem:s1] =	stream.indirect.scatter.add.f32 [tilespmem:s19], [sflag:$0x6], $0x40, s4, s17, $0xb8;
	[tilespmem:$0x16900] =	vst v63  }
0xab: {  	_ =	swait.ge [sflag:s30], $0x1F40  }
0xac: {  	[sflag:s30] =	ssyncset.done $0x0  }
0xad: {  	[sflag:s30] =	ssyncadd.s32 $0xFFFFE0C0  }
0xae: {  	s20 =	sadd.s32 $0x1, s20;
	s18 =	stileid.u32;
	_ =	swait.ge [sflag:s31], $0x1F40  }
0xaf: {  	p0 =	sne.s32 s20, s14;
	s3 =	sshll.u32 s18, $0x6;
	[sflag:s31] =	ssyncset.done $0x0  }
0xb0: {  	s3 =	sor.u32 $0x1C09, s3;
	s22 =	simm.s32 $0x10;
	[sflag:s31] =	ssyncadd.s32 $0xFFFFE0C0  }
.Ltmp2:
0xb1: {  	s4 =	sshrl.u32 s6, $0x3;
	[bflag:$0x0] =	sbarrier.arrive $0xFFFF;
	(pc) =	sbr.rel @p0 .LBB2_1-.Ltmp2, $4  }
0xb2: {  	[hbm:s13@s22], [sflag:s3] =	dma.strided [spmem:s4@s16], $0x13C0, s25, $0x8   }
0xb3: {  	_ =	swait.ge [sflag:s15], $0x13C0  }
0xb4: {  	[sflag:s15] =	ssyncset.done $0x0  }
0xb5: {  	[sflag:s15] =	ssyncadd.s32 $0xFFFFEC40  }
0xb6: {  	_ =	sfence.sel $0x180000  }
0xb7: {  	[bflag:$0x0] =	sbarrier.arrive $0xFFFF  }
0xb8: {  	_ =	strace $0x90000047  }
0xb9: {  	s0 =	stileid.u32;
	[bflag:$0x2] =	sbarrier.arrive $0xFFFF  }
0xba: {  	p0 =	sne.s32 s0, $0x0;
	s0 =	rddreg [dreg:$0x2]  }
0xbb: {  	s0 =	sadd.s32 @!p0 $0x100000, s0  }
0xbc: {  	[sflag:s0] =	ssyncadd.tile.s32 @!p0 $0x1;
	_ =	shalt  }
.Lfunc_end2:
_tile_overlayer_lowered:
.L_overlay_start_2:
0xbd: {  	(tag) =	ssettag $0x2  }
0xbe: {  	s0 =	rddreg [dreg:$0x0];
	s2 =	stileid.u32  }
0xbf: {  	s1 =	rddreg [dreg:$0x1];
	p0 =	sne.s32 s2, $0x0  }
0xc0: {  	s3 =	rddreg [dreg:$0x2];
	[bflag:$0x3] =	sbarrier.arrive $0xFFFF;
	s2 =	simm.s32 @!p0 $0x1C09  }
0xc1: {  	[timem:s3], [sflag:s2] =	dma.local @!p0 [hbm:s0], s1  }
0xc2: {  	s0 =	simm.s32 @!p0 $0x9  }
0xc3: {  	_ =	swait.ge @!p0 [sflag:s0], s1  }
0xc4: {  	s1 =	ssub.s32 @!p0 $0x0, s1;
	[sflag:s0] =	ssyncset.done @!p0 $0x0  }
0xc5: {  	[sflag:s0] =	ssyncadd.s32 @!p0 s1  }
0xc6: {  	[bflag:$0x3] =	sbarrier.arrive $0xFFFF  }
0xc7: {  	_ =	shalt  }

// kernel: kernel.8.cloned.1.call-start
scs
__scs_entry_jumppad:
0x0: {  	(pc) =	sbr.rel $0x88, $3  }
0x1: {  	(tag) =	ssettag $0x0;
	lr =	simm.s32 $0x1  }
0x2: {  	[smem:$0x3F9D] =	sst lr;
	_ =	strace $0xD0000000  }
0x3: {  	_ = 	snop  }
0x4: {  	_ = 	snop  }
0x5: {  	_ = 	snop  }
0x6: {  	_ = 	snop  }
0x7: {  	_ = 	snop  }
__scs_overlays_trampoline_lowered:
0x8: {  	[smem:$0x3FAC] =	sst s0  }
0x9: {  	[smem:$0x3FAD] =	sst s1  }
0xa: {  	[smem:$0x3FAE] =	sst s2  }
0xb: {  	[smem:$0x3FAF] =	sst s3  }
0xc: {  	[smem:$0x3FB0] =	sst s4  }
0xd: {  	[smem:$0x3FB1] =	sst s5  }
0xe: {  	[smem:$0x3FB2] =	sst s6  }
0xf: {  	[smem:$0x3FB3] =	sst s7  }
0x10: {  	[smem:$0x3FB4] =	sst s8  }
0x11: {  	[smem:$0x3FB5] =	sst s9;
	s0 =	simm.s32 @!p0 $0x0  }
0x12: {  	s1 =	sld [smem:$0x3F9B];
	s0 =	simm.s32 @p0 $0x1  }
0x13: {  	[smem:$0x3FB6] =	sst s0;
	s0 =	simm.s32 @!p1 $0x0  }
0x14: {  	s2 =	sld [smem:$0x3F9A];
	s0 =	simm.s32 @p1 $0x1  }
0x15: {  	[smem:$0x3FB7] =	sst s0;
	s0 =	simm.s32 @!p2 $0x0  }
0x16: {  	s3 =	sld [smem:$0x3FDB];
	s0 =	simm.s32 @p2 $0x1  }
0x17: {  	s4 =	simm.s32 $0x1BF5;
	[smem:$0x3FB9] =	sst s0  }
0x18: {  	s0 =	sld [smem:$0x3F9C];
	_ =	swait.ge [sflag:s4], $0x0  }
0x19: {  	s7 =	sld [smem:$0x3F9D]  }
0x1a: {  	s8 =	sadd.s32 $0xFFFFE003, lr  }
0x1b: {  	s9 =	sadd.s32 $0xFFFFFEF7, lr;
	s5 =	simm.s32 $0xFFFFFFFF;
	p2 =	slt.u32 s8, $0xFFFFF086  }
0x1c: {  	p1 =	slt.u32 s9, $0xF7A;
	s5 =	simm.s32 @!p2 $0x0  }
0x1d: {  	s5 =	simm.s32 @p1 $0x1;
	p0 =	seq.s32 s7, s2  }
0x1e: {  	s7 =	smul.u32 @!p0 $0xF7A, s2;
	p2 =	seq.s32 @!p0 s5, $0x0  }
0x1f: {  	s9 =	smul.u32 $0xF7A, s1;
	s8 =	simm.s32 @!p0 $0x1BF5;
	p2 =	por !p2, p0  }
0x20: {  	[sflag:s8] =	ssyncset.s32 @!p0 $0xFFFFF086;
	s6 =	sadd.s32 @!p0 s3, s7;
	s7 =	simm.s32 @!p0 $0x108  }
0x21: {  	s3 =	sadd.s32 s3, s9;
	s6 =	sadd.s32 @!p0 $0x88, s6;
	s7 =	simm.s32 @p2 $0x1082  }
0x22: {  	[simem:s7], [sflag:s8] =	dma.local @!p0 [hbm:s6], $0xF7A  }
0x23: {  	s9 =	sor.u32 $0xD0000000, s2;
	s6 =	simm.s32 $0x108;
	_ =	swait.ge @!p0 [sflag:s8], $0x0  }
0x24: {  	s3 =	sadd.s32 $0x88, s3;
	s6 =	simm.s32 @!p1 $0x1082;
	[sflag:s4] =	ssyncset.s32 $0xFFFFF086  }
0x25: {  	[simem:s6], [sflag:s4] =	dma.local [hbm:s3], $0xF7A  }
0x26: {  	[smem:$0x3F9D] =	sst s1;
	(tag) =	ssettag s2;
	_ =	strace s9  }
0x27: {  	s1 =	sld [smem:$0x3FAD]  }
0x28: {  	s2 =	sld [smem:$0x3FAE]  }
0x29: {  	s4 =	sld [smem:$0x3FB0]  }
0x2a: {  	p0 =	seq.s32 s5, $0x0;
	s5 =	sld [smem:$0x3FB1]  }
0x2b: {  	s6 =	sld [smem:$0x3FB2]  }
0x2c: {  	s7 =	sld [smem:$0x3FB3]  }
0x2d: {  	s3 =	simm.s32 $0x108;
	s8 =	sld [smem:$0x3FB4]  }
0x2e: {  	s3 =	simm.s32 @!p0 $0x1082;
	s9 =	sld [smem:$0x3FB5]  }
0x2f: {  	lr =	sadd.s32 s0, s3;
	s0 =	sld [smem:$0x3FAC]  }
0x30: {  	s3 =	sld [smem:$0x3FAF]  }
0x31: {  	[smem:$0x3FB8] =	sst s10  }
0x32: {  	s10 =	sld [smem:$0x3FB6];
	_ =	sdelay $0x3  }
0x33: {  	p0 =	seq.s32 s10, $0x1;
	s10 =	sld [smem:$0x3FB8];
	_ =	sdelay $0x3  }
0x34: {  	[smem:$0x3FB8] =	sst s10  }
0x35: {  	s10 =	sld [smem:$0x3FB7];
	_ =	sdelay $0x3  }
0x36: {  	p1 =	seq.s32 s10, $0x1;
	s10 =	sld [smem:$0x3FB8];
	_ =	sdelay $0x3  }
0x37: {  	[smem:$0x3FB8] =	sst s10  }
0x38: {  	s10 =	sld [smem:$0x3FB9]  }
0x39: {  	_ = 	snop;
	(pc) =	sbr.ind lr, $3  }
0x3a: {  	_ = 	snop  }
0x3b: {  	_ = 	snop  }
0x3c: {  	p2 =	seq.s32 s10, $0x1;
	s10 =	sld [smem:$0x3FB8]  }
0x3d: {  	_ =	shalt  }
0x3e: {  	_ =	shalt  }
0x3f: {  	_ =	shalt  }
0x40: {  	_ =	shalt  }
0x41: {  	_ =	shalt  }
0x42: {  	_ =	shalt  }
0x43: {  	_ =	shalt  }
0x44: {  	_ =	shalt  }
0x45: {  	_ =	shalt  }
0x46: {  	_ =	shalt  }
0x47: {  	_ =	shalt  }
0x48: {  	_ =	shalt  }
0x49: {  	_ =	shalt  }
0x4a: {  	_ =	shalt  }
0x4b: {  	_ =	shalt  }
0x4c: {  	_ =	shalt  }
0x4d: {  	_ =	shalt  }
0x4e: {  	_ =	shalt  }
0x4f: {  	_ =	shalt  }
0x50: {  	_ =	shalt  }
0x51: {  	_ =	shalt  }
0x52: {  	_ =	shalt  }
0x53: {  	_ =	shalt  }
0x54: {  	_ =	shalt  }
0x55: {  	_ =	shalt  }
0x56: {  	_ =	shalt  }
0x57: {  	_ =	shalt  }
0x58: {  	_ =	shalt  }
0x59: {  	_ =	shalt  }
0x5a: {  	_ =	shalt  }
0x5b: {  	_ =	shalt  }
0x5c: {  	_ =	shalt  }
0x5d: {  	_ =	shalt  }
0x5e: {  	_ =	shalt  }
0x5f: {  	_ =	shalt  }
0x60: {  	_ =	shalt  }
0x61: {  	_ =	shalt  }
0x62: {  	_ =	shalt  }
0x63: {  	_ =	shalt  }
0x64: {  	_ =	shalt  }
0x65: {  	_ =	shalt  }
0x66: {  	_ =	shalt  }
0x67: {  	_ =	shalt  }
0x68: {  	_ =	shalt  }
0x69: {  	_ =	shalt  }
0x6a: {  	_ =	shalt  }
0x6b: {  	_ =	shalt  }
0x6c: {  	_ =	shalt  }
0x6d: {  	_ =	shalt  }
0x6e: {  	_ =	shalt  }
0x6f: {  	_ =	shalt  }
0x70: {  	_ =	shalt  }
0x71: {  	_ =	shalt  }
0x72: {  	_ =	shalt  }
0x73: {  	_ =	shalt  }
0x74: {  	_ =	shalt  }
0x75: {  	_ =	shalt  }
0x76: {  	_ =	shalt  }
0x77: {  	_ =	shalt  }
0x78: {  	_ =	shalt  }
0x79: {  	_ =	shalt  }
0x7a: {  	_ =	shalt  }
0x7b: {  	_ =	shalt  }
0x7c: {  	_ =	shalt  }
0x7d: {  	_ =	shalt  }
0x7e: {  	_ =	shalt  }
0x7f: {  	_ =	shalt  }
0x80: {  	_ =	shalt  }
0x81: {  	_ =	shalt  }
0x82: {  	_ =	shalt  }
0x83: {  	_ =	shalt  }
0x84: {  	_ =	shalt  }
0x85: {  	_ =	shalt  }
0x86: {  	_ =	shalt  }
0x87: {  	_ =	shalt  }
.Lfunc_end0:
.L_simem_size_0:
called_computation_lowered:
.L_overlay_start_0:
0x88: {  	s2 =	sld [smem:$0x3FD9]  }
0x89: {  	s3 =	sld [smem:$0x3FFE];
	_ =	sdelay $0x1  }
0x8a: {  	s1 =	srdreg.scid  }
0x8b: {  	s0 =	sand.u32 $0x1, s1  }
0x8c: {  	s17 =	sshll.u32 s0, $0xA;
	s2 =	sadd.s32 s3, s2  }
0x8d: {  	s2 =	sadd.s32 s2, s17  }
0x8e: {  	[smem:$0x3FC4] =	sst s2  }
0x8f: {  	_ = 	snop  }
0x90: {  	s18 =	sld [smem:$0x3FD0];
	(tm) =	ssettm $0x1  }
0x91: {  	s19 =	sld [smem:$0x3FFB];
	_ =	sdelay $0x3  }
0x92: {  	_ =	strace s19  }
0x93: {  	s2 =	sld [smem:$0x3FFC];
	_ =	sdelay $0x3  }
0x94: {  	_ =	strace s2  }
0x95: {  	s2 =	sld [smem:$0x3FFD];
	_ =	sdelay $0x3  }
0x96: {  	_ =	strace s2  }
0x97: {  	_ =	strace $0x8FFFFFFF  }
0x98: {  	s20 =	sld [smem:$0x3FDB];
	_ =	sdelay $0x1  }
0x99: {  	s4 =	simm.s32 $_scs_section_size  }
0x9a: {  	s5 =	simm.s32 $_size__tile_overlayer_lowered;
	s6 =	simm.s32 $_tile_overlayer_lowered  }
0x9b: {  	s7 =	simm.s32 $0x1BFF;
	s21 =	sshll.u32 s6, $0x1;
	s4 =	sadd.s32 s4, s20  }
0x9c: {  	s22 =	simm.s32 $0x0;
	s5 =	sshll.u32 s5, $0x1;
	s6 =	sadd.s32 s21, s4  }
0x9d: {  	[timem:s22], [sflag:s7] =	dma.local [hbm:s6], s5  }
0x9e: {  	_ =	swait.ge [sflag:s7], s5  }
0x9f: {  	s5 =	ssub.s32 $0x0, s5;
	[sflag:s7] =	ssyncset.done $0x0  }
0xa0: {  	[sflag:s7] =	ssyncadd.s32 s5;
	_ =	sdelay $0x1  }
0xa1: {  	s23 =	simm.s32 $0x1B8B  }
0xa2: {  	_ =	swait.ge [sflag:s23], $0x1  }
0xa3: {  	[sflag:s23] =	ssyncset.done $0x0  }
0xa4: {  	[sflag:s23] =	ssyncadd.s32 $0xFFFFFFFF  }
0xa5: {  	s5 =	sld [smem:$0x0]  }
0xa6: {  	s6 =	sand.u32 $0xFFFFFFFE, s1  }
0xa7: {  	p0 =	sne.s32 s1, s6  }
0xa8: {  	s6 =	sshll.u32 @p0 s6, $0xE  }
0xa9: {  	s6 =	sadd.s32 @p0 $0x11B8D, s6;
	s7 =	sshll.u32 @p0 s5, $0x11  }
0xaa: {  	s6 =	sor.u32 @p0 s7, s6  }
0xab: {  	[sflag:s6] =	ssyncadd.remote.s32 @p0 $0x1;
	_ =	sdelay $0x1  }
0xac: {  	s6 =	simm.s32 @p0 $0x1B8D  }
0xad: {  	_ =	swait.eq @p0 [sflag:s6], $0x1  }
0xae: {  	[sflag:s6] =	ssyncadd.s32 @p0 $0xFFFFFFFF  }
0xaf: {  	s7 =	sshll.u32 @!p0 s1, $0xE  }
0xb0: {  	s7 =	sor.u32 @!p0 $0x4000, s7;
	s6 =	simm.s32 @!p0 $0x1B8D  }
0xb1: {  	s5 =	sshll.u32 @!p0 s5, $0x11;
	s7 =	sadd.s32 @!p0 $0x11B8D, s7;
	_ =	swait.eq @!p0 [sflag:s6], $0x1  }
0xb2: {  	s5 =	sor.u32 @!p0 s5, s7;
	[sflag:s6] =	ssyncadd.s32 @!p0 $0xFFFFFFFF  }
0xb3: {  	s25 =	simm.s32 $0x1B8E;
	s24 =	sld [smem:$0x3FFE];
	[sflag:s5] =	ssyncadd.remote.s32 @!p0 $0x1  }
0xb4: {  	s26 =	simm.s32 $execute0_lowered;
	[smem:$0x3FD2] =	sst s25  }
0xb5: {  	s6 =	sshll.u32 s26, $0x1;
	_ =	strace $0x80000049;
	[dreg:$0x1] =	wrdreg $0xFFFFFFFF  }
0xb6: {  	s28 =	simm.s32 $_size_execute0_lowered;
	s4 =	sadd.s32 s4, s6;
	[dreg:$0x0] =	wrdreg $0x0  }
0xb7: {  	s6 =	sshll.u32 s28, $0x1;
	[dreg:$0x2] =	wrdreg s4  }
0xb8: {  	[dreg:$0x3] =	wrdreg s6  }
0xb9: {  	[dreg:$0x4] =	wrdreg $0xC0  }
0xba: {  	_ =	task [dreg:s22], $0x5FFFF  }
0xbb: {  	[dreg:$0x1] =	wrdreg $0xFFFFFFFF  }
0xbc: {  	[dreg:$0x0] =	wrdreg $0x60  }
0xbd: {  	[dreg:$0x2] =	wrdreg s24  }
0xbe: {  	[dreg:$0x3] =	wrdreg s18  }
0xbf: {  	[dreg:$0x4] =	wrdreg $0xCB000  }
0xc0: {  	[dreg:$0x5] =	wrdreg $0x9  }
0xc1: {  	_ =	task.clear_ibuf [dreg:s22], $0x6FFFF;
	_ =	strace $0x90000049  }
0xc2: {  	s29 =	simm.s32 $0x9;
	_ =	strace $0x8000004B  }
0xc3: {  	_ =	swait.ge [sflag:s29], $0x1  }
0xc4: {  	[sflag:s29] =	ssyncadd.s32 $0xFFFFFFFF  }
0xc5: {  	_ =	strace $0x9000004B  }
0xc6: {  	_ =	sfence  }
0xc7: {  	s30 =	sld [smem:$0x0];
	_ =	sdelay $0x2  }
0xc8: {  	s31 =	sshll.u32 s1, $0xD;
	s1 =	sshrl.u32 s1, $0x2  }
0xc9: {  	s4 =	sand.u32 $0x4000, s31;
	s1 =	sadd.s32 s1, s30  }
0xca: {  	s0 =	sor.u32 s4, s0;
	s1 =	sshll.u32 s1, $0x11  }
0xcb: {  	s0 =	sor.u32 s1, s0  }
0xcc: {  	s0 =	sadd.s32 $0x8F2B, s0  }
0xcd: {  	[sflag:s0] =	ssyncadd.remote.s32 $0x1  }
0xce: {  	_ =	sfence.sel $0xFFFF  }
0xcf: {  	[dreg:$0x0] =	wrdreg $0xFFFFFFFF;
	(pc) =	sbr.abs _section_cstart, $3  }
0xd0: {  	[dreg:$0x1] =	wrdreg $0xFFFFFFFF  }
0xd1: {  	_ =	task.clear_ibuf [dreg:s22], $0x2FFFF;
	_ =	strace $0x9FFFFFFF  }
0xd2: {  	(tm) =	ssettm $0x7FFFFFFF  }
0xd3: {  	_ =	shalt  }
tec
execute0_lowered:
.L_overlay_start_1:
0x0: {  	(tag) =	ssettag $0x1  }
0x1: {  	s0 =	rddreg [dreg:$0x0]  }
0x2: {  	s3 =	rddreg [dreg:$0x1]  }
0x3: {  	s1 =	rddreg [dreg:$0x2];
	s2 =	simm.s32 $0x0;
	s4 =	srdreg.scid  }
0x4: {  	s9 =	stileid.u32;
	s15 =	simm.s32 $0x9;
	s17 =	simm.s32 $0x7D  }
0x5: {  	s19 =	simm.s32 $0x6D40;
	s21 =	simm.s32 $0x8C80;
	s28 =	simm.s32 $0x3  }
0x6: {  	s29 =	simm.s32 $0x4;
	s30 =	simm.s32 $0x5;
	s6 =	smul.u32 $0x13C00, s9  }
0x7: {  	s31 =	simm.s32 $0x6;
	s16 =	simm.s32 $0x8;
	s23 =	smul.u32 $0x4E0, s9  }
0x8: {  	s20 =	simm.s32 $0x0;
	s4 =	sand.u32 $0x1, s4;
	s24 =	smul.u32 $0x27800, s9  }
0x9: {  	[smem:$0x7FF] =	sst s2;
	s5 =	smul.u32 $0x104000, s4;
	s8 =	sshll.u32 s4, $0x6  }
0xa: {  	_ =	strace $0x8000004A;
	s4 =	ssub.s32 $0x2, s4;
	s6 =	sor.u32 s8, s6  }
0xb: {  	s25 =	sadd.s32 s23, s0;
	s10 =	sshrl.u32 s4, $0x1;
	s26 =	sshrl.u32 s24, $0x2  }
0xc: {  	s3 =	sadd.s32 s3, s23;
	s23 =	simm.s32 $0xABC0;
	s24 =	simm.s32 $0x4E00  }
0xd: {  	s7 =	sadd.s32 s5, s0;
	s6 =	sshrl.u32 s6, $0x3;
	s14 =	ssub.s32 s4, s10  }
0xe: {  	[dreg:$0x4] =	wrdreg s3;
	s5 =	sadd.s32 $0x443000, s25;
	s25 =	simm.s32 $0x1  }
0xf: {  	s0 =	sadd.s32 s6, s0;
	s6 =	sadd.s32 s26, s1;
	s7 =	sadd.s32 $0x23B000, s7  }
0x10: {  	s14 =	smax.u32 s14, $0x1;
	s26 =	simm.s32 $0x2;
	s8 =	sadd.s32 $0x1F40, s6  }
0x11: {  	s9 =	sadd.s32 $0x3E80, s6;
	s10 =	sadd.s32 $0x5DC0, s6;
	s11 =	sadd.s32 $0x7D00, s6  }
0x12: {  	v0 =	vimm.f32 $0.0e+00;
	s12 =	sadd.s32 $0x9C40, s6;
	s13 =	sadd.s32 $0x447E00, s0;
	s0 =	simm.s32 $0x7  }
.LBB2_1:
0x13: {  	s3 =	rddreg [dreg:$0x4]  }
0x14: {  	[tilespmem:s2], [sflag:$0x9] =	stream.linear.gather [hbm4b:s3+s2], $0x2700, $0x38;
	[tilespmem:$0x16900] =	vst v63  }
0x15: {  	_ =	swait.ge [sflag:s15], $0x2700  }
0x16: {  	[sflag:s15] =	ssyncset.done $0x0  }
0x17: {  	s18 =	simm.s32 $0x2700;
	[sflag:s15] =	ssyncadd.s32 $0xFFFFD900  }
0x18: {  	[tilespmem:s18], [sflag:$0x9] =	stream.linear.gather [hbm4b:s5+s2], $0x2700, $0x38;
	[tilespmem:$0x16900] =	vst v63  }
0x19: {  	_ =	swait.ge [sflag:s15], $0x2700  }
0x1a: {  	[sflag:s15] =	ssyncset.done $0x0  }
0x1b: {  	s22 =	simm.s32 $0x80;
	[sflag:s15] =	ssyncadd.s32 $0xFFFFD900  }
0x1c: {  	[tilespmem:s19], [sflag:$0x2] =	stream.indirect.gather [hbm4b:s7+s17], $0x40, s22, s17, $0xb8;
	[tilespmem:$0x16900] =	vst v63  }
0x1d: {  	s4 =	simm.s32 $0x100  }
0x1e: {  	[tilespmem:s21], [sflag:$0x3] =	stream.indirect.gather [hbm4b:s7+s17], $0x40, s4, s17, $0xb8;
	[tilespmem:$0x16900] =	vst v63  }
0x1f: {  	s18 =	simm.s32 $0x180;
	s22 =	sand.u32 $0x7F00, s2  }
0x20: {  	[tilespmem:s23], [sflag:$0x4] =	stream.indirect.gather [hbm4b:s7+s17], $0x40, s18, s17, $0xb8;
	[tilespmem:$0x16900] =	vst v63  }
0x21: {  	s22 =	sshrl.u32 s22, $0x2;
	s18 =	sand.u32 $0x30, s2  }
0x22: {  	s3 =	simm.s32 $0x40;
	s18 =	sor.u32 s18, s22;
	s22 =	simm.s32 $0x0  }
.LBB2_2:
0x23: {  	p0 =	sne.s32 s3, $0x7CC0  }
0x24: {  	[tilespmem:s18+$0x4E00] =	vst v0;
	s22 =	sadd.s32 $0x10, s22;
	s18 =	smov.u32 s3;
	s3 =	sadd.s32 $0x40, s3  }
.Ltmp0:
0x25: {  	(pc) =	sbr.rel @p0 .LBB2_2-.Ltmp0, $4  }
0x26: {  	_ = 	snop  }
0x27: {  	s18 =	sand.u32 $0x7F00, s18  }
0x28: {  	s4 =	sand.u32 $0x30, s22;
	s18 =	sshrl.u32 s18, $0x2  }
0x29: {  	s18 =	sor.u32 s4, s18  }
0x2a: {  	[tilespmem:s18+$0x4E00] =	vst v0  }
0x2b: {  	[spmem:s6] =	stream.linear.scatter [tilespmem:s24], [sflag:$0x9], $0x1F40, $0x38;
	[tilespmem:$0x16900] =	vst v63  }
0x2c: {  	_ =	swait.ge [sflag:s15], $0x1F40  }
0x2d: {  	[sflag:s15] =	ssyncset.done $0x0  }
0x2e: {  	[sflag:s15] =	ssyncadd.s32 $0xFFFFE0C0  }
0x2f: {  	[spmem:s8] =	stream.linear.scatter [tilespmem:s24], [sflag:$0x9], $0x1F40, $0x38;
	[tilespmem:$0x16900] =	vst v63  }
0x30: {  	_ =	swait.ge [sflag:s15], $0x1F40  }
0x31: {  	[sflag:s15] =	ssyncset.done $0x0  }
0x32: {  	[sflag:s15] =	ssyncadd.s32 $0xFFFFE0C0  }
0x33: {  	[spmem:s9] =	stream.linear.scatter [tilespmem:s24], [sflag:$0x9], $0x1F40, $0x38;
	[tilespmem:$0x16900] =	vst v63  }
0x34: {  	_ =	swait.ge [sflag:s15], $0x1F40  }
0x35: {  	[sflag:s15] =	ssyncset.done $0x0  }
0x36: {  	[sflag:s15] =	ssyncadd.s32 $0xFFFFE0C0  }
0x37: {  	[spmem:s10] =	stream.linear.scatter [tilespmem:s24], [sflag:$0x9], $0x1F40, $0x38;
	[tilespmem:$0x16900] =	vst v63  }
0x38: {  	_ =	swait.ge [sflag:s15], $0x1F40  }
0x39: {  	[sflag:s15] =	ssyncset.done $0x0  }
0x3a: {  	[sflag:s15] =	ssyncadd.s32 $0xFFFFE0C0  }
0x3b: {  	[spmem:s11] =	stream.linear.scatter [tilespmem:s24], [sflag:$0x9], $0x1F40, $0x38;
	[tilespmem:$0x16900] =	vst v63  }
0x3c: {  	_ =	swait.ge [sflag:s15], $0x1F40  }
0x3d: {  	[sflag:s15] =	ssyncset.done $0x0  }
0x3e: {  	[sflag:s15] =	ssyncadd.s32 $0xFFFFE0C0  }
0x3f: {  	[spmem:s12] =	stream.linear.scatter [tilespmem:s24], [sflag:$0x9], $0x1C0, $0x38;
	[tilespmem:$0x16900] =	vst v63  }
0x40: {  	_ =	swait.ge [sflag:s15], $0x1C0  }
0x41: {  	[sflag:s15] =	ssyncset.done $0x0  }
0x42: {  	[sflag:s15] =	ssyncadd.s32 $0xFFFFFE40  }
0x43: {  	s3 =	simm.s32 $0x0;
	[bflag:$0x0] =	sbarrier.arrive $0xFFFF  }
0x44: {  	[tilespmem:s24], [sflag:$0x1] =	stream.indirect.gather [hbm4b:s7+s17], $0x40, s3, s17, $0xb8;
	[tilespmem:$0x16900] =	vst v63  }
0x45: {  	_ =	swait.ge [sflag:s25], $0x1F40  }
0x46: {  	[sflag:s25] =	ssyncset.done $0x0  }
0x47: {  	s22 =	simm.s32 $0x2700;
	[sflag:s25] =	ssyncadd.s32 $0xFFFFE0C0  }
0x48: {  	[spmem:s1] =	stream.indirect.scatter.add.f32 [tilespmem:s24], [sflag:$0x5], $0x40, s22, s17, $0xb8;
	[tilespmem:$0x16900] =	vst v63  }
0x49: {  	_ =	swait.ge [sflag:s26], $0x1F40  }
0x4a: {  	[sflag:s26] =	ssyncset.done $0x0  }
0x4b: {  	s4 =	simm.s32 $0x2780;
	[sflag:s26] =	ssyncadd.s32 $0xFFFFE0C0  }
0x4c: {  	[spmem:s1] =	stream.indirect.scatter.add.f32 [tilespmem:s19], [sflag:$0x6], $0x40, s4, s17, $0xb8;
	[tilespmem:$0x16900] =	vst v63  }
0x4d: {  	_ =	swait.ge [sflag:s28], $0x1F40  }
0x4e: {  	[sflag:s28] =	ssyncset.done $0x0  }
0x4f: {  	s18 =	simm.s32 $0x2800;
	[sflag:s28] =	ssyncadd.s32 $0xFFFFE0C0  }
0x50: {  	[spmem:s1] =	stream.indirect.scatter.add.f32 [tilespmem:s21], [sflag:$0x7], $0x40, s18, s17, $0xb8;
	[tilespmem:$0x16900] =	vst v63  }
0x51: {  	_ =	swait.ge [sflag:s29], $0x1F40  }
0x52: {  	[sflag:s29] =	ssyncset.done $0x0  }
0x53: {  	s22 =	simm.s32 $0x2880;
	[sflag:s29] =	ssyncadd.s32 $0xFFFFE0C0  }
0x54: {  	[spmem:s1] =	stream.indirect.scatter.add.f32 [tilespmem:s23], [sflag:$0x8], $0x40, s22, s17, $0xb8;
	[tilespmem:$0x16900] =	vst v63  }
0x55: {  	_ =	swait.ge [sflag:s30], $0x1F40  }
0x56: {  	[sflag:s30] =	ssyncset.done $0x0  }
0x57: {  	s4 =	simm.s32 $0x200;
	[sflag:s30] =	ssyncadd.s32 $0xFFFFE0C0  }
0x58: {  	[tilespmem:s24], [sflag:$0x1] =	stream.indirect.gather [hbm4b:s7+s17], $0x40, s4, s17, $0xb8;
	[tilespmem:$0x16900] =	vst v63  }
0x59: {  	_ =	swait.ge [sflag:s31], $0x1F40  }
0x5a: {  	[sflag:s31] =	ssyncset.done $0x0  }
0x5b: {  	s18 =	simm.s32 $0x280;
	[sflag:s31] =	ssyncadd.s32 $0xFFFFE0C0  }
0x5c: {  	[tilespmem:s19], [sflag:$0x2] =	stream.indirect.gather [hbm4b:s7+s17], $0x40, s18, s17, $0xb8;
	[tilespmem:$0x16900] =	vst v63  }
0x5d: {  	_ =	swait.ge [sflag:s0], $0x1F40  }
0x5e: {  	[sflag:s0] =	ssyncset.done $0x0  }
0x5f: {  	s22 =	simm.s32 $0x300;
	[sflag:s0] =	ssyncadd.s32 $0xFFFFE0C0  }
0x60: {  	[tilespmem:s21], [sflag:$0x3] =	stream.indirect.gather [hbm4b:s7+s17], $0x40, s22, s17, $0xb8;
	[tilespmem:$0x16900] =	vst v63  }
0x61: {  	_ =	swait.ge [sflag:s16], $0x1F40  }
0x62: {  	[sflag:s16] =	ssyncset.done $0x0  }
0x63: {  	s3 =	simm.s32 $0x800;
	s18 =	simm.s32 $0x380;
	[sflag:s16] =	ssyncadd.s32 $0xFFFFE0C0  }
.LBB2_4:
0x64: {  	[tilespmem:s23], [sflag:$0x4] =	stream.indirect.gather [hbm4b:s7+s17], $0x40, s18, s17, $0xb8;
	[tilespmem:$0x16900] =	vst v63  }
0x65: {  	s4 =	smov.u32 s3  }
0x66: {  	p0 =	sne.s32 s3, $0x8800;
	s3 =	sadd.s32 $0x800, s3;
	_ =	swait.ge [sflag:s25], $0x1F40  }
0x67: {  	s22 =	sshra.s32 s4, $0x2;
	[sflag:s25] =	ssyncset.done $0x0  }
0x68: {  	s4 =	sadd.s32 $0x2700, s22;
	[sflag:s25] =	ssyncadd.s32 $0xFFFFE0C0  }
0x69: {  	[spmem:s1] =	stream.indirect.scatter.add.f32 [tilespmem:s24], [sflag:$0x5], $0x40, s4, s17, $0xb8;
	[tilespmem:$0x16900] =	vst v63  }
0x6a: {  	_ =	swait.ge [sflag:s26], $0x1F40  }
0x6b: {  	[sflag:s26] =	ssyncset.done $0x0  }
0x6c: {  	s4 =	sadd.s32 $0x2780, s22;
	[sflag:s26] =	ssyncadd.s32 $0xFFFFE0C0  }
0x6d: {  	[spmem:s1] =	stream.indirect.scatter.add.f32 [tilespmem:s19], [sflag:$0x6], $0x40, s4, s17, $0xb8;
	[tilespmem:$0x16900] =	vst v63  }
0x6e: {  	_ =	swait.ge [sflag:s28], $0x1F40  }
0x6f: {  	[sflag:s28] =	ssyncset.done $0x0  }
0x70: {  	s4 =	sadd.s32 $0x2800, s22;
	[sflag:s28] =	ssyncadd.s32 $0xFFFFE0C0  }
0x71: {  	[spmem:s1] =	stream.indirect.scatter.add.f32 [tilespmem:s21], [sflag:$0x7], $0x40, s4, s17, $0xb8;
	[tilespmem:$0x16900] =	vst v63  }
0x72: {  	_ =	swait.ge [sflag:s29], $0x1F40  }
0x73: {  	[sflag:s29] =	ssyncset.done $0x0  }
0x74: {  	s4 =	sadd.s32 $0x2880, s22;
	[sflag:s29] =	ssyncadd.s32 $0xFFFFE0C0  }
0x75: {  	[spmem:s1] =	stream.indirect.scatter.add.f32 [tilespmem:s23], [sflag:$0x8], $0x40, s4, s17, $0xb8;
	[tilespmem:$0x16900] =	vst v63  }
0x76: {  	_ =	swait.ge [sflag:s30], $0x1F40  }
0x77: {  	[sflag:s30] =	ssyncset.done $0x0  }
0x78: {  	s4 =	sadd.s32 $0x200, s22;
	[sflag:s30] =	ssyncadd.s32 $0xFFFFE0C0  }
0x79: {  	[tilespmem:s24], [sflag:$0x1] =	stream.indirect.gather [hbm4b:s7+s17], $0x40, s4, s17, $0xb8;
	[tilespmem:$0x16900] =	vst v63  }
0x7a: {  	_ =	swait.ge [sflag:s31], $0x1F40  }
0x7b: {  	[sflag:s31] =	ssyncset.done $0x0  }
0x7c: {  	s4 =	sadd.s32 $0x280, s22;
	[sflag:s31] =	ssyncadd.s32 $0xFFFFE0C0  }
0x7d: {  	[tilespmem:s19], [sflag:$0x2] =	stream.indirect.gather [hbm4b:s7+s17], $0x40, s4, s17, $0xb8;
	[tilespmem:$0x16900] =	vst v63  }
0x7e: {  	_ =	swait.ge [sflag:s0], $0x1F40  }
0x7f: {  	[sflag:s0] =	ssyncset.done $0x0  }
.Ltmp1:
0x80: {  	s4 =	sadd.s32 $0x300, s22;
	[sflag:s0] =	ssyncadd.s32 $0xFFFFE0C0;
	(pc) =	sbr.rel @p0 .LBB2_4-.Ltmp1, $4  }
0x81: {  	[tilespmem:s21], [sflag:$0x3] =	stream.indirect.gather [hbm4b:s7+s17], $0x40, s4, s17, $0xb8;
	[tilespmem:$0x16900] =	vst v63  }
0x82: {  	_ =	swait.ge [sflag:s16], $0x1F40  }
0x83: {  	[sflag:s16] =	ssyncset.done $0x0  }
0x84: {  	s18 =	sadd.s32 $0x380, s22;
	[sflag:s16] =	ssyncadd.s32 $0xFFFFE0C0  }
0x85: {  	[tilespmem:s23], [sflag:$0x4] =	stream.indirect.gather [hbm4b:s7+s17], $0x40, s18, s17, $0xb8;
	[tilespmem:$0x16900] =	vst v63  }
0x86: {  	_ =	swait.ge [sflag:s25], $0x1F40  }
0x87: {  	[sflag:s25] =	ssyncset.done $0x0  }
0x88: {  	s3 =	simm.s32 $0x4B00;
	[sflag:s25] =	ssyncadd.s32 $0xFFFFE0C0  }
0x89: {  	[spmem:s1] =	stream.indirect.scatter.add.f32 [tilespmem:s24], [sflag:$0x5], $0x40, s3, s17, $0xb8;
	[tilespmem:$0x16900] =	vst v63  }
0x8a: {  	_ =	swait.ge [sflag:s26], $0x1F40  }
0x8b: {  	[sflag:s26] =	ssyncset.done $0x0  }
0x8c: {  	s4 =	simm.s32 $0x4B80;
	[sflag:s26] =	ssyncadd.s32 $0xFFFFE0C0  }
0x8d: {  	[spmem:s1] =	stream.indirect.scatter.add.f32 [tilespmem:s19], [sflag:$0x6], $0x40, s4, s17, $0xb8;
	[tilespmem:$0x16900] =	vst v63  }
0x8e: {  	_ =	swait.ge [sflag:s28], $0x1F40  }
0x8f: {  	[sflag:s28] =	ssyncset.done $0x0  }
0x90: {  	s18 =	simm.s32 $0x4C00;
	[sflag:s28] =	ssyncadd.s32 $0xFFFFE0C0  }
0x91: {  	[spmem:s1] =	stream.indirect.scatter.add.f32 [tilespmem:s21], [sflag:$0x7], $0x40, s18, s17, $0xb8;
	[tilespmem:$0x16900] =	vst v63  }
0x92: {  	_ =	swait.ge [sflag:s29], $0x1F40  }
0x93: {  	[sflag:s29] =	ssyncset.done $0x0  }
0x94: {  	s22 =	simm.s32 $0x4C80;
	[sflag:s29] =	ssyncadd.s32 $0xFFFFE0C0  }
0x95: {  	[spmem:s1] =	stream.indirect.scatter.add.f32 [tilespmem:s23], [sflag:$0x8], $0x40, s22, s17, $0xb8;
	[tilespmem:$0x16900] =	vst v63  }
0x96: {  	_ =	swait.ge [sflag:s30], $0x1F40  }
0x97: {  	[sflag:s30] =	ssyncset.done $0x0  }
0x98: {  	s4 =	simm.s32 $0x2600;
	[sflag:s30] =	ssyncadd.s32 $0xFFFFE0C0  }
0x99: {  	[tilespmem:s24], [sflag:$0x1] =	stream.indirect.gather [hbm4b:s7+s17], $0x40, s4, s17, $0xb8;
	[tilespmem:$0x16900] =	vst v63  }
0x9a: {  	_ =	swait.ge [sflag:s31], $0x1F40  }
0x9b: {  	[sflag:s31] =	ssyncset.done $0x0  }
0x9c: {  	s18 =	simm.s32 $0x2680;
	[sflag:s31] =	ssyncadd.s32 $0xFFFFE0C0  }
0x9d: {  	[tilespmem:s19], [sflag:$0x2] =	stream.indirect.gather [hbm4b:s7+s17], $0x40, s18, s17, $0xb8;
	[tilespmem:$0x16900] =	vst v63  }
0x9e: {  	_ =	swait.ge [sflag:s0], $0x1F40  }
0x9f: {  	[sflag:s0] =	ssyncset.done $0x0  }
0xa0: {  	[sflag:s0] =	ssyncadd.s32 $0xFFFFE0C0  }
0xa1: {  	_ =	swait.ge [sflag:s16], $0x1F40  }
0xa2: {  	[sflag:s16] =	ssyncset.done $0x0  }
0xa3: {  	[sflag:s16] =	ssyncadd.s32 $0xFFFFE0C0  }
0xa4: {  	_ =	swait.ge [sflag:s25], $0x1F40  }
0xa5: {  	[sflag:s25] =	ssyncset.done $0x0  }
0xa6: {  	s22 =	simm.s32 $0x4D00;
	[sflag:s25] =	ssyncadd.s32 $0xFFFFE0C0  }
0xa7: {  	[spmem:s1] =	stream.indirect.scatter.add.f32 [tilespmem:s24], [sflag:$0x5], $0x40, s22, s17, $0xb8;
	[tilespmem:$0x16900] =	vst v63  }
0xa8: {  	_ =	swait.ge [sflag:s26], $0x1F40  }
0xa9: {  	[sflag:s26] =	ssyncset.done $0x0  }
0xaa: {  	s4 =	simm.s32 $0x4D80;
	[sflag:s26] =	ssyncadd.s32 $0xFFFFE0C0  }
0xab: {  	[spmem:s1] =	stream.indirect.scatter.add.f32 [tilespmem:s19], [sflag:$0x6], $0x40, s4, s17, $0xb8;
	[tilespmem:$0x16900] =	vst v63  }
0xac: {  	_ =	swait.ge [sflag:s30], $0x1F40  }
0xad: {  	[sflag:s30] =	ssyncset.done $0x0  }
0xae: {  	[sflag:s30] =	ssyncadd.s32 $0xFFFFE0C0  }
0xaf: {  	s20 =	sadd.s32 $0x1, s20;
	s18 =	stileid.u32;
	_ =	swait.ge [sflag:s31], $0x1F40  }
0xb0: {  	p0 =	sne.s32 s20, s14;
	s3 =	sshll.u32 s18, $0x6;
	[sflag:s31] =	ssyncset.done $0x0  }
0xb1: {  	s3 =	sor.u32 $0x1C09, s3;
	s22 =	simm.s32 $0x10;
	[sflag:s31] =	ssyncadd.s32 $0xFFFFE0C0  }
.Ltmp2:
0xb2: {  	s4 =	sshrl.u32 s6, $0x3;
	[bflag:$0x0] =	sbarrier.arrive $0xFFFF;
	(pc) =	sbr.rel @p0 .LBB2_1-.Ltmp2, $4  }
0xb3: {  	[hbm:s13@s22], [sflag:s3] =	dma.strided [spmem:s4@s16], $0x13C0, s25, $0x8   }
0xb4: {  	_ =	swait.ge [sflag:s15], $0x13C0  }
0xb5: {  	[sflag:s15] =	ssyncset.done $0x0  }
0xb6: {  	[sflag:s15] =	ssyncadd.s32 $0xFFFFEC40  }
0xb7: {  	_ =	sfence.sel $0x180000  }
0xb8: {  	[bflag:$0x0] =	sbarrier.arrive $0xFFFF  }
0xb9: {  	_ =	strace $0x9000004A  }
0xba: {  	s0 =	stileid.u32;
	[bflag:$0x2] =	sbarrier.arrive $0xFFFF  }
0xbb: {  	p0 =	sne.s32 s0, $0x0;
	s0 =	rddreg [dreg:$0x3]  }
0xbc: {  	s0 =	sadd.s32 @!p0 $0x100000, s0  }
0xbd: {  	[sflag:s0] =	ssyncadd.tile.s32 @!p0 $0x1;
	_ =	shalt  }
.Lfunc_end2:
_tile_overlayer_lowered:
.L_overlay_start_2:
0xbe: {  	(tag) =	ssettag $0x2  }
0xbf: {  	s0 =	rddreg [dreg:$0x0];
	s2 =	stileid.u32  }
0xc0: {  	s1 =	rddreg [dreg:$0x1];
	p0 =	sne.s32 s2, $0x0  }
0xc1: {  	s3 =	rddreg [dreg:$0x2];
	[bflag:$0x3] =	sbarrier.arrive $0xFFFF;
	s2 =	simm.s32 @!p0 $0x1C09  }
0xc2: {  	[timem:s3], [sflag:s2] =	dma.local @!p0 [hbm:s0], s1  }
0xc3: {  	s0 =	simm.s32 @!p0 $0x9  }
0xc4: {  	_ =	swait.ge @!p0 [sflag:s0], s1  }
0xc5: {  	s1 =	ssub.s32 @!p0 $0x0, s1;
	[sflag:s0] =	ssyncset.done @!p0 $0x0  }
0xc6: {  	[sflag:s0] =	ssyncadd.s32 @!p0 s1  }
0xc7: {  	[bflag:$0x3] =	sbarrier.arrive $0xFFFF  }
0xc8: {  	_ =	shalt  }

</sc_bundles>
